<compile_context>
chip_gen: v7x
topology: tpu7x:2x2x1
jax: 0.10.2.dev20260603
libtpu: 0.0.44.dev20260713+nightly
codegen_flags: <defaults>
</compile_context>

<pallas_src>
import functools

import jax
import jax.numpy as jnp
from jax import lax
from jax.experimental import pallas as pl
from jax.experimental.pallas import tpu as pltpu
from jax.experimental.pallas import tpu_sc as plsc

N = 10000
E = 320000
D_IN = 128
HID = 512
NPAD = 10240
NC = 2
NS = 16
NT = NC * NS
CHUNK = 128
K = 80
KM = 78
MAIN = KM * CHUNK
TAIL = 16
EMAIN = NT * MAIN
ROWB = 1024
NBLK = NPAD // ROWB
TILE_ROWS = NPAD // NS
_RB_SHIFT = ROWB.bit_length() - 1

_mesh = plsc.VectorSubcoreMesh(core_axis_name="c", subcore_axis_name="s")
_sc_params = pltpu.CompilerParams(needs_layout_passes=False)


def _fill_flat_idx(edge_hbm, row, wid, buf):
    tbase = wid * MAIN
    pltpu.sync_copy(edge_hbm.at[row, pl.ds(tbase, MAIN)],
                    buf.at[pl.ds(0, MAIN)])
    pltpu.sync_copy(edge_hbm.at[row, pl.ds(EMAIN + wid * TAIL, TAIL)],
                    buf.at[pl.ds(MAIN, TAIL)])
    lanes = lax.iota(jnp.int32, 16)
    for i in range((NPAD - N) // 16):
        buf[pl.ds(N + 16 * i, 16)] = N + 16 * i + lanes


@functools.partial(
    pl.kernel,
    out_type=jax.ShapeDtypeStruct((NT, NPAD), jnp.float32),
    mesh=_mesh,
    compiler_params=_sc_params,
    scratch_types=[
        pltpu.VMEM((NPAD,), jnp.float32),
        pltpu.VMEM((NPAD,), jnp.int32),
    ],
)
def _sc_degree(edge_hbm, out_hbm, hist, dall):
    cid = lax.axis_index("c")
    sid = lax.axis_index("s")
    wid = cid * NS + sid
    zeros16 = jnp.zeros((16,), jnp.float32)
    ones16 = jnp.ones((16,), jnp.float32)
    _fill_flat_idx(edge_hbm, 1, wid, dall)

    def zero_body(i, _):
        for u in range(4):
            hist[pl.ds(i * 64 + u * 16, 16)] = zeros16
        return 0

    lax.fori_loop(0, NPAD // 64, zero_body, 0)

    def vec_body(i, _):
        for u in range(4):
            idx = dall[pl.ds(i * 64 + u * 16, 16)]
            plsc.addupdate_scatter(hist, [idx], ones16)
        return 0

    lax.fori_loop(0, NPAD // 64, vec_body, 0)
    pltpu.sync_copy(hist, out_hbm.at[wid])


@functools.partial(
    pl.kernel,
    out_type=jax.ShapeDtypeStruct((NC, NPAD, D_IN), jnp.float32),
    mesh=_mesh,
    compiler_params=_sc_params,
    scratch_types=[
        pltpu.VMEM_SHARED((NPAD, D_IN), jnp.float32),
        pltpu.VMEM((CHUNK, D_IN), jnp.float32),
        pltpu.VMEM((CHUNK, D_IN), jnp.float32),
        pltpu.VMEM((4, CHUNK), jnp.int32),
        pltpu.VMEM((K, CHUNK), jnp.int32),
        pltpu.VMEM((2, CHUNK), jnp.int32),
        pltpu.SemaphoreType.DMA,
        pltpu.SemaphoreType.DMA,
        pltpu.SemaphoreType.DMA,
        pltpu.SemaphoreType.DMA,
        pltpu.SemaphoreType.DMA,
        pltpu.SemaphoreType.DMA,
        pltpu.SemaphoreType.DMA,
        pltpu.SemaphoreType.DMA,
        pltpu.SemaphoreType.DMA,
    ],
)
def _sc_seg128(edge_hbm, a_hbm, out_hbm, acc, rows0, rows1, sring, dall,
               stail, gs0, gs1, ss0, ss1, is0, is1, is2, is3, ds0):
    cid = lax.axis_index("c")
    sid = lax.axis_index("s")
    wid = cid * NS + sid
    tbase = wid * MAIN
    zeros16 = jnp.zeros((16,), jnp.float32)
    lanes = lax.iota(jnp.int32, 16)

    def dfill_start(j, _):
        pltpu.async_copy(edge_hbm.at[1, pl.ds(tbase + j * CHUNK, CHUNK)],
                         dall.at[j], ds0)
        return 0

    def dfill_wait(j, _):
        pltpu.make_async_copy(edge_hbm.at[1, pl.ds(tbase + j * CHUNK, CHUNK)],
                              dall.at[j], ds0).wait()
        return 0

    lax.fori_loop(0, KM, dfill_start, 0)
    pltpu.sync_copy(edge_hbm.at[1, pl.ds(EMAIN + wid * TAIL, TAIL)],
                    dall.at[KM, pl.ds(0, TAIL)])
    pltpu.sync_copy(edge_hbm.at[0, pl.ds(EMAIN + wid * TAIL, TAIL)],
                    stail.at[0, pl.ds(0, TAIL)])
    for i in range(7):
        dall[KM, pl.ds(TAIL + 16 * i, 16)] = N + 16 * i + lanes
        stail[0, pl.ds(TAIL + 16 * i, 16)] = N + 16 * i + lanes
    for i in range(8):
        dall[KM + 1, pl.ds(16 * i, 16)] = N + 112 + 16 * i + lanes
        stail[1, pl.ds(16 * i, 16)] = N + 112 + 16 * i + lanes
    lax.fori_loop(0, KM, dfill_wait, 0)

    def zero_rows(r, _):
        for col in range(D_IN // 16):
            rows0[r, pl.ds(col * 16, 16)] = zeros16
        return 0

    lax.fori_loop(0, CHUNK, zero_rows, 0)
    base = sid * TILE_ROWS
    for k in range(TILE_ROWS // CHUNK):
        pltpu.sync_copy(rows0, acc.at[pl.ds(base + k * CHUNK, CHUNK)])
    plsc.subcore_barrier()

    isems = [is0, is1, is2, is3]

    def idx_start(jj, slot):
        pltpu.async_copy(edge_hbm.at[0, pl.ds(tbase + jj * CHUNK, CHUNK)],
                         sring.at[slot], isems[slot])

    def idx_wait(jj, slot):
        pltpu.make_async_copy(
            edge_hbm.at[0, pl.ds(tbase + jj * CHUNK, CHUNK)],
            sring.at[slot], isems[slot]).wait()

    def gat_start(slot, rows, gsem):
        pltpu.async_copy(a_hbm.at[sring.at[slot]], rows, gsem)

    def gat_wait(slot, rows, gsem):
        pltpu.make_async_copy(a_hbm.at[sring.at[slot]], rows, gsem).wait()

    def sca_start(jj, rows, ssem):
        pltpu.async_copy(rows, acc.at[dall.at[jj]], ssem, add=True)

    def sca_wait(jj, rows, ssem):
        pltpu.make_async_copy(rows, acc.at[dall.at[jj]], ssem).wait()

    pltpu.sync_copy(edge_hbm.at[0, pl.ds(tbase, CHUNK)], sring.at[0])
    pltpu.sync_copy(edge_hbm.at[0, pl.ds(tbase + CHUNK, CHUNK)], sring.at[1])
    gat_start(0, rows0, gs0)
    gat_start(1, rows1, gs1)
    idx_start(2, 2)
    idx_start(3, 3)

    def pipe_body(it, _):
        j = 4 * it
        gat_wait(0, rows0, gs0)
        idx_start(j + 4, 0)
        sca_start(j, rows0, ss0)
        gat_wait(1, rows1, gs1)
        idx_start(j + 5, 1)
        sca_start(j + 1, rows1, ss1)
        sca_wait(j, rows0, ss0)
        idx_wait(j + 2, 2)
        gat_start(2, rows0, gs0)
        sca_wait(j + 1, rows1, ss1)
        idx_wait(j + 3, 3)
        gat_start(3, rows1, gs1)
        gat_wait(2, rows0, gs0)
        idx_start(j + 6, 2)
        sca_start(j + 2, rows0, ss0)
        gat_wait(3, rows1, gs1)
        idx_start(j + 7, 3)
        sca_start(j + 3, rows1, ss1)
        sca_wait(j + 2, rows0, ss0)
        idx_wait(j + 4, 0)
        gat_start(0, rows0, gs0)
        sca_wait(j + 3, rows1, ss1)
        idx_wait(j + 5, 1)
        gat_start(1, rows1, gs1)
        return 0

    lax.fori_loop(0, (K - 4) // 4 - 1, pipe_body, 0)

    j = K - 8
    gat_wait(0, rows0, gs0)
    idx_start(j + 4, 0)
    sca_start(j, rows0, ss0)
    gat_wait(1, rows1, gs1)
    idx_start(j + 5, 1)
    sca_start(j + 1, rows1, ss1)
    sca_wait(j, rows0, ss0)
    idx_wait(j + 2, 2)
    gat_start(2, rows0, gs0)
    sca_wait(j + 1, rows1, ss1)
    idx_wait(j + 3, 3)
    gat_start(3, rows1, gs1)
    gat_wait(2, rows0, gs0)
    sca_start(j + 2, rows0, ss0)
    gat_wait(3, rows1, gs1)
    sca_start(j + 3, rows1, ss1)
    sca_wait(j + 2, rows0, ss0)
    idx_wait(j + 4, 0)
    gat_start(0, rows0, gs0)
    sca_wait(j + 3, rows1, ss1)
    idx_wait(j + 5, 1)
    gat_start(1, rows1, gs1)

    jl = K - 4
    gat_wait(0, rows0, gs0)
    sca_start(jl, rows0, ss0)
    gat_wait(1, rows1, gs1)
    sca_start(jl + 1, rows1, ss1)
    sca_wait(jl, rows0, ss0)
    pltpu.async_copy(a_hbm.at[stail.at[0]], rows0, gs0)
    sca_wait(jl + 1, rows1, ss1)
    pltpu.async_copy(a_hbm.at[stail.at[1]], rows1, gs1)
    pltpu.make_async_copy(a_hbm.at[stail.at[0]], rows0, gs0).wait()
    sca_start(jl + 2, rows0, ss0)
    pltpu.make_async_copy(a_hbm.at[stail.at[1]], rows1, gs1).wait()
    sca_start(jl + 3, rows1, ss1)
    sca_wait(jl + 2, rows0, ss0)
    sca_wait(jl + 3, rows1, ss1)

    plsc.subcore_barrier()
    pltpu.sync_copy(acc.at[pl.ds(base, TILE_ROWS)],
                    out_hbm.at[cid, pl.ds(base, TILE_ROWS)])


@functools.partial(
    pl.kernel,
    out_type=jax.ShapeDtypeStruct((NT, NPAD), jnp.float32),
    mesh=_mesh,
    compiler_params=_sc_params,
    scratch_types=[
        pltpu.VMEM((NBLK, ROWB // CHUNK, CHUNK), jnp.float32),
        pltpu.VMEM((NPAD,), jnp.float32),
        pltpu.VMEM((NPAD,), jnp.int32),
        pltpu.VMEM((NPAD,), jnp.int32),
    ],
)
def _sc_segscalar(edge_hbm, c_hbm, out_hbm, cloc, tloc, sall, dall):
    cid = lax.axis_index("c")
    sid = lax.axis_index("s")
    wid = cid * NS + sid
    zeros16 = jnp.zeros((16,), jnp.float32)
    _fill_flat_idx(edge_hbm, 0, wid, sall)
    _fill_flat_idx(edge_hbm, 1, wid, dall)
    pltpu.sync_copy(c_hbm, cloc)

    def zero_body(i, _):
        for u in range(4):
            tloc[pl.ds(i * 64 + u * 16, 16)] = zeros16
        return 0

    lax.fori_loop(0, NPAD // 64, zero_body, 0)

    def vec_body(i, _):
        for u in range(4):
            sidx = sall[pl.ds(i * 64 + u * 16, 16)]
            didx = dall[pl.ds(i * 64 + u * 16, 16)]
            v = plsc.load_gather(
                cloc, [lax.shift_right_logical(sidx, _RB_SHIFT),
                       lax.bitwise_and(lax.shift_right_logical(sidx, 7),
                                       ROWB // CHUNK - 1),
                       lax.bitwise_and(sidx, CHUNK - 1)])
            plsc.addupdate_scatter(tloc, [didx], v)
        return 0

    lax.fori_loop(0, NPAD // 64, vec_body, 0)
    pltpu.sync_copy(tloc, out_hbm.at[wid])


def _tc_prep_body(uy_ref, x_ref, degp_ref, a_ref, dinv_ref):
    deg = 1.0 + jnp.sum(degp_ref[...], axis=0)
    dinv = lax.rsqrt(deg)[:, None]
    latent = jnp.concatenate([uy_ref[...], x_ref[...]], axis=1)
    latent = jnp.concatenate(
        [latent, jnp.zeros((NPAD - N, D_IN), jnp.float32)], axis=0)
    a_ref[...] = latent * dinv
    dinv_ref[...] = dinv


def _tc_prep(u_Y, X, deg_parts):
    return pl.pallas_call(
        _tc_prep_body,
        out_shape=[
            jax.ShapeDtypeStruct((NPAD, D_IN), jnp.float32),
            jax.ShapeDtypeStruct((NPAD, 1), jnp.float32),
        ],
    )(u_Y, X, deg_parts)


def _tc_mlp_body(parts_ref, a_ref, dinv_ref, w1_ref, b1_ref, w2_ref,
                 c80_ref):
    i = pl.program_id(0)
    dinv = dinv_ref[...]
    z = (parts_ref[0] + parts_ref[1] + a_ref[...]) * dinv
    h = jnp.maximum(
        jnp.dot(z, w1_ref[...], preferred_element_type=jnp.float32)
        + b1_ref[...],
        0.0,
    )
    w2d = w2_ref[:, 0:1] - w2_ref[:, 1:2]
    c = jnp.dot(h, w2d, preferred_element_type=jnp.float32) * dinv
    row = i * ROWB + lax.broadcasted_iota(jnp.int32, (ROWB, 1), 0)
    c = jnp.where(row < N, c, 0.0)
    c80_ref[...] = c.reshape(1, ROWB // CHUNK, CHUNK)


def _tc_mlp(parts, a, dinv, w1, b1, w2):
    return pl.pallas_call(
        _tc_mlp_body,
        grid=(NBLK,),
        in_specs=[
            pl.BlockSpec((NC, ROWB, D_IN), lambda i: (0, i, 0)),
            pl.BlockSpec((ROWB, D_IN), lambda i: (i, 0)),
            pl.BlockSpec((ROWB, 1), lambda i: (i, 0)),
            pl.BlockSpec((D_IN, HID), lambda i: (0, 0)),
            pl.BlockSpec((1, HID), lambda i: (0, 0)),
            pl.BlockSpec((HID, 2), lambda i: (0, 0)),
        ],
        out_specs=pl.BlockSpec((1, ROWB // CHUNK, CHUNK),
                               lambda i: (i, 0, 0)),
        out_shape=jax.ShapeDtypeStruct((NBLK, ROWB // CHUNK, CHUNK),
                                       jnp.float32),
    )(parts, a, dinv, w1, b1, w2)


def _tc_finish_body(tp_ref, c80_ref, dinv_ref, b2_ref, out_ref):
    t = jnp.sum(tp_ref[...], axis=0).reshape(ROWB // CHUNK, CHUNK)
    dinv = dinv_ref[...].reshape(ROWB // CHUNK, CHUNK)
    delta = dinv * (t + c80_ref[0]) + (b2_ref[0, 0] - b2_ref[0, 1])
    pos = delta >= 0.0
    ez = jnp.exp(jnp.where(pos, -delta, delta))
    p0 = jnp.where(pos, 1.0 / (1.0 + ez), ez / (1.0 + ez))
    out_ref[...] = jnp.concatenate(
        [p0.reshape(ROWB, 1), (1.0 - p0).reshape(ROWB, 1)], axis=1)


def _tc_finish(t_parts, c80, dinv, b2):
    return pl.pallas_call(
        _tc_finish_body,
        grid=(NBLK,),
        in_specs=[
            pl.BlockSpec((NT, ROWB), lambda i: (0, i)),
            pl.BlockSpec((1, ROWB // CHUNK, CHUNK), lambda i: (i, 0, 0)),
            pl.BlockSpec((ROWB, 1), lambda i: (i, 0)),
            pl.BlockSpec((1, 2), lambda i: (0, 0)),
        ],
        out_specs=pl.BlockSpec((ROWB, 2), lambda i: (i, 0)),
        out_shape=jax.ShapeDtypeStruct((NPAD, 2), jnp.float32),
    )(t_parts, c80, dinv, b2)


@jax.jit
def kernel(edge_index, X, u_Y, W1, b1, W2, b2):
    deg_parts = _sc_degree(edge_index)
    a, dinv = _tc_prep(u_Y, X, deg_parts)
    parts = _sc_seg128(edge_index, a)
    c80 = _tc_mlp(parts, a, dinv, W1, b1.reshape(1, HID), W2)
    t_parts = _sc_segscalar(edge_index, c80)
    out = _tc_finish(t_parts, c80, dinv, b2.reshape(1, 2))
    return out[:N]

# --- scband reference (transcript-rebuilt; emitter-appended) ---
"""Pipeline reference for scband-y-decoder-5583457485496 (READ-ONLY COPY).

The authoritative reference and input builder live on the scoring server;
editing this copy changes nothing except your own understanding.
"""

import jax, jax.numpy as jnp
import numpy as np

N = 10000
E = 320000
NUM_FEATS = 96
LATENT = 32
HID = 512
OUT = 2


def setup_inputs(seed: int = 0) -> dict:
    key = jax.random.key(seed)
    k1, k2, k3, k4, k5 = jax.random.split(key, 5)
    edge_index = jax.random.randint(k1, (2, E), 0, N, dtype=jnp.int32)
    X = jax.random.normal(k2, (N, NUM_FEATS), dtype=jnp.float32)
    u_Y = jax.random.normal(k3, (N, LATENT), dtype=jnp.float32)
    d_in = NUM_FEATS + LATENT
    W1 = jax.random.normal(k4, (d_in, HID), dtype=jnp.float32) / np.sqrt(d_in)
    b1 = jnp.zeros((HID,), dtype=jnp.float32)
    W2 = jax.random.normal(k5, (HID, OUT), dtype=jnp.float32) / np.sqrt(HID)
    b2 = jnp.zeros((OUT,), dtype=jnp.float32)
    return {"edge_index": edge_index, "X": X, "u_Y": u_Y, "W1": W1, "b1": b1, "W2": W2, "b2": b2}


def _gcn_conv(x, src, dst, W, b, n):
    # PyG GCNConv: x' = D^{-1/2} (A + I) D^{-1/2} (x @ W) + b (self-loops already appended)
    h = x @ W
    deg = jnp.zeros((n,), dtype=h.dtype).at[dst].add(1.0)
    dinv = jnp.where(deg > 0, 1.0 / jnp.sqrt(deg), 0.0)
    norm = dinv[src] * dinv[dst]
    msg = h[src] * norm[:, None]
    out = jnp.zeros((n, h.shape[1]), dtype=h.dtype).at[dst].add(msg)
    return out + b


def reference(edge_index, X, u_Y, W1, b1, W2, b2):
    n = X.shape[0]
    loop = jnp.arange(n, dtype=edge_index.dtype)
    src = jnp.concatenate([edge_index[0], loop])
    dst = jnp.concatenate([edge_index[1], loop])
    latent = jnp.concatenate((u_Y, X), axis=1)
    h = jax.nn.relu(_gcn_conv(latent, src, dst, W1, b1, n))
    y = _gcn_conv(h, src, dst, W2, b2, n)
    return jax.nn.softmax(y, axis=1)

if __name__ == "__main__":
    import jax
    _d = setup_inputs()
    print(jax.jit(kernel)(*tuple(_d.values())))

</pallas_src>

<mosaic_0001>
#map = affine_map<(d0, d1) -> (0, 0)>
#map1 = affine_map<(d0, d1) -> (0, 0, 0)>
module attributes {stable_mosaic.version = 14 : i64} {
  func.func @_sc_seg128(%arg0: i32, %arg1: i32, %arg2: memref<2x320000xi32, #tpu.memory_space<hbm>>, %arg3: memref<10240x128xf32, #tpu.memory_space<hbm>>, %arg4: memref<2x10240x128xf32, #tpu.memory_space<hbm>>, %arg5: memref<10240x128xf32, #tpu.memory_space<vmem_shared>>, %arg6: memref<128x128xf32, #tpu.memory_space<vmem>>, %arg7: memref<128x128xf32, #tpu.memory_space<vmem>>, %arg8: memref<4x128xi32, #tpu.memory_space<vmem>>, %arg9: memref<80x128xi32, #tpu.memory_space<vmem>>, %arg10: memref<2x128xi32, #tpu.memory_space<vmem>>, %arg11: memref<!tpu.dma_semaphore, #tpu.memory_space<semaphore_mem>>, %arg12: memref<!tpu.dma_semaphore, #tpu.memory_space<semaphore_mem>>, %arg13: memref<!tpu.dma_semaphore, #tpu.memory_space<semaphore_mem>>, %arg14: memref<!tpu.dma_semaphore, #tpu.memory_space<semaphore_mem>>, %arg15: memref<!tpu.dma_semaphore, #tpu.memory_space<semaphore_mem>>, %arg16: memref<!tpu.dma_semaphore, #tpu.memory_space<semaphore_mem>>, %arg17: memref<!tpu.dma_semaphore, #tpu.memory_space<semaphore_mem>>, %arg18: memref<!tpu.dma_semaphore, #tpu.memory_space<semaphore_mem>>, %arg19: memref<!tpu.dma_semaphore, #tpu.memory_space<semaphore_mem>>) attributes {dimension_semantics = [#tpu.dimension_semantics<core_parallel>, #tpu.dimension_semantics<subcore_parallel>], iteration_bounds = array<i64: 2, 16>, scalar_prefetch = 0 : i64, scratch_operands = 15 : i64, tpu.core_type = #tpu.core_type<sc_vector_subcore>, window_params = [{transform_indices = #map}, {transform_indices = #map}, {transform_indices = #map1}]} {
    %mul3A = arith.constant 16 : i32
    %mul3A_0 = arith.muli %arg0, %mul3A : i32
    %add3A = arith.addi %mul3A_0, %arg1 : i32
    %mul3A_1 = arith.constant 9984 : i32
    %mul3A_2 = arith.muli %add3A, %mul3A_1 : i32
    %broadcast_in_dim3A = arith.constant 0.000000e+00 : f32
    %broadcast_in_dim3A_3 = vector.broadcast %broadcast_in_dim3A : f32 to vector<16xf32>
    %iota3A = tpu.iota {dimensions = array<i32: 0>} : vector<16xi32>
    %scan3A = arith.constant 0 : i32
    %scan3A_4 = arith.constant 0 : i32
    %scan3A_5 = arith.constant 78 : i32
    %scan3A_6 = arith.addi %scan3A_4, %scan3A_5 : i32
    %scan3A_7 = arith.constant 1 : i32
    %scan3A_8 = scf.for %scan3A_604 = %scan3A_4 to %scan3A_6 step %scan3A_7 iter_args(%scan3A_605 = %scan3A) -> (i32)  : i32 {
      %mul3A_606 = arith.constant 128 : i32
      %mul3A_607 = arith.muli %scan3A_604, %mul3A_606 : i32
      %add3A_608 = arith.addi %mul3A_2, %mul3A_607 : i32
      %dma_start3A_609 = arith.constant 1 : i32
      %dma_start3A_610 = arith.constant 0 : i32
      %dma_start3A_611 = tpu.memref_slice %arg9[%scan3A_604, %dma_start3A_610] : memref<80x128xi32, #tpu.memory_space<vmem>> -> memref<1x128xi32, #tpu.memory_space<vmem>>
      %dma_start3A_612 = tpu.memref_squeeze %dma_start3A_611 : memref<1x128xi32, #tpu.memory_space<vmem>> -> memref<128xi32, #tpu.memory_space<vmem>>
      %dma_start3A_613 = tpu.memref_slice %arg2[%dma_start3A_609, %add3A_608] : memref<2x320000xi32, #tpu.memory_space<hbm>> -> memref<1x128xi32, #tpu.memory_space<hbm>>
      %dma_start3A_614 = tpu.memref_squeeze %dma_start3A_613 : memref<1x128xi32, #tpu.memory_space<hbm>> -> memref<128xi32, #tpu.memory_space<hbm>>
      %dma_start3A_615 = arith.constant 0 : i32
      %dma_start3A_616 = tpu.memref_slice %arg9[%scan3A_604, %dma_start3A_615] : memref<80x128xi32, #tpu.memory_space<vmem>> -> memref<1x128xi32, #tpu.memory_space<vmem>>
      %dma_start3A_617 = tpu.memref_squeeze %dma_start3A_616 : memref<1x128xi32, #tpu.memory_space<vmem>> -> memref<128xi32, #tpu.memory_space<vmem>>
      %dma_start3A_618 = tpu.memref_slice %arg2[%dma_start3A_609, %add3A_608] : memref<2x320000xi32, #tpu.memory_space<hbm>> -> memref<1x128xi32, #tpu.memory_space<hbm>>
      %dma_start3A_619 = tpu.memref_squeeze %dma_start3A_618 : memref<1x128xi32, #tpu.memory_space<hbm>> -> memref<128xi32, #tpu.memory_space<hbm>>
      tpu.enqueue_dma source(%dma_start3A_619 : memref<128xi32, #tpu.memory_space<hbm>>) target(%dma_start3A_617 : memref<128xi32, #tpu.memory_space<vmem>>) target_semaphore(%arg19 : memref<!tpu.dma_semaphore, #tpu.memory_space<semaphore_mem>>)
      %scan3A_620 = arith.constant 0 : i32
      scf.yield %scan3A_620 : i32
    }
    %scan3A_9 = arith.constant 78 : i32
    %mul3A_10 = arith.constant 16 : i32
    %mul3A_11 = arith.muli %add3A, %mul3A_10 : i32
    %add3A_12 = arith.constant 319488 : i32
    %add3A_13 = arith.addi %add3A_12, %mul3A_11 : i32
    %run_scoped3A = arith.constant 1 : i32
    %run_scoped3A_14 = arith.constant 78 : i32
    "tpu.region"() ({
      %run_scoped3A_604 = tpu.sem_alloc : memref<!tpu.dma_semaphore, #tpu.memory_space<semaphore_mem>>
      %dma_start3A_605 = arith.constant 0 : i32
      %dma_start3A_606 = tpu.memref_slice %arg9[%run_scoped3A_14, %dma_start3A_605] : memref<80x128xi32, #tpu.memory_space<vmem>> -> memref<1x16xi32, #tpu.memory_space<vmem>>
      %dma_start3A_607 = tpu.memref_squeeze %dma_start3A_606 : memref<1x16xi32, #tpu.memory_space<vmem>> -> memref<16xi32, #tpu.memory_space<vmem>>
      %dma_start3A_608 = tpu.memref_slice %arg2[%run_scoped3A, %add3A_13] : memref<2x320000xi32, #tpu.memory_space<hbm>> -> memref<1x16xi32, #tpu.memory_space<hbm>>
      %dma_start3A_609 = tpu.memref_squeeze %dma_start3A_608 : memref<1x16xi32, #tpu.memory_space<hbm>> -> memref<16xi32, #tpu.memory_space<hbm>>
      %dma_start3A_610 = arith.constant 0 : i32
      %dma_start3A_611 = tpu.memref_slice %arg9[%run_scoped3A_14, %dma_start3A_610] : memref<80x128xi32, #tpu.memory_space<vmem>> -> memref<1x16xi32, #tpu.memory_space<vmem>>
      %dma_start3A_612 = tpu.memref_squeeze %dma_start3A_611 : memref<1x16xi32, #tpu.memory_space<vmem>> -> memref<16xi32, #tpu.memory_space<vmem>>
      %dma_start3A_613 = tpu.memref_slice %arg2[%run_scoped3A, %add3A_13] : memref<2x320000xi32, #tpu.memory_space<hbm>> -> memref<1x16xi32, #tpu.memory_space<hbm>>
      %dma_start3A_614 = tpu.memref_squeeze %dma_start3A_613 : memref<1x16xi32, #tpu.memory_space<hbm>> -> memref<16xi32, #tpu.memory_space<hbm>>
      tpu.enqueue_dma source(%dma_start3A_614 : memref<16xi32, #tpu.memory_space<hbm>>) target(%dma_start3A_612 : memref<16xi32, #tpu.memory_space<vmem>>) target_semaphore(%run_scoped3A_604 : memref<!tpu.dma_semaphore, #tpu.memory_space<semaphore_mem>>)
      %dma_wait3A_615 = arith.constant 0 : i32
      %dma_wait3A_616 = tpu.memref_slice %arg9[%run_scoped3A_14, %dma_wait3A_615] : memref<80x128xi32, #tpu.memory_space<vmem>> -> memref<1x16xi32, #tpu.memory_space<vmem>>
      %dma_wait3A_617 = tpu.memref_squeeze %dma_wait3A_616 : memref<1x16xi32, #tpu.memory_space<vmem>> -> memref<16xi32, #tpu.memory_space<vmem>>
      %dma_wait3A_618 = tpu.memref_slice %arg2[%run_scoped3A, %add3A_13] : memref<2x320000xi32, #tpu.memory_space<hbm>> -> memref<1x16xi32, #tpu.memory_space<hbm>>
      %dma_wait3A_619 = tpu.memref_squeeze %dma_wait3A_618 : memref<1x16xi32, #tpu.memory_space<hbm>> -> memref<16xi32, #tpu.memory_space<hbm>>
      %dma_wait3A_620 = arith.constant 0 : i32
      %dma_wait3A_621 = tpu.memref_slice %arg9[%run_scoped3A_14, %dma_wait3A_620] : memref<80x128xi32, #tpu.memory_space<vmem>> -> memref<1x16xi32, #tpu.memory_space<vmem>>
      %dma_wait3A_622 = tpu.memref_squeeze %dma_wait3A_621 : memref<1x16xi32, #tpu.memory_space<vmem>> -> memref<16xi32, #tpu.memory_space<vmem>>
      %dma_wait3A_623 = tpu.memref_slice %arg2[%run_scoped3A, %add3A_13] : memref<2x320000xi32, #tpu.memory_space<hbm>> -> memref<1x16xi32, #tpu.memory_space<hbm>>
      %dma_wait3A_624 = tpu.memref_squeeze %dma_wait3A_623 : memref<1x16xi32, #tpu.memory_space<hbm>> -> memref<16xi32, #tpu.memory_space<hbm>>
      tpu.wait_dma2 semaphore(%run_scoped3A_604 : memref<!tpu.dma_semaphore, #tpu.memory_space<semaphore_mem>>) src(%dma_wait3A_624 : memref<16xi32, #tpu.memory_space<hbm>>) dst(%dma_wait3A_622 : memref<16xi32, #tpu.memory_space<vmem>>)
      tpu.yield
    }) : () -> ()
    %mul3A_15 = arith.constant 16 : i32
    %mul3A_16 = arith.muli %add3A, %mul3A_15 : i32
    %add3A_17 = arith.constant 319488 : i32
    %add3A_18 = arith.addi %add3A_17, %mul3A_16 : i32
    %run_scoped3A_19 = arith.constant 0 : i32
    %run_scoped3A_20 = arith.constant 0 : i32
    "tpu.region"() ({
      %run_scoped3A_604 = tpu.sem_alloc : memref<!tpu.dma_semaphore, #tpu.memory_space<semaphore_mem>>
      %dma_start3A_605 = arith.constant 0 : i32
      %dma_start3A_606 = tpu.memref_slice %arg10[%run_scoped3A_20, %dma_start3A_605] : memref<2x128xi32, #tpu.memory_space<vmem>> -> memref<1x16xi32, #tpu.memory_space<vmem>>
      %dma_start3A_607 = tpu.memref_squeeze %dma_start3A_606 : memref<1x16xi32, #tpu.memory_space<vmem>> -> memref<16xi32, #tpu.memory_space<vmem>>
      %dma_start3A_608 = tpu.memref_slice %arg2[%run_scoped3A_19, %add3A_18] : memref<2x320000xi32, #tpu.memory_space<hbm>> -> memref<1x16xi32, #tpu.memory_space<hbm>>
      %dma_start3A_609 = tpu.memref_squeeze %dma_start3A_608 : memref<1x16xi32, #tpu.memory_space<hbm>> -> memref<16xi32, #tpu.memory_space<hbm>>
      %dma_start3A_610 = arith.constant 0 : i32
      %dma_start3A_611 = tpu.memref_slice %arg10[%run_scoped3A_20, %dma_start3A_610] : memref<2x128xi32, #tpu.memory_space<vmem>> -> memref<1x16xi32, #tpu.memory_space<vmem>>
      %dma_start3A_612 = tpu.memref_squeeze %dma_start3A_611 : memref<1x16xi32, #tpu.memory_space<vmem>> -> memref<16xi32, #tpu.memory_space<vmem>>
      %dma_start3A_613 = tpu.memref_slice %arg2[%run_scoped3A_19, %add3A_18] : memref<2x320000xi32, #tpu.memory_space<hbm>> -> memref<1x16xi32, #tpu.memory_space<hbm>>
      %dma_start3A_614 = tpu.memref_squeeze %dma_start3A_613 : memref<1x16xi32, #tpu.memory_space<hbm>> -> memref<16xi32, #tpu.memory_space<hbm>>
      tpu.enqueue_dma source(%dma_start3A_614 : memref<16xi32, #tpu.memory_space<hbm>>) target(%dma_start3A_612 : memref<16xi32, #tpu.memory_space<vmem>>) target_semaphore(%run_scoped3A_604 : memref<!tpu.dma_semaphore, #tpu.memory_space<semaphore_mem>>)
      %dma_wait3A_615 = arith.constant 0 : i32
      %dma_wait3A_616 = tpu.memref_slice %arg10[%run_scoped3A_20, %dma_wait3A_615] : memref<2x128xi32, #tpu.memory_space<vmem>> -> memref<1x16xi32, #tpu.memory_space<vmem>>
      %dma_wait3A_617 = tpu.memref_squeeze %dma_wait3A_616 : memref<1x16xi32, #tpu.memory_space<vmem>> -> memref<16xi32, #tpu.memory_space<vmem>>
      %dma_wait3A_618 = tpu.memref_slice %arg2[%run_scoped3A_19, %add3A_18] : memref<2x320000xi32, #tpu.memory_space<hbm>> -> memref<1x16xi32, #tpu.memory_space<hbm>>
      %dma_wait3A_619 = tpu.memref_squeeze %dma_wait3A_618 : memref<1x16xi32, #tpu.memory_space<hbm>> -> memref<16xi32, #tpu.memory_space<hbm>>
      %dma_wait3A_620 = arith.constant 0 : i32
      %dma_wait3A_621 = tpu.memref_slice %arg10[%run_scoped3A_20, %dma_wait3A_620] : memref<2x128xi32, #tpu.memory_space<vmem>> -> memref<1x16xi32, #tpu.memory_space<vmem>>
      %dma_wait3A_622 = tpu.memref_squeeze %dma_wait3A_621 : memref<1x16xi32, #tpu.memory_space<vmem>> -> memref<16xi32, #tpu.memory_space<vmem>>
      %dma_wait3A_623 = tpu.memref_slice %arg2[%run_scoped3A_19, %add3A_18] : memref<2x320000xi32, #tpu.memory_space<hbm>> -> memref<1x16xi32, #tpu.memory_space<hbm>>
      %dma_wait3A_624 = tpu.memref_squeeze %dma_wait3A_623 : memref<1x16xi32, #tpu.memory_space<hbm>> -> memref<16xi32, #tpu.memory_space<hbm>>
      tpu.wait_dma2 semaphore(%run_scoped3A_604 : memref<!tpu.dma_semaphore, #tpu.memory_space<semaphore_mem>>) src(%dma_wait3A_624 : memref<16xi32, #tpu.memory_space<hbm>>) dst(%dma_wait3A_622 : memref<16xi32, #tpu.memory_space<vmem>>)
      tpu.yield
    }) : () -> ()
    %add3A_21 = arith.constant 10000 : i32
    %add3A_22 = vector.broadcast %add3A_21 : i32 to vector<16xi32>
    %add3A_23 = arith.addi %add3A_22, %iota3A : vector<16xi32>
    %swap3A = arith.constant 78 : i32
    %swap3A_24 = arith.index_cast %swap3A : i32 to index
    %swap3A_25 = arith.constant 16 : index
    %swap3A_26 = tpu.vector_load %arg9[%swap3A_24, %swap3A_25] {strides = array<i32>} : memref<80x128xi32, #tpu.memory_space<vmem>>, vector<16xi32>,
    tpu.vector_store %arg9[%swap3A_24, %swap3A_25], %add3A_23 {strides = array<i32>} : memref<80x128xi32, #tpu.memory_space<vmem>>, vector<16xi32>,
    %add3A_27 = arith.constant 10000 : i32
    %add3A_28 = vector.broadcast %add3A_27 : i32 to vector<16xi32>
    %add3A_29 = arith.addi %add3A_28, %iota3A : vector<16xi32>
    %swap3A_30 = arith.constant 0 : i32
    %swap3A_31 = arith.index_cast %swap3A_30 : i32 to index
    %swap3A_32 = arith.constant 16 : index
    %swap3A_33 = tpu.vector_load %arg10[%swap3A_31, %swap3A_32] {strides = array<i32>} : memref<2x128xi32, #tpu.memory_space<vmem>>, vector<16xi32>,
    tpu.vector_store %arg10[%swap3A_31, %swap3A_32], %add3A_29 {strides = array<i32>} : memref<2x128xi32, #tpu.memory_space<vmem>>, vector<16xi32>,
    %add3A_34 = arith.constant 10016 : i32
    %add3A_35 = vector.broadcast %add3A_34 : i32 to vector<16xi32>
    %add3A_36 = arith.addi %add3A_35, %iota3A : vector<16xi32>
    %swap3A_37 = arith.constant 78 : i32
    %swap3A_38 = arith.index_cast %swap3A_37 : i32 to index
    %swap3A_39 = arith.constant 32 : index
    %swap3A_40 = tpu.vector_load %arg9[%swap3A_38, %swap3A_39] {strides = array<i32>} : memref<80x128xi32, #tpu.memory_space<vmem>>, vector<16xi32>,
    tpu.vector_store %arg9[%swap3A_38, %swap3A_39], %add3A_36 {strides = array<i32>} : memref<80x128xi32, #tpu.memory_space<vmem>>, vector<16xi32>,
    %add3A_41 = arith.constant 10016 : i32
    %add3A_42 = vector.broadcast %add3A_41 : i32 to vector<16xi32>
    %add3A_43 = arith.addi %add3A_42, %iota3A : vector<16xi32>
    %swap3A_44 = arith.constant 0 : i32
    %swap3A_45 = arith.index_cast %swap3A_44 : i32 to index
    %swap3A_46 = arith.constant 32 : index
    %swap3A_47 = tpu.vector_load %arg10[%swap3A_45, %swap3A_46] {strides = array<i32>} : memref<2x128xi32, #tpu.memory_space<vmem>>, vector<16xi32>,
    tpu.vector_store %arg10[%swap3A_45, %swap3A_46], %add3A_43 {strides = array<i32>} : memref<2x128xi32, #tpu.memory_space<vmem>>, vector<16xi32>,
    %add3A_48 = arith.constant 10032 : i32
    %add3A_49 = vector.broadcast %add3A_48 : i32 to vector<16xi32>
    %add3A_50 = arith.addi %add3A_49, %iota3A : vector<16xi32>
    %swap3A_51 = arith.constant 78 : i32
    %swap3A_52 = arith.index_cast %swap3A_51 : i32 to index
    %swap3A_53 = arith.constant 48 : index
    %swap3A_54 = tpu.vector_load %arg9[%swap3A_52, %swap3A_53] {strides = array<i32>} : memref<80x128xi32, #tpu.memory_space<vmem>>, vector<16xi32>,
    tpu.vector_store %arg9[%swap3A_52, %swap3A_53], %add3A_50 {strides = array<i32>} : memref<80x128xi32, #tpu.memory_space<vmem>>, vector<16xi32>,
    %add3A_55 = arith.constant 10032 : i32
    %add3A_56 = vector.broadcast %add3A_55 : i32 to vector<16xi32>
    %add3A_57 = arith.addi %add3A_56, %iota3A : vector<16xi32>
    %swap3A_58 = arith.constant 0 : i32
    %swap3A_59 = arith.index_cast %swap3A_58 : i32 to index
    %swap3A_60 = arith.constant 48 : index
    %swap3A_61 = tpu.vector_load %arg10[%swap3A_59, %swap3A_60] {strides = array<i32>} : memref<2x128xi32, #tpu.memory_space<vmem>>, vector<16xi32>,
    tpu.vector_store %arg10[%swap3A_59, %swap3A_60], %add3A_57 {strides = array<i32>} : memref<2x128xi32, #tpu.memory_space<vmem>>, vector<16xi32>,
    %add3A_62 = arith.constant 10048 : i32
    %add3A_63 = vector.broadcast %add3A_62 : i32 to vector<16xi32>
    %add3A_64 = arith.addi %add3A_63, %iota3A : vector<16xi32>
    %swap3A_65 = arith.constant 78 : i32
    %swap3A_66 = arith.index_cast %swap3A_65 : i32 to index
    %swap3A_67 = arith.constant 64 : index
    %swap3A_68 = tpu.vector_load %arg9[%swap3A_66, %swap3A_67] {strides = array<i32>} : memref<80x128xi32, #tpu.memory_space<vmem>>, vector<16xi32>,
    tpu.vector_store %arg9[%swap3A_66, %swap3A_67], %add3A_64 {strides = array<i32>} : memref<80x128xi32, #tpu.memory_space<vmem>>, vector<16xi32>,
    %add3A_69 = arith.constant 10048 : i32
    %add3A_70 = vector.broadcast %add3A_69 : i32 to vector<16xi32>
    %add3A_71 = arith.addi %add3A_70, %iota3A : vector<16xi32>
    %swap3A_72 = arith.constant 0 : i32
    %swap3A_73 = arith.index_cast %swap3A_72 : i32 to index
    %swap3A_74 = arith.constant 64 : index
    %swap3A_75 = tpu.vector_load %arg10[%swap3A_73, %swap3A_74] {strides = array<i32>} : memref<2x128xi32, #tpu.memory_space<vmem>>, vector<16xi32>,
    tpu.vector_store %arg10[%swap3A_73, %swap3A_74], %add3A_71 {strides = array<i32>} : memref<2x128xi32, #tpu.memory_space<vmem>>, vector<16xi32>,
    %add3A_76 = arith.constant 10064 : i32
    %add3A_77 = vector.broadcast %add3A_76 : i32 to vector<16xi32>
    %add3A_78 = arith.addi %add3A_77, %iota3A : vector<16xi32>
    %swap3A_79 = arith.constant 78 : i32
    %swap3A_80 = arith.index_cast %swap3A_79 : i32 to index
    %swap3A_81 = arith.constant 80 : index
    %swap3A_82 = tpu.vector_load %arg9[%swap3A_80, %swap3A_81] {strides = array<i32>} : memref<80x128xi32, #tpu.memory_space<vmem>>, vector<16xi32>,
    tpu.vector_store %arg9[%swap3A_80, %swap3A_81], %add3A_78 {strides = array<i32>} : memref<80x128xi32, #tpu.memory_space<vmem>>, vector<16xi32>,
    %add3A_83 = arith.constant 10064 : i32
    %add3A_84 = vector.broadcast %add3A_83 : i32 to vector<16xi32>
    %add3A_85 = arith.addi %add3A_84, %iota3A : vector<16xi32>
    %swap3A_86 = arith.constant 0 : i32
    %swap3A_87 = arith.index_cast %swap3A_86 : i32 to index
    %swap3A_88 = arith.constant 80 : index
    %swap3A_89 = tpu.vector_load %arg10[%swap3A_87, %swap3A_88] {strides = array<i32>} : memref<2x128xi32, #tpu.memory_space<vmem>>, vector<16xi32>,
    tpu.vector_store %arg10[%swap3A_87, %swap3A_88], %add3A_85 {strides = array<i32>} : memref<2x128xi32, #tpu.memory_space<vmem>>, vector<16xi32>,
    %add3A_90 = arith.constant 10080 : i32
    %add3A_91 = vector.broadcast %add3A_90 : i32 to vector<16xi32>
    %add3A_92 = arith.addi %add3A_91, %iota3A : vector<16xi32>
    %swap3A_93 = arith.constant 78 : i32
    %swap3A_94 = arith.index_cast %swap3A_93 : i32 to index
    %swap3A_95 = arith.constant 96 : index
    %swap3A_96 = tpu.vector_load %arg9[%swap3A_94, %swap3A_95] {strides = array<i32>} : memref<80x128xi32, #tpu.memory_space<vmem>>, vector<16xi32>,
    tpu.vector_store %arg9[%swap3A_94, %swap3A_95], %add3A_92 {strides = array<i32>} : memref<80x128xi32, #tpu.memory_space<vmem>>, vector<16xi32>,
    %add3A_97 = arith.constant 10080 : i32
    %add3A_98 = vector.broadcast %add3A_97 : i32 to vector<16xi32>
    %add3A_99 = arith.addi %add3A_98, %iota3A : vector<16xi32>
    %swap3A_100 = arith.constant 0 : i32
    %swap3A_101 = arith.index_cast %swap3A_100 : i32 to index
    %swap3A_102 = arith.constant 96 : index
    %swap3A_103 = tpu.vector_load %arg10[%swap3A_101, %swap3A_102] {strides = array<i32>} : memref<2x128xi32, #tpu.memory_space<vmem>>, vector<16xi32>,
    tpu.vector_store %arg10[%swap3A_101, %swap3A_102], %add3A_99 {strides = array<i32>} : memref<2x128xi32, #tpu.memory_space<vmem>>, vector<16xi32>,
    %add3A_104 = arith.constant 10096 : i32
    %add3A_105 = vector.broadcast %add3A_104 : i32 to vector<16xi32>
    %add3A_106 = arith.addi %add3A_105, %iota3A : vector<16xi32>
    %swap3A_107 = arith.constant 78 : i32
    %swap3A_108 = arith.index_cast %swap3A_107 : i32 to index
    %swap3A_109 = arith.constant 112 : index
    %swap3A_110 = tpu.vector_load %arg9[%swap3A_108, %swap3A_109] {strides = array<i32>} : memref<80x128xi32, #tpu.memory_space<vmem>>, vector<16xi32>,
    tpu.vector_store %arg9[%swap3A_108, %swap3A_109], %add3A_106 {strides = array<i32>} : memref<80x128xi32, #tpu.memory_space<vmem>>, vector<16xi32>,
    %add3A_111 = arith.constant 10096 : i32
    %add3A_112 = vector.broadcast %add3A_111 : i32 to vector<16xi32>
    %add3A_113 = arith.addi %add3A_112, %iota3A : vector<16xi32>
    %swap3A_114 = arith.constant 0 : i32
    %swap3A_115 = arith.index_cast %swap3A_114 : i32 to index
    %swap3A_116 = arith.constant 112 : index
    %swap3A_117 = tpu.vector_load %arg10[%swap3A_115, %swap3A_116] {strides = array<i32>} : memref<2x128xi32, #tpu.memory_space<vmem>>, vector<16xi32>,
    tpu.vector_store %arg10[%swap3A_115, %swap3A_116], %add3A_113 {strides = array<i32>} : memref<2x128xi32, #tpu.memory_space<vmem>>, vector<16xi32>,
    %add3A_118 = arith.constant 10112 : i32
    %add3A_119 = vector.broadcast %add3A_118 : i32 to vector<16xi32>
    %add3A_120 = arith.addi %add3A_119, %iota3A : vector<16xi32>
    %swap3A_121 = arith.constant 79 : i32
    %swap3A_122 = arith.index_cast %swap3A_121 : i32 to index
    %swap3A_123 = arith.constant 0 : index
    %swap3A_124 = tpu.vector_load %arg9[%swap3A_122, %swap3A_123] {strides = array<i32>} : memref<80x128xi32, #tpu.memory_space<vmem>>, vector<16xi32>,
    tpu.vector_store %arg9[%swap3A_122, %swap3A_123], %add3A_120 {strides = array<i32>} : memref<80x128xi32, #tpu.memory_space<vmem>>, vector<16xi32>,
    %add3A_125 = arith.constant 10112 : i32
    %add3A_126 = vector.broadcast %add3A_125 : i32 to vector<16xi32>
    %add3A_127 = arith.addi %add3A_126, %iota3A : vector<16xi32>
    %swap3A_128 = arith.constant 1 : i32
    %swap3A_129 = arith.index_cast %swap3A_128 : i32 to index
    %swap3A_130 = arith.constant 0 : index
    %swap3A_131 = tpu.vector_load %arg10[%swap3A_129, %swap3A_130] {strides = array<i32>} : memref<2x128xi32, #tpu.memory_space<vmem>>, vector<16xi32>,
    tpu.vector_store %arg10[%swap3A_129, %swap3A_130], %add3A_127 {strides = array<i32>} : memref<2x128xi32, #tpu.memory_space<vmem>>, vector<16xi32>,
    %add3A_132 = arith.constant 10128 : i32
    %add3A_133 = vector.broadcast %add3A_132 : i32 to vector<16xi32>
    %add3A_134 = arith.addi %add3A_133, %iota3A : vector<16xi32>
    %swap3A_135 = arith.constant 79 : i32
    %swap3A_136 = arith.index_cast %swap3A_135 : i32 to index
    %swap3A_137 = arith.constant 16 : index
    %swap3A_138 = tpu.vector_load %arg9[%swap3A_136, %swap3A_137] {strides = array<i32>} : memref<80x128xi32, #tpu.memory_space<vmem>>, vector<16xi32>,
    tpu.vector_store %arg9[%swap3A_136, %swap3A_137], %add3A_134 {strides = array<i32>} : memref<80x128xi32, #tpu.memory_space<vmem>>, vector<16xi32>,
    %add3A_139 = arith.constant 10128 : i32
    %add3A_140 = vector.broadcast %add3A_139 : i32 to vector<16xi32>
    %add3A_141 = arith.addi %add3A_140, %iota3A : vector<16xi32>
    %swap3A_142 = arith.constant 1 : i32
    %swap3A_143 = arith.index_cast %swap3A_142 : i32 to index
    %swap3A_144 = arith.constant 16 : index
    %swap3A_145 = tpu.vector_load %arg10[%swap3A_143, %swap3A_144] {strides = array<i32>} : memref<2x128xi32, #tpu.memory_space<vmem>>, vector<16xi32>,
    tpu.vector_store %arg10[%swap3A_143, %swap3A_144], %add3A_141 {strides = array<i32>} : memref<2x128xi32, #tpu.memory_space<vmem>>, vector<16xi32>,
    %add3A_146 = arith.constant 10144 : i32
    %add3A_147 = vector.broadcast %add3A_146 : i32 to vector<16xi32>
    %add3A_148 = arith.addi %add3A_147, %iota3A : vector<16xi32>
    %swap3A_149 = arith.constant 79 : i32
    %swap3A_150 = arith.index_cast %swap3A_149 : i32 to index
    %swap3A_151 = arith.constant 32 : index
    %swap3A_152 = tpu.vector_load %arg9[%swap3A_150, %swap3A_151] {strides = array<i32>} : memref<80x128xi32, #tpu.memory_space<vmem>>, vector<16xi32>,
    tpu.vector_store %arg9[%swap3A_150, %swap3A_151], %add3A_148 {strides = array<i32>} : memref<80x128xi32, #tpu.memory_space<vmem>>, vector<16xi32>,
    %add3A_153 = arith.constant 10144 : i32
    %add3A_154 = vector.broadcast %add3A_153 : i32 to vector<16xi32>
    %add3A_155 = arith.addi %add3A_154, %iota3A : vector<16xi32>
    %swap3A_156 = arith.constant 1 : i32
    %swap3A_157 = arith.index_cast %swap3A_156 : i32 to index
    %swap3A_158 = arith.constant 32 : index
    %swap3A_159 = tpu.vector_load %arg10[%swap3A_157, %swap3A_158] {strides = array<i32>} : memref<2x128xi32, #tpu.memory_space<vmem>>, vector<16xi32>,
    tpu.vector_store %arg10[%swap3A_157, %swap3A_158], %add3A_155 {strides = array<i32>} : memref<2x128xi32, #tpu.memory_space<vmem>>, vector<16xi32>,
    %add3A_160 = arith.constant 10160 : i32
    %add3A_161 = vector.broadcast %add3A_160 : i32 to vector<16xi32>
    %add3A_162 = arith.addi %add3A_161, %iota3A : vector<16xi32>
    %swap3A_163 = arith.constant 79 : i32
    %swap3A_164 = arith.index_cast %swap3A_163 : i32 to index
    %swap3A_165 = arith.constant 48 : index
    %swap3A_166 = tpu.vector_load %arg9[%swap3A_164, %swap3A_165] {strides = array<i32>} : memref<80x128xi32, #tpu.memory_space<vmem>>, vector<16xi32>,
    tpu.vector_store %arg9[%swap3A_164, %swap3A_165], %add3A_162 {strides = array<i32>} : memref<80x128xi32, #tpu.memory_space<vmem>>, vector<16xi32>,
    %add3A_167 = arith.constant 10160 : i32
    %add3A_168 = vector.broadcast %add3A_167 : i32 to vector<16xi32>
    %add3A_169 = arith.addi %add3A_168, %iota3A : vector<16xi32>
    %swap3A_170 = arith.constant 1 : i32
    %swap3A_171 = arith.index_cast %swap3A_170 : i32 to index
    %swap3A_172 = arith.constant 48 : index
    %swap3A_173 = tpu.vector_load %arg10[%swap3A_171, %swap3A_172] {strides = array<i32>} : memref<2x128xi32, #tpu.memory_space<vmem>>, vector<16xi32>,
    tpu.vector_store %arg10[%swap3A_171, %swap3A_172], %add3A_169 {strides = array<i32>} : memref<2x128xi32, #tpu.memory_space<vmem>>, vector<16xi32>,
    %add3A_174 = arith.constant 10176 : i32
    %add3A_175 = vector.broadcast %add3A_174 : i32 to vector<16xi32>
    %add3A_176 = arith.addi %add3A_175, %iota3A : vector<16xi32>
    %swap3A_177 = arith.constant 79 : i32
    %swap3A_178 = arith.index_cast %swap3A_177 : i32 to index
    %swap3A_179 = arith.constant 64 : index
    %swap3A_180 = tpu.vector_load %arg9[%swap3A_178, %swap3A_179] {strides = array<i32>} : memref<80x128xi32, #tpu.memory_space<vmem>>, vector<16xi32>,
    tpu.vector_store %arg9[%swap3A_178, %swap3A_179], %add3A_176 {strides = array<i32>} : memref<80x128xi32, #tpu.memory_space<vmem>>, vector<16xi32>,
    %add3A_181 = arith.constant 10176 : i32
    %add3A_182 = vector.broadcast %add3A_181 : i32 to vector<16xi32>
    %add3A_183 = arith.addi %add3A_182, %iota3A : vector<16xi32>
    %swap3A_184 = arith.constant 1 : i32
    %swap3A_185 = arith.index_cast %swap3A_184 : i32 to index
    %swap3A_186 = arith.constant 64 : index
    %swap3A_187 = tpu.vector_load %arg10[%swap3A_185, %swap3A_186] {strides = array<i32>} : memref<2x128xi32, #tpu.memory_space<vmem>>, vector<16xi32>,
    tpu.vector_store %arg10[%swap3A_185, %swap3A_186], %add3A_183 {strides = array<i32>} : memref<2x128xi32, #tpu.memory_space<vmem>>, vector<16xi32>,
    %add3A_188 = arith.constant 10192 : i32
    %add3A_189 = vector.broadcast %add3A_188 : i32 to vector<16xi32>
    %add3A_190 = arith.addi %add3A_189, %iota3A : vector<16xi32>
    %swap3A_191 = arith.constant 79 : i32
    %swap3A_192 = arith.index_cast %swap3A_191 : i32 to index
    %swap3A_193 = arith.constant 80 : index
    %swap3A_194 = tpu.vector_load %arg9[%swap3A_192, %swap3A_193] {strides = array<i32>} : memref<80x128xi32, #tpu.memory_space<vmem>>, vector<16xi32>,
    tpu.vector_store %arg9[%swap3A_192, %swap3A_193], %add3A_190 {strides = array<i32>} : memref<80x128xi32, #tpu.memory_space<vmem>>, vector<16xi32>,
    %add3A_195 = arith.constant 10192 : i32
    %add3A_196 = vector.broadcast %add3A_195 : i32 to vector<16xi32>
    %add3A_197 = arith.addi %add3A_196, %iota3A : vector<16xi32>
    %swap3A_198 = arith.constant 1 : i32
    %swap3A_199 = arith.index_cast %swap3A_198 : i32 to index
    %swap3A_200 = arith.constant 80 : index
    %swap3A_201 = tpu.vector_load %arg10[%swap3A_199, %swap3A_200] {strides = array<i32>} : memref<2x128xi32, #tpu.memory_space<vmem>>, vector<16xi32>,
    tpu.vector_store %arg10[%swap3A_199, %swap3A_200], %add3A_197 {strides = array<i32>} : memref<2x128xi32, #tpu.memory_space<vmem>>, vector<16xi32>,
    %add3A_202 = arith.constant 10208 : i32
    %add3A_203 = vector.broadcast %add3A_202 : i32 to vector<16xi32>
    %add3A_204 = arith.addi %add3A_203, %iota3A : vector<16xi32>
    %swap3A_205 = arith.constant 79 : i32
    %swap3A_206 = arith.index_cast %swap3A_205 : i32 to index
    %swap3A_207 = arith.constant 96 : index
    %swap3A_208 = tpu.vector_load %arg9[%swap3A_206, %swap3A_207] {strides = array<i32>} : memref<80x128xi32, #tpu.memory_space<vmem>>, vector<16xi32>,
    tpu.vector_store %arg9[%swap3A_206, %swap3A_207], %add3A_204 {strides = array<i32>} : memref<80x128xi32, #tpu.memory_space<vmem>>, vector<16xi32>,
    %add3A_209 = arith.constant 10208 : i32
    %add3A_210 = vector.broadcast %add3A_209 : i32 to vector<16xi32>
    %add3A_211 = arith.addi %add3A_210, %iota3A : vector<16xi32>
    %swap3A_212 = arith.constant 1 : i32
    %swap3A_213 = arith.index_cast %swap3A_212 : i32 to index
    %swap3A_214 = arith.constant 96 : index
    %swap3A_215 = tpu.vector_load %arg10[%swap3A_213, %swap3A_214] {strides = array<i32>} : memref<2x128xi32, #tpu.memory_space<vmem>>, vector<16xi32>,
    tpu.vector_store %arg10[%swap3A_213, %swap3A_214], %add3A_211 {strides = array<i32>} : memref<2x128xi32, #tpu.memory_space<vmem>>, vector<16xi32>,
    %add3A_216 = arith.constant 10224 : i32
    %add3A_217 = vector.broadcast %add3A_216 : i32 to vector<16xi32>
    %add3A_218 = arith.addi %add3A_217, %iota3A : vector<16xi32>
    %swap3A_219 = arith.constant 79 : i32
    %swap3A_220 = arith.index_cast %swap3A_219 : i32 to index
    %swap3A_221 = arith.constant 112 : index
    %swap3A_222 = tpu.vector_load %arg9[%swap3A_220, %swap3A_221] {strides = array<i32>} : memref<80x128xi32, #tpu.memory_space<vmem>>, vector<16xi32>,
    tpu.vector_store %arg9[%swap3A_220, %swap3A_221], %add3A_218 {strides = array<i32>} : memref<80x128xi32, #tpu.memory_space<vmem>>, vector<16xi32>,
    %add3A_223 = arith.constant 10224 : i32
    %add3A_224 = vector.broadcast %add3A_223 : i32 to vector<16xi32>
    %add3A_225 = arith.addi %add3A_224, %iota3A : vector<16xi32>
    %swap3A_226 = arith.constant 1 : i32
    %swap3A_227 = arith.index_cast %swap3A_226 : i32 to index
    %swap3A_228 = arith.constant 112 : index
    %swap3A_229 = tpu.vector_load %arg10[%swap3A_227, %swap3A_228] {strides = array<i32>} : memref<2x128xi32, #tpu.memory_space<vmem>>, vector<16xi32>,
    tpu.vector_store %arg10[%swap3A_227, %swap3A_228], %add3A_225 {strides = array<i32>} : memref<2x128xi32, #tpu.memory_space<vmem>>, vector<16xi32>,
    %scan3A_230 = arith.constant 0 : i32
    %scan3A_231 = arith.constant 0 : i32
    %scan3A_232 = arith.constant 78 : i32
    %scan3A_233 = arith.addi %scan3A_231, %scan3A_232 : i32
    %scan3A_234 = arith.constant 1 : i32
    %scan3A_235 = scf.for %scan3A_604 = %scan3A_231 to %scan3A_233 step %scan3A_234 iter_args(%scan3A_605 = %scan3A_230) -> (i32)  : i32 {
      %mul3A_606 = arith.constant 128 : i32
      %mul3A_607 = arith.muli %scan3A_604, %mul3A_606 : i32
      %add3A_608 = arith.addi %mul3A_2, %mul3A_607 : i32
      %dma_wait3A_609 = arith.constant 1 : i32
      %dma_wait3A_610 = arith.constant 0 : i32
      %dma_wait3A_611 = tpu.memref_slice %arg9[%scan3A_604, %dma_wait3A_610] : memref<80x128xi32, #tpu.memory_space<vmem>> -> memref<1x128xi32, #tpu.memory_space<vmem>>
      %dma_wait3A_612 = tpu.memref_squeeze %dma_wait3A_611 : memref<1x128xi32, #tpu.memory_space<vmem>> -> memref<128xi32, #tpu.memory_space<vmem>>
      %dma_wait3A_613 = tpu.memref_slice %arg2[%dma_wait3A_609, %add3A_608] : memref<2x320000xi32, #tpu.memory_space<hbm>> -> memref<1x128xi32, #tpu.memory_space<hbm>>
      %dma_wait3A_614 = tpu.memref_squeeze %dma_wait3A_613 : memref<1x128xi32, #tpu.memory_space<hbm>> -> memref<128xi32, #tpu.memory_space<hbm>>
      %dma_wait3A_615 = arith.constant 0 : i32
      %dma_wait3A_616 = tpu.memref_slice %arg9[%scan3A_604, %dma_wait3A_615] : memref<80x128xi32, #tpu.memory_space<vmem>> -> memref<1x128xi32, #tpu.memory_space<vmem>>
      %dma_wait3A_617 = tpu.memref_squeeze %dma_wait3A_616 : memref<1x128xi32, #tpu.memory_space<vmem>> -> memref<128xi32, #tpu.memory_space<vmem>>
      %dma_wait3A_618 = tpu.memref_slice %arg2[%dma_wait3A_609, %add3A_608] : memref<2x320000xi32, #tpu.memory_space<hbm>> -> memref<1x128xi32, #tpu.memory_space<hbm>>
      %dma_wait3A_619 = tpu.memref_squeeze %dma_wait3A_618 : memref<1x128xi32, #tpu.memory_space<hbm>> -> memref<128xi32, #tpu.memory_space<hbm>>
      tpu.wait_dma2 semaphore(%arg19 : memref<!tpu.dma_semaphore, #tpu.memory_space<semaphore_mem>>) src(%dma_wait3A_619 : memref<128xi32, #tpu.memory_space<hbm>>) dst(%dma_wait3A_617 : memref<128xi32, #tpu.memory_space<vmem>>)
      %scan3A_620 = arith.constant 0 : i32
      scf.yield %scan3A_620 : i32
    }
    %scan3A_236 = arith.constant 78 : i32
    %scan3A_237 = arith.constant 0 : i32
    %scan3A_238 = arith.constant 0 : i32
    %scan3A_239 = arith.constant 128 : i32
    %scan3A_240 = arith.addi %scan3A_238, %scan3A_239 : i32
    %scan3A_241 = arith.constant 1 : i32
    %scan3A_242 = scf.for %scan3A_604 = %scan3A_238 to %scan3A_240 step %scan3A_241 iter_args(%scan3A_605 = %scan3A_237) -> (i32)  : i32 {
      %swap3A_606 = arith.index_cast %scan3A_604 : i32 to index
      %swap3A_607 = arith.constant 0 : index
      %swap3A_608 = tpu.vector_load %arg6[%swap3A_606, %swap3A_607] {strides = array<i32>} : memref<128x128xf32, #tpu.memory_space<vmem>>, vector<16xf32>,
      tpu.vector_store %arg6[%swap3A_606, %swap3A_607], %broadcast_in_dim3A_3 {strides = array<i32>} : memref<128x128xf32, #tpu.memory_space<vmem>>, vector<16xf32>,
      %swap3A_609 = arith.index_cast %scan3A_604 : i32 to index
      %swap3A_610 = arith.constant 16 : index
      %swap3A_611 = tpu.vector_load %arg6[%swap3A_609, %swap3A_610] {strides = array<i32>} : memref<128x128xf32, #tpu.memory_space<vmem>>, vector<16xf32>,
      tpu.vector_store %arg6[%swap3A_609, %swap3A_610], %broadcast_in_dim3A_3 {strides = array<i32>} : memref<128x128xf32, #tpu.memory_space<vmem>>, vector<16xf32>,
      %swap3A_612 = arith.index_cast %scan3A_604 : i32 to index
      %swap3A_613 = arith.constant 32 : index
      %swap3A_614 = tpu.vector_load %arg6[%swap3A_612, %swap3A_613] {strides = array<i32>} : memref<128x128xf32, #tpu.memory_space<vmem>>, vector<16xf32>,
      tpu.vector_store %arg6[%swap3A_612, %swap3A_613], %broadcast_in_dim3A_3 {strides = array<i32>} : memref<128x128xf32, #tpu.memory_space<vmem>>, vector<16xf32>,
      %swap3A_615 = arith.index_cast %scan3A_604 : i32 to index
      %swap3A_616 = arith.constant 48 : index
      %swap3A_617 = tpu.vector_load %arg6[%swap3A_615, %swap3A_616] {strides = array<i32>} : memref<128x128xf32, #tpu.memory_space<vmem>>, vector<16xf32>,
      tpu.vector_store %arg6[%swap3A_615, %swap3A_616], %broadcast_in_dim3A_3 {strides = array<i32>} : memref<128x128xf32, #tpu.memory_space<vmem>>, vector<16xf32>,
      %swap3A_618 = arith.index_cast %scan3A_604 : i32 to index
      %swap3A_619 = arith.constant 64 : index
      %swap3A_620 = tpu.vector_load %arg6[%swap3A_618, %swap3A_619] {strides = array<i32>} : memref<128x128xf32, #tpu.memory_space<vmem>>, vector<16xf32>,
      tpu.vector_store %arg6[%swap3A_618, %swap3A_619], %broadcast_in_dim3A_3 {strides = array<i32>} : memref<128x128xf32, #tpu.memory_space<vmem>>, vector<16xf32>,
      %swap3A_621 = arith.index_cast %scan3A_604 : i32 to index
      %swap3A_622 = arith.constant 80 : index
      %swap3A_623 = tpu.vector_load %arg6[%swap3A_621, %swap3A_622] {strides = array<i32>} : memref<128x128xf32, #tpu.memory_space<vmem>>, vector<16xf32>,
      tpu.vector_store %arg6[%swap3A_621, %swap3A_622], %broadcast_in_dim3A_3 {strides = array<i32>} : memref<128x128xf32, #tpu.memory_space<vmem>>, vector<16xf32>,
      %swap3A_624 = arith.index_cast %scan3A_604 : i32 to index
      %swap3A_625 = arith.constant 96 : index
      %swap3A_626 = tpu.vector_load %arg6[%swap3A_624, %swap3A_625] {strides = array<i32>} : memref<128x128xf32, #tpu.memory_space<vmem>>, vector<16xf32>,
      tpu.vector_store %arg6[%swap3A_624, %swap3A_625], %broadcast_in_dim3A_3 {strides = array<i32>} : memref<128x128xf32, #tpu.memory_space<vmem>>, vector<16xf32>,
      %swap3A_627 = arith.index_cast %scan3A_604 : i32 to index
      %swap3A_628 = arith.constant 112 : index
      %swap3A_629 = tpu.vector_load %arg6[%swap3A_627, %swap3A_628] {strides = array<i32>} : memref<128x128xf32, #tpu.memory_space<vmem>>, vector<16xf32>,
      tpu.vector_store %arg6[%swap3A_627, %swap3A_628], %broadcast_in_dim3A_3 {strides = array<i32>} : memref<128x128xf32, #tpu.memory_space<vmem>>, vector<16xf32>,
      %scan3A_630 = arith.constant 0 : i32
      scf.yield %scan3A_630 : i32
    }
    %scan3A_243 = arith.constant 128 : i32
    %mul3A_244 = arith.constant 640 : i32
    %mul3A_245 = arith.muli %arg1, %mul3A_244 : i32
    %add3A_246 = arith.constant 0 : i32
    %add3A_247 = arith.addi %mul3A_245, %add3A_246 : i32
    "tpu.region"() ({
      %run_scoped3A_604 = tpu.sem_alloc : memref<!tpu.dma_semaphore, #tpu.memory_space<semaphore_mem>>
      %dma_start3A_605 = arith.constant 0 : i32
      %dma_start3A_606 = tpu.memref_slice %arg5[%add3A_247, %dma_start3A_605] : memref<10240x128xf32, #tpu.memory_space<vmem_shared>> -> memref<128x128xf32, #tpu.memory_space<vmem_shared>>
      %dma_start3A_607 = arith.constant 0 : i32
      %dma_start3A_608 = tpu.memref_slice %arg5[%add3A_247, %dma_start3A_607] : memref<10240x128xf32, #tpu.memory_space<vmem_shared>> -> memref<128x128xf32, #tpu.memory_space<vmem_shared>>
      tpu.enqueue_dma source(%arg6 : memref<128x128xf32, #tpu.memory_space<vmem>>) target(%dma_start3A_608 : memref<128x128xf32, #tpu.memory_space<vmem_shared>>) target_semaphore(%run_scoped3A_604 : memref<!tpu.dma_semaphore, #tpu.memory_space<semaphore_mem>>)
      %dma_wait3A_609 = arith.constant 0 : i32
      %dma_wait3A_610 = tpu.memref_slice %arg5[%add3A_247, %dma_wait3A_609] : memref<10240x128xf32, #tpu.memory_space<vmem_shared>> -> memref<128x128xf32, #tpu.memory_space<vmem_shared>>
      %dma_wait3A_611 = arith.constant 0 : i32
      %dma_wait3A_612 = tpu.memref_slice %arg5[%add3A_247, %dma_wait3A_611] : memref<10240x128xf32, #tpu.memory_space<vmem_shared>> -> memref<128x128xf32, #tpu.memory_space<vmem_shared>>
      tpu.wait_dma2 semaphore(%run_scoped3A_604 : memref<!tpu.dma_semaphore, #tpu.memory_space<semaphore_mem>>) src(%arg6 : memref<128x128xf32, #tpu.memory_space<vmem>>) dst(%dma_wait3A_612 : memref<128x128xf32, #tpu.memory_space<vmem_shared>>)
      tpu.yield
    }) : () -> ()
    %add3A_248 = arith.constant 128 : i32
    %add3A_249 = arith.addi %mul3A_245, %add3A_248 : i32
    "tpu.region"() ({
      %run_scoped3A_604 = tpu.sem_alloc : memref<!tpu.dma_semaphore, #tpu.memory_space<semaphore_mem>>
      %dma_start3A_605 = arith.constant 0 : i32
      %dma_start3A_606 = tpu.memref_slice %arg5[%add3A_249, %dma_start3A_605] : memref<10240x128xf32, #tpu.memory_space<vmem_shared>> -> memref<128x128xf32, #tpu.memory_space<vmem_shared>>
      %dma_start3A_607 = arith.constant 0 : i32
      %dma_start3A_608 = tpu.memref_slice %arg5[%add3A_249, %dma_start3A_607] : memref<10240x128xf32, #tpu.memory_space<vmem_shared>> -> memref<128x128xf32, #tpu.memory_space<vmem_shared>>
      tpu.enqueue_dma source(%arg6 : memref<128x128xf32, #tpu.memory_space<vmem>>) target(%dma_start3A_608 : memref<128x128xf32, #tpu.memory_space<vmem_shared>>) target_semaphore(%run_scoped3A_604 : memref<!tpu.dma_semaphore, #tpu.memory_space<semaphore_mem>>)
      %dma_wait3A_609 = arith.constant 0 : i32
      %dma_wait3A_610 = tpu.memref_slice %arg5[%add3A_249, %dma_wait3A_609] : memref<10240x128xf32, #tpu.memory_space<vmem_shared>> -> memref<128x128xf32, #tpu.memory_space<vmem_shared>>
      %dma_wait3A_611 = arith.constant 0 : i32
      %dma_wait3A_612 = tpu.memref_slice %arg5[%add3A_249, %dma_wait3A_611] : memref<10240x128xf32, #tpu.memory_space<vmem_shared>> -> memref<128x128xf32, #tpu.memory_space<vmem_shared>>
      tpu.wait_dma2 semaphore(%run_scoped3A_604 : memref<!tpu.dma_semaphore, #tpu.memory_space<semaphore_mem>>) src(%arg6 : memref<128x128xf32, #tpu.memory_space<vmem>>) dst(%dma_wait3A_612 : memref<128x128xf32, #tpu.memory_space<vmem_shared>>)
      tpu.yield
    }) : () -> ()
    %add3A_250 = arith.constant 256 : i32
    %add3A_251 = arith.addi %mul3A_245, %add3A_250 : i32
    "tpu.region"() ({
      %run_scoped3A_604 = tpu.sem_alloc : memref<!tpu.dma_semaphore, #tpu.memory_space<semaphore_mem>>
      %dma_start3A_605 = arith.constant 0 : i32
      %dma_start3A_606 = tpu.memref_slice %arg5[%add3A_251, %dma_start3A_605] : memref<10240x128xf32, #tpu.memory_space<vmem_shared>> -> memref<128x128xf32, #tpu.memory_space<vmem_shared>>
      %dma_start3A_607 = arith.constant 0 : i32
      %dma_start3A_608 = tpu.memref_slice %arg5[%add3A_251, %dma_start3A_607] : memref<10240x128xf32, #tpu.memory_space<vmem_shared>> -> memref<128x128xf32, #tpu.memory_space<vmem_shared>>
      tpu.enqueue_dma source(%arg6 : memref<128x128xf32, #tpu.memory_space<vmem>>) target(%dma_start3A_608 : memref<128x128xf32, #tpu.memory_space<vmem_shared>>) target_semaphore(%run_scoped3A_604 : memref<!tpu.dma_semaphore, #tpu.memory_space<semaphore_mem>>)
      %dma_wait3A_609 = arith.constant 0 : i32
      %dma_wait3A_610 = tpu.memref_slice %arg5[%add3A_251, %dma_wait3A_609] : memref<10240x128xf32, #tpu.memory_space<vmem_shared>> -> memref<128x128xf32, #tpu.memory_space<vmem_shared>>
      %dma_wait3A_611 = arith.constant 0 : i32
      %dma_wait3A_612 = tpu.memref_slice %arg5[%add3A_251, %dma_wait3A_611] : memref<10240x128xf32, #tpu.memory_space<vmem_shared>> -> memref<128x128xf32, #tpu.memory_space<vmem_shared>>
      tpu.wait_dma2 semaphore(%run_scoped3A_604 : memref<!tpu.dma_semaphore, #tpu.memory_space<semaphore_mem>>) src(%arg6 : memref<128x128xf32, #tpu.memory_space<vmem>>) dst(%dma_wait3A_612 : memref<128x128xf32, #tpu.memory_space<vmem_shared>>)
      tpu.yield
    }) : () -> ()
    %add3A_252 = arith.constant 384 : i32
    %add3A_253 = arith.addi %mul3A_245, %add3A_252 : i32
    "tpu.region"() ({
      %run_scoped3A_604 = tpu.sem_alloc : memref<!tpu.dma_semaphore, #tpu.memory_space<semaphore_mem>>
      %dma_start3A_605 = arith.constant 0 : i32
      %dma_start3A_606 = tpu.memref_slice %arg5[%add3A_253, %dma_start3A_605] : memref<10240x128xf32, #tpu.memory_space<vmem_shared>> -> memref<128x128xf32, #tpu.memory_space<vmem_shared>>
      %dma_start3A_607 = arith.constant 0 : i32
      %dma_start3A_608 = tpu.memref_slice %arg5[%add3A_253, %dma_start3A_607] : memref<10240x128xf32, #tpu.memory_space<vmem_shared>> -> memref<128x128xf32, #tpu.memory_space<vmem_shared>>
      tpu.enqueue_dma source(%arg6 : memref<128x128xf32, #tpu.memory_space<vmem>>) target(%dma_start3A_608 : memref<128x128xf32, #tpu.memory_space<vmem_shared>>) target_semaphore(%run_scoped3A_604 : memref<!tpu.dma_semaphore, #tpu.memory_space<semaphore_mem>>)
      %dma_wait3A_609 = arith.constant 0 : i32
      %dma_wait3A_610 = tpu.memref_slice %arg5[%add3A_253, %dma_wait3A_609] : memref<10240x128xf32, #tpu.memory_space<vmem_shared>> -> memref<128x128xf32, #tpu.memory_space<vmem_shared>>
      %dma_wait3A_611 = arith.constant 0 : i32
      %dma_wait3A_612 = tpu.memref_slice %arg5[%add3A_253, %dma_wait3A_611] : memref<10240x128xf32, #tpu.memory_space<vmem_shared>> -> memref<128x128xf32, #tpu.memory_space<vmem_shared>>
      tpu.wait_dma2 semaphore(%run_scoped3A_604 : memref<!tpu.dma_semaphore, #tpu.memory_space<semaphore_mem>>) src(%arg6 : memref<128x128xf32, #tpu.memory_space<vmem>>) dst(%dma_wait3A_612 : memref<128x128xf32, #tpu.memory_space<vmem_shared>>)
      tpu.yield
    }) : () -> ()
    %add3A_254 = arith.constant 512 : i32
    %add3A_255 = arith.addi %mul3A_245, %add3A_254 : i32
    "tpu.region"() ({
      %run_scoped3A_604 = tpu.sem_alloc : memref<!tpu.dma_semaphore, #tpu.memory_space<semaphore_mem>>
      %dma_start3A_605 = arith.constant 0 : i32
      %dma_start3A_606 = tpu.memref_slice %arg5[%add3A_255, %dma_start3A_605] : memref<10240x128xf32, #tpu.memory_space<vmem_shared>> -> memref<128x128xf32, #tpu.memory_space<vmem_shared>>
      %dma_start3A_607 = arith.constant 0 : i32
      %dma_start3A_608 = tpu.memref_slice %arg5[%add3A_255, %dma_start3A_607] : memref<10240x128xf32, #tpu.memory_space<vmem_shared>> -> memref<128x128xf32, #tpu.memory_space<vmem_shared>>
      tpu.enqueue_dma source(%arg6 : memref<128x128xf32, #tpu.memory_space<vmem>>) target(%dma_start3A_608 : memref<128x128xf32, #tpu.memory_space<vmem_shared>>) target_semaphore(%run_scoped3A_604 : memref<!tpu.dma_semaphore, #tpu.memory_space<semaphore_mem>>)
      %dma_wait3A_609 = arith.constant 0 : i32
      %dma_wait3A_610 = tpu.memref_slice %arg5[%add3A_255, %dma_wait3A_609] : memref<10240x128xf32, #tpu.memory_space<vmem_shared>> -> memref<128x128xf32, #tpu.memory_space<vmem_shared>>
      %dma_wait3A_611 = arith.constant 0 : i32
      %dma_wait3A_612 = tpu.memref_slice %arg5[%add3A_255, %dma_wait3A_611] : memref<10240x128xf32, #tpu.memory_space<vmem_shared>> -> memref<128x128xf32, #tpu.memory_space<vmem_shared>>
      tpu.wait_dma2 semaphore(%run_scoped3A_604 : memref<!tpu.dma_semaphore, #tpu.memory_space<semaphore_mem>>) src(%arg6 : memref<128x128xf32, #tpu.memory_space<vmem>>) dst(%dma_wait3A_612 : memref<128x128xf32, #tpu.memory_space<vmem_shared>>)
      tpu.yield
    }) : () -> ()
    %barrier3A = arith.constant 0 : index
    tpu.barrier barrier_id(%barrier3A)
    %run_scoped3A_256 = arith.constant 0 : i32
    %run_scoped3A_257 = arith.constant 0 : i32
    "tpu.region"() ({
      %run_scoped3A_604 = tpu.sem_alloc : memref<!tpu.dma_semaphore, #tpu.memory_space<semaphore_mem>>
      %dma_start3A_605 = arith.constant 0 : i32
      %dma_start3A_606 = tpu.memref_slice %arg8[%run_scoped3A_257, %dma_start3A_605] : memref<4x128xi32, #tpu.memory_space<vmem>> -> memref<1x128xi32, #tpu.memory_space<vmem>>
      %dma_start3A_607 = tpu.memref_squeeze %dma_start3A_606 : memref<1x128xi32, #tpu.memory_space<vmem>> -> memref<128xi32, #tpu.memory_space<vmem>>
      %dma_start3A_608 = tpu.memref_slice %arg2[%run_scoped3A_256, %mul3A_2] : memref<2x320000xi32, #tpu.memory_space<hbm>> -> memref<1x128xi32, #tpu.memory_space<hbm>>
      %dma_start3A_609 = tpu.memref_squeeze %dma_start3A_608 : memref<1x128xi32, #tpu.memory_space<hbm>> -> memref<128xi32, #tpu.memory_space<hbm>>
      %dma_start3A_610 = arith.constant 0 : i32
      %dma_start3A_611 = tpu.memref_slice %arg8[%run_scoped3A_257, %dma_start3A_610] : memref<4x128xi32, #tpu.memory_space<vmem>> -> memref<1x128xi32, #tpu.memory_space<vmem>>
      %dma_start3A_612 = tpu.memref_squeeze %dma_start3A_611 : memref<1x128xi32, #tpu.memory_space<vmem>> -> memref<128xi32, #tpu.memory_space<vmem>>
      %dma_start3A_613 = tpu.memref_slice %arg2[%run_scoped3A_256, %mul3A_2] : memref<2x320000xi32, #tpu.memory_space<hbm>> -> memref<1x128xi32, #tpu.memory_space<hbm>>
      %dma_start3A_614 = tpu.memref_squeeze %dma_start3A_613 : memref<1x128xi32, #tpu.memory_space<hbm>> -> memref<128xi32, #tpu.memory_space<hbm>>
      tpu.enqueue_dma source(%dma_start3A_614 : memref<128xi32, #tpu.memory_space<hbm>>) target(%dma_start3A_612 : memref<128xi32, #tpu.memory_space<vmem>>) target_semaphore(%run_scoped3A_604 : memref<!tpu.dma_semaphore, #tpu.memory_space<semaphore_mem>>)
      %dma_wait3A_615 = arith.constant 0 : i32
      %dma_wait3A_616 = tpu.memref_slice %arg8[%run_scoped3A_257, %dma_wait3A_615] : memref<4x128xi32, #tpu.memory_space<vmem>> -> memref<1x128xi32, #tpu.memory_space<vmem>>
      %dma_wait3A_617 = tpu.memref_squeeze %dma_wait3A_616 : memref<1x128xi32, #tpu.memory_space<vmem>> -> memref<128xi32, #tpu.memory_space<vmem>>
      %dma_wait3A_618 = tpu.memref_slice %arg2[%run_scoped3A_256, %mul3A_2] : memref<2x320000xi32, #tpu.memory_space<hbm>> -> memref<1x128xi32, #tpu.memory_space<hbm>>
      %dma_wait3A_619 = tpu.memref_squeeze %dma_wait3A_618 : memref<1x128xi32, #tpu.memory_space<hbm>> -> memref<128xi32, #tpu.memory_space<hbm>>
      %dma_wait3A_620 = arith.constant 0 : i32
      %dma_wait3A_621 = tpu.memref_slice %arg8[%run_scoped3A_257, %dma_wait3A_620] : memref<4x128xi32, #tpu.memory_space<vmem>> -> memref<1x128xi32, #tpu.memory_space<vmem>>
      %dma_wait3A_622 = tpu.memref_squeeze %dma_wait3A_621 : memref<1x128xi32, #tpu.memory_space<vmem>> -> memref<128xi32, #tpu.memory_space<vmem>>
      %dma_wait3A_623 = tpu.memref_slice %arg2[%run_scoped3A_256, %mul3A_2] : memref<2x320000xi32, #tpu.memory_space<hbm>> -> memref<1x128xi32, #tpu.memory_space<hbm>>
      %dma_wait3A_624 = tpu.memref_squeeze %dma_wait3A_623 : memref<1x128xi32, #tpu.memory_space<hbm>> -> memref<128xi32, #tpu.memory_space<hbm>>
      tpu.wait_dma2 semaphore(%run_scoped3A_604 : memref<!tpu.dma_semaphore, #tpu.memory_space<semaphore_mem>>) src(%dma_wait3A_624 : memref<128xi32, #tpu.memory_space<hbm>>) dst(%dma_wait3A_622 : memref<128xi32, #tpu.memory_space<vmem>>)
      tpu.yield
    }) : () -> ()
    %add3A_258 = arith.constant 128 : i32
    %add3A_259 = arith.addi %mul3A_2, %add3A_258 : i32
    %run_scoped3A_260 = arith.constant 0 : i32
    %run_scoped3A_261 = arith.constant 1 : i32
    "tpu.region"() ({
      %run_scoped3A_604 = tpu.sem_alloc : memref<!tpu.dma_semaphore, #tpu.memory_space<semaphore_mem>>
      %dma_start3A_605 = arith.constant 0 : i32
      %dma_start3A_606 = tpu.memref_slice %arg8[%run_scoped3A_261, %dma_start3A_605] : memref<4x128xi32, #tpu.memory_space<vmem>> -> memref<1x128xi32, #tpu.memory_space<vmem>>
      %dma_start3A_607 = tpu.memref_squeeze %dma_start3A_606 : memref<1x128xi32, #tpu.memory_space<vmem>> -> memref<128xi32, #tpu.memory_space<vmem>>
      %dma_start3A_608 = tpu.memref_slice %arg2[%run_scoped3A_260, %add3A_259] : memref<2x320000xi32, #tpu.memory_space<hbm>> -> memref<1x128xi32, #tpu.memory_space<hbm>>
      %dma_start3A_609 = tpu.memref_squeeze %dma_start3A_608 : memref<1x128xi32, #tpu.memory_space<hbm>> -> memref<128xi32, #tpu.memory_space<hbm>>
      %dma_start3A_610 = arith.constant 0 : i32
      %dma_start3A_611 = tpu.memref_slice %arg8[%run_scoped3A_261, %dma_start3A_610] : memref<4x128xi32, #tpu.memory_space<vmem>> -> memref<1x128xi32, #tpu.memory_space<vmem>>
      %dma_start3A_612 = tpu.memref_squeeze %dma_start3A_611 : memref<1x128xi32, #tpu.memory_space<vmem>> -> memref<128xi32, #tpu.memory_space<vmem>>
      %dma_start3A_613 = tpu.memref_slice %arg2[%run_scoped3A_260, %add3A_259] : memref<2x320000xi32, #tpu.memory_space<hbm>> -> memref<1x128xi32, #tpu.memory_space<hbm>>
      %dma_start3A_614 = tpu.memref_squeeze %dma_start3A_613 : memref<1x128xi32, #tpu.memory_space<hbm>> -> memref<128xi32, #tpu.memory_space<hbm>>
      tpu.enqueue_dma source(%dma_start3A_614 : memref<128xi32, #tpu.memory_space<hbm>>) target(%dma_start3A_612 : memref<128xi32, #tpu.memory_space<vmem>>) target_semaphore(%run_scoped3A_604 : memref<!tpu.dma_semaphore, #tpu.memory_space<semaphore_mem>>)
      %dma_wait3A_615 = arith.constant 0 : i32
      %dma_wait3A_616 = tpu.memref_slice %arg8[%run_scoped3A_261, %dma_wait3A_615] : memref<4x128xi32, #tpu.memory_space<vmem>> -> memref<1x128xi32, #tpu.memory_space<vmem>>
      %dma_wait3A_617 = tpu.memref_squeeze %dma_wait3A_616 : memref<1x128xi32, #tpu.memory_space<vmem>> -> memref<128xi32, #tpu.memory_space<vmem>>
      %dma_wait3A_618 = tpu.memref_slice %arg2[%run_scoped3A_260, %add3A_259] : memref<2x320000xi32, #tpu.memory_space<hbm>> -> memref<1x128xi32, #tpu.memory_space<hbm>>
      %dma_wait3A_619 = tpu.memref_squeeze %dma_wait3A_618 : memref<1x128xi32, #tpu.memory_space<hbm>> -> memref<128xi32, #tpu.memory_space<hbm>>
      %dma_wait3A_620 = arith.constant 0 : i32
      %dma_wait3A_621 = tpu.memref_slice %arg8[%run_scoped3A_261, %dma_wait3A_620] : memref<4x128xi32, #tpu.memory_space<vmem>> -> memref<1x128xi32, #tpu.memory_space<vmem>>
      %dma_wait3A_622 = tpu.memref_squeeze %dma_wait3A_621 : memref<1x128xi32, #tpu.memory_space<vmem>> -> memref<128xi32, #tpu.memory_space<vmem>>
      %dma_wait3A_623 = tpu.memref_slice %arg2[%run_scoped3A_260, %add3A_259] : memref<2x320000xi32, #tpu.memory_space<hbm>> -> memref<1x128xi32, #tpu.memory_space<hbm>>
      %dma_wait3A_624 = tpu.memref_squeeze %dma_wait3A_623 : memref<1x128xi32, #tpu.memory_space<hbm>> -> memref<128xi32, #tpu.memory_space<hbm>>
      tpu.wait_dma2 semaphore(%run_scoped3A_604 : memref<!tpu.dma_semaphore, #tpu.memory_space<semaphore_mem>>) src(%dma_wait3A_624 : memref<128xi32, #tpu.memory_space<hbm>>) dst(%dma_wait3A_622 : memref<128xi32, #tpu.memory_space<vmem>>)
      tpu.yield
    }) : () -> ()
    %dma_start3A = arith.constant 0 : i32
    %dma_start3A_262 = arith.constant 0 : i32
    %dma_start3A_263 = tpu.memref_slice %arg8[%dma_start3A, %dma_start3A_262] : memref<4x128xi32, #tpu.memory_space<vmem>> -> memref<1x128xi32, #tpu.memory_space<vmem>>
    %dma_start3A_264 = tpu.memref_squeeze %dma_start3A_263 : memref<1x128xi32, #tpu.memory_space<vmem>> -> memref<128xi32, #tpu.memory_space<vmem>>
    %dma_start3A_265 = arith.constant 0 : i32
    %dma_start3A_266 = arith.constant 0 : i32
    %dma_start3A_267 = tpu.memref_slice %arg3[%dma_start3A_265, %dma_start3A_266] : memref<10240x128xf32, #tpu.memory_space<hbm>> -> memref<10240x128xf32, #tpu.memory_space<hbm>>
    tpu.enqueue_indirect_dma source(%dma_start3A_267 : memref<10240x128xf32, #tpu.memory_space<hbm>>) target(%arg6 : memref<128x128xf32, #tpu.memory_space<vmem>>) offsets(%dma_start3A_264 : memref<128xi32, #tpu.memory_space<vmem>>) semaphore(%arg11 : memref<!tpu.dma_semaphore, #tpu.memory_space<semaphore_mem>>)
    %dma_start3A_268 = arith.constant 1 : i32
    %dma_start3A_269 = arith.constant 0 : i32
    %dma_start3A_270 = tpu.memref_slice %arg8[%dma_start3A_268, %dma_start3A_269] : memref<4x128xi32, #tpu.memory_space<vmem>> -> memref<1x128xi32, #tpu.memory_space<vmem>>
    %dma_start3A_271 = tpu.memref_squeeze %dma_start3A_270 : memref<1x128xi32, #tpu.memory_space<vmem>> -> memref<128xi32, #tpu.memory_space<vmem>>
    %dma_start3A_272 = arith.constant 0 : i32
    %dma_start3A_273 = arith.constant 0 : i32
    %dma_start3A_274 = tpu.memref_slice %arg3[%dma_start3A_272, %dma_start3A_273] : memref<10240x128xf32, #tpu.memory_space<hbm>> -> memref<10240x128xf32, #tpu.memory_space<hbm>>
    tpu.enqueue_indirect_dma source(%dma_start3A_274 : memref<10240x128xf32, #tpu.memory_space<hbm>>) target(%arg7 : memref<128x128xf32, #tpu.memory_space<vmem>>) offsets(%dma_start3A_271 : memref<128xi32, #tpu.memory_space<vmem>>) semaphore(%arg12 : memref<!tpu.dma_semaphore, #tpu.memory_space<semaphore_mem>>)
    %add3A_275 = arith.constant 256 : i32
    %add3A_276 = arith.addi %mul3A_2, %add3A_275 : i32
    %dma_start3A_277 = arith.constant 0 : i32
    %dma_start3A_278 = arith.constant 2 : i32
    %dma_start3A_279 = arith.constant 0 : i32
    %dma_start3A_280 = tpu.memref_slice %arg8[%dma_start3A_278, %dma_start3A_279] : memref<4x128xi32, #tpu.memory_space<vmem>> -> memref<1x128xi32, #tpu.memory_space<vmem>>
    %dma_start3A_281 = tpu.memref_squeeze %dma_start3A_280 : memref<1x128xi32, #tpu.memory_space<vmem>> -> memref<128xi32, #tpu.memory_space<vmem>>
    %dma_start3A_282 = tpu.memref_slice %arg2[%dma_start3A_277, %add3A_276] : memref<2x320000xi32, #tpu.memory_space<hbm>> -> memref<1x128xi32, #tpu.memory_space<hbm>>
    %dma_start3A_283 = tpu.memref_squeeze %dma_start3A_282 : memref<1x128xi32, #tpu.memory_space<hbm>> -> memref<128xi32, #tpu.memory_space<hbm>>
    %dma_start3A_284 = arith.constant 0 : i32
    %dma_start3A_285 = tpu.memref_slice %arg8[%dma_start3A_278, %dma_start3A_284] : memref<4x128xi32, #tpu.memory_space<vmem>> -> memref<1x128xi32, #tpu.memory_space<vmem>>
    %dma_start3A_286 = tpu.memref_squeeze %dma_start3A_285 : memref<1x128xi32, #tpu.memory_space<vmem>> -> memref<128xi32, #tpu.memory_space<vmem>>
    %dma_start3A_287 = tpu.memref_slice %arg2[%dma_start3A_277, %add3A_276] : memref<2x320000xi32, #tpu.memory_space<hbm>> -> memref<1x128xi32, #tpu.memory_space<hbm>>
    %dma_start3A_288 = tpu.memref_squeeze %dma_start3A_287 : memref<1x128xi32, #tpu.memory_space<hbm>> -> memref<128xi32, #tpu.memory_space<hbm>>
    tpu.enqueue_dma source(%dma_start3A_288 : memref<128xi32, #tpu.memory_space<hbm>>) target(%dma_start3A_286 : memref<128xi32, #tpu.memory_space<vmem>>) target_semaphore(%arg17 : memref<!tpu.dma_semaphore, #tpu.memory_space<semaphore_mem>>)
    %add3A_289 = arith.constant 384 : i32
    %add3A_290 = arith.addi %mul3A_2, %add3A_289 : i32
    %dma_start3A_291 = arith.constant 0 : i32
    %dma_start3A_292 = arith.constant 3 : i32
    %dma_start3A_293 = arith.constant 0 : i32
    %dma_start3A_294 = tpu.memref_slice %arg8[%dma_start3A_292, %dma_start3A_293] : memref<4x128xi32, #tpu.memory_space<vmem>> -> memref<1x128xi32, #tpu.memory_space<vmem>>
    %dma_start3A_295 = tpu.memref_squeeze %dma_start3A_294 : memref<1x128xi32, #tpu.memory_space<vmem>> -> memref<128xi32, #tpu.memory_space<vmem>>
    %dma_start3A_296 = tpu.memref_slice %arg2[%dma_start3A_291, %add3A_290] : memref<2x320000xi32, #tpu.memory_space<hbm>> -> memref<1x128xi32, #tpu.memory_space<hbm>>
    %dma_start3A_297 = tpu.memref_squeeze %dma_start3A_296 : memref<1x128xi32, #tpu.memory_space<hbm>> -> memref<128xi32, #tpu.memory_space<hbm>>
    %dma_start3A_298 = arith.constant 0 : i32
    %dma_start3A_299 = tpu.memref_slice %arg8[%dma_start3A_292, %dma_start3A_298] : memref<4x128xi32, #tpu.memory_space<vmem>> -> memref<1x128xi32, #tpu.memory_space<vmem>>
    %dma_start3A_300 = tpu.memref_squeeze %dma_start3A_299 : memref<1x128xi32, #tpu.memory_space<vmem>> -> memref<128xi32, #tpu.memory_space<vmem>>
    %dma_start3A_301 = tpu.memref_slice %arg2[%dma_start3A_291, %add3A_290] : memref<2x320000xi32, #tpu.memory_space<hbm>> -> memref<1x128xi32, #tpu.memory_space<hbm>>
    %dma_start3A_302 = tpu.memref_squeeze %dma_start3A_301 : memref<1x128xi32, #tpu.memory_space<hbm>> -> memref<128xi32, #tpu.memory_space<hbm>>
    tpu.enqueue_dma source(%dma_start3A_302 : memref<128xi32, #tpu.memory_space<hbm>>) target(%dma_start3A_300 : memref<128xi32, #tpu.memory_space<vmem>>) target_semaphore(%arg18 : memref<!tpu.dma_semaphore, #tpu.memory_space<semaphore_mem>>)
    %scan3A_303 = arith.constant 0 : i32
    %scan3A_304 = arith.constant 0 : i32
    %scan3A_305 = arith.constant 18 : i32
    %scan3A_306 = arith.addi %scan3A_304, %scan3A_305 : i32
    %scan3A_307 = arith.constant 1 : i32
    %scan3A_308 = scf.for %scan3A_604 = %scan3A_304 to %scan3A_306 step %scan3A_307 iter_args(%scan3A_605 = %scan3A_303) -> (i32)  : i32 {
      %mul3A_606 = arith.constant 4 : i32
      %mul3A_607 = arith.muli %mul3A_606, %scan3A_604 : i32
      %dma_wait3A_608 = arith.constant 0 : i32
      %dma_wait3A_609 = arith.constant 0 : i32
      %dma_wait3A_610 = tpu.memref_slice %arg8[%dma_wait3A_608, %dma_wait3A_609] : memref<4x128xi32, #tpu.memory_space<vmem>> -> memref<1x128xi32, #tpu.memory_space<vmem>>
      %dma_wait3A_611 = tpu.memref_squeeze %dma_wait3A_610 : memref<1x128xi32, #tpu.memory_space<vmem>> -> memref<128xi32, #tpu.memory_space<vmem>>
      %dma_wait3A_612 = arith.constant 0 : i32
      %dma_wait3A_613 = arith.constant 0 : i32
      %dma_wait3A_614 = tpu.memref_slice %arg3[%dma_wait3A_612, %dma_wait3A_613] : memref<10240x128xf32, #tpu.memory_space<hbm>> -> memref<10240x128xf32, #tpu.memory_space<hbm>>
      tpu.wait_indirect_dma semaphore(%arg11 : memref<!tpu.dma_semaphore, #tpu.memory_space<semaphore_mem>>) src(%dma_wait3A_614 : memref<10240x128xf32, #tpu.memory_space<hbm>>) dst(%arg6 : memref<128x128xf32, #tpu.memory_space<vmem>>)
      %add3A_615 = arith.constant 4 : i32
      %add3A_616 = arith.addi %mul3A_607, %add3A_615 : i32
      %mul3A_617 = arith.constant 128 : i32
      %mul3A_618 = arith.muli %add3A_616, %mul3A_617 : i32
      %add3A_619 = arith.addi %mul3A_2, %mul3A_618 : i32
      %dma_start3A_620 = arith.constant 0 : i32
      %dma_start3A_621 = arith.constant 0 : i32
      %dma_start3A_622 = arith.constant 0 : i32
      %dma_start3A_623 = tpu.memref_slice %arg8[%dma_start3A_621, %dma_start3A_622] : memref<4x128xi32, #tpu.memory_space<vmem>> -> memref<1x128xi32, #tpu.memory_space<vmem>>
      %dma_start3A_624 = tpu.memref_squeeze %dma_start3A_623 : memref<1x128xi32, #tpu.memory_space<vmem>> -> memref<128xi32, #tpu.memory_space<vmem>>
      %dma_start3A_625 = tpu.memref_slice %arg2[%dma_start3A_620, %add3A_619] : memref<2x320000xi32, #tpu.memory_space<hbm>> -> memref<1x128xi32, #tpu.memory_space<hbm>>
      %dma_start3A_626 = tpu.memref_squeeze %dma_start3A_625 : memref<1x128xi32, #tpu.memory_space<hbm>> -> memref<128xi32, #tpu.memory_space<hbm>>
      %dma_start3A_627 = arith.constant 0 : i32
      %dma_start3A_628 = tpu.memref_slice %arg8[%dma_start3A_621, %dma_start3A_627] : memref<4x128xi32, #tpu.memory_space<vmem>> -> memref<1x128xi32, #tpu.memory_space<vmem>>
      %dma_start3A_629 = tpu.memref_squeeze %dma_start3A_628 : memref<1x128xi32, #tpu.memory_space<vmem>> -> memref<128xi32, #tpu.memory_space<vmem>>
      %dma_start3A_630 = tpu.memref_slice %arg2[%dma_start3A_620, %add3A_619] : memref<2x320000xi32, #tpu.memory_space<hbm>> -> memref<1x128xi32, #tpu.memory_space<hbm>>
      %dma_start3A_631 = tpu.memref_squeeze %dma_start3A_630 : memref<1x128xi32, #tpu.memory_space<hbm>> -> memref<128xi32, #tpu.memory_space<hbm>>
      tpu.enqueue_dma source(%dma_start3A_631 : memref<128xi32, #tpu.memory_space<hbm>>) target(%dma_start3A_629 : memref<128xi32, #tpu.memory_space<vmem>>) target_semaphore(%arg15 : memref<!tpu.dma_semaphore, #tpu.memory_space<semaphore_mem>>)
      %dma_start3A_632 = arith.constant 0 : i32
      %dma_start3A_633 = tpu.memref_slice %arg9[%mul3A_607, %dma_start3A_632] : memref<80x128xi32, #tpu.memory_space<vmem>> -> memref<1x128xi32, #tpu.memory_space<vmem>>
      %dma_start3A_634 = tpu.memref_squeeze %dma_start3A_633 : memref<1x128xi32, #tpu.memory_space<vmem>> -> memref<128xi32, #tpu.memory_space<vmem>>
      %dma_start3A_635 = arith.constant 0 : i32
      %dma_start3A_636 = arith.constant 0 : i32
      %dma_start3A_637 = tpu.memref_slice %arg5[%dma_start3A_635, %dma_start3A_636] : memref<10240x128xf32, #tpu.memory_space<vmem_shared>> -> memref<10240x128xf32, #tpu.memory_space<vmem_shared>>
      tpu.enqueue_indirect_dma source(%arg6 : memref<128x128xf32, #tpu.memory_space<vmem>>) target(%dma_start3A_637 : memref<10240x128xf32, #tpu.memory_space<vmem_shared>>) offsets(%dma_start3A_634 : memref<128xi32, #tpu.memory_space<vmem>>) semaphore(%arg13 : memref<!tpu.dma_semaphore, #tpu.memory_space<semaphore_mem>>) {add = true}
      %dma_wait3A_638 = arith.constant 1 : i32
      %dma_wait3A_639 = arith.constant 0 : i32
      %dma_wait3A_640 = tpu.memref_slice %arg8[%dma_wait3A_638, %dma_wait3A_639] : memref<4x128xi32, #tpu.memory_space<vmem>> -> memref<1x128xi32, #tpu.memory_space<vmem>>
      %dma_wait3A_641 = tpu.memref_squeeze %dma_wait3A_640 : memref<1x128xi32, #tpu.memory_space<vmem>> -> memref<128xi32, #tpu.memory_space<vmem>>
      %dma_wait3A_642 = arith.constant 0 : i32
      %dma_wait3A_643 = arith.constant 0 : i32
      %dma_wait3A_644 = tpu.memref_slice %arg3[%dma_wait3A_642, %dma_wait3A_643] : memref<10240x128xf32, #tpu.memory_space<hbm>> -> memref<10240x128xf32, #tpu.memory_space<hbm>>
      tpu.wait_indirect_dma semaphore(%arg12 : memref<!tpu.dma_semaphore, #tpu.memory_space<semaphore_mem>>) src(%dma_wait3A_644 : memref<10240x128xf32, #tpu.memory_space<hbm>>) dst(%arg7 : memref<128x128xf32, #tpu.memory_space<vmem>>)
      %add3A_645 = arith.constant 5 : i32
      %add3A_646 = arith.addi %mul3A_607, %add3A_645 : i32
      %mul3A_647 = arith.constant 128 : i32
      %mul3A_648 = arith.muli %add3A_646, %mul3A_647 : i32
      %add3A_649 = arith.addi %mul3A_2, %mul3A_648 : i32
      %dma_start3A_650 = arith.constant 0 : i32
      %dma_start3A_651 = arith.constant 1 : i32
      %dma_start3A_652 = arith.constant 0 : i32
      %dma_start3A_653 = tpu.memref_slice %arg8[%dma_start3A_651, %dma_start3A_652] : memref<4x128xi32, #tpu.memory_space<vmem>> -> memref<1x128xi32, #tpu.memory_space<vmem>>
      %dma_start3A_654 = tpu.memref_squeeze %dma_start3A_653 : memref<1x128xi32, #tpu.memory_space<vmem>> -> memref<128xi32, #tpu.memory_space<vmem>>
      %dma_start3A_655 = tpu.memref_slice %arg2[%dma_start3A_650, %add3A_649] : memref<2x320000xi32, #tpu.memory_space<hbm>> -> memref<1x128xi32, #tpu.memory_space<hbm>>
      %dma_start3A_656 = tpu.memref_squeeze %dma_start3A_655 : memref<1x128xi32, #tpu.memory_space<hbm>> -> memref<128xi32, #tpu.memory_space<hbm>>
      %dma_start3A_657 = arith.constant 0 : i32
      %dma_start3A_658 = tpu.memref_slice %arg8[%dma_start3A_651, %dma_start3A_657] : memref<4x128xi32, #tpu.memory_space<vmem>> -> memref<1x128xi32, #tpu.memory_space<vmem>>
      %dma_start3A_659 = tpu.memref_squeeze %dma_start3A_658 : memref<1x128xi32, #tpu.memory_space<vmem>> -> memref<128xi32, #tpu.memory_space<vmem>>
      %dma_start3A_660 = tpu.memref_slice %arg2[%dma_start3A_650, %add3A_649] : memref<2x320000xi32, #tpu.memory_space<hbm>> -> memref<1x128xi32, #tpu.memory_space<hbm>>
      %dma_start3A_661 = tpu.memref_squeeze %dma_start3A_660 : memref<1x128xi32, #tpu.memory_space<hbm>> -> memref<128xi32, #tpu.memory_space<hbm>>
      tpu.enqueue_dma source(%dma_start3A_661 : memref<128xi32, #tpu.memory_space<hbm>>) target(%dma_start3A_659 : memref<128xi32, #tpu.memory_space<vmem>>) target_semaphore(%arg16 : memref<!tpu.dma_semaphore, #tpu.memory_space<semaphore_mem>>)
      %add3A_662 = arith.constant 1 : i32
      %add3A_663 = arith.addi %mul3A_607, %add3A_662 : i32
      %dma_start3A_664 = arith.constant 0 : i32
      %dma_start3A_665 = tpu.memref_slice %arg9[%add3A_663, %dma_start3A_664] : memref<80x128xi32, #tpu.memory_space<vmem>> -> memref<1x128xi32, #tpu.memory_space<vmem>>
      %dma_start3A_666 = tpu.memref_squeeze %dma_start3A_665 : memref<1x128xi32, #tpu.memory_space<vmem>> -> memref<128xi32, #tpu.memory_space<vmem>>
      %dma_start3A_667 = arith.constant 0 : i32
      %dma_start3A_668 = arith.constant 0 : i32
      %dma_start3A_669 = tpu.memref_slice %arg5[%dma_start3A_667, %dma_start3A_668] : memref<10240x128xf32, #tpu.memory_space<vmem_shared>> -> memref<10240x128xf32, #tpu.memory_space<vmem_shared>>
      tpu.enqueue_indirect_dma source(%arg7 : memref<128x128xf32, #tpu.memory_space<vmem>>) target(%dma_start3A_669 : memref<10240x128xf32, #tpu.memory_space<vmem_shared>>) offsets(%dma_start3A_666 : memref<128xi32, #tpu.memory_space<vmem>>) semaphore(%arg14 : memref<!tpu.dma_semaphore, #tpu.memory_space<semaphore_mem>>) {add = true}
      %dma_wait3A_670 = arith.constant 0 : i32
      %dma_wait3A_671 = tpu.memref_slice %arg9[%mul3A_607, %dma_wait3A_670] : memref<80x128xi32, #tpu.memory_space<vmem>> -> memref<1x128xi32, #tpu.memory_space<vmem>>
      %dma_wait3A_672 = tpu.memref_squeeze %dma_wait3A_671 : memref<1x128xi32, #tpu.memory_space<vmem>> -> memref<128xi32, #tpu.memory_space<vmem>>
      %dma_wait3A_673 = arith.constant 0 : i32
      %dma_wait3A_674 = arith.constant 0 : i32
      %dma_wait3A_675 = tpu.memref_slice %arg5[%dma_wait3A_673, %dma_wait3A_674] : memref<10240x128xf32, #tpu.memory_space<vmem_shared>> -> memref<10240x128xf32, #tpu.memory_space<vmem_shared>>
      tpu.wait_indirect_dma semaphore(%arg13 : memref<!tpu.dma_semaphore, #tpu.memory_space<semaphore_mem>>) src(%arg6 : memref<128x128xf32, #tpu.memory_space<vmem>>) dst(%dma_wait3A_675 : memref<10240x128xf32, #tpu.memory_space<vmem_shared>>)
      %add3A_676 = arith.constant 2 : i32
      %add3A_677 = arith.addi %mul3A_607, %add3A_676 : i32
      %mul3A_678 = arith.constant 128 : i32
      %mul3A_679 = arith.muli %add3A_677, %mul3A_678 : i32
      %add3A_680 = arith.addi %mul3A_2, %mul3A_679 : i32
      %dma_wait3A_681 = arith.constant 0 : i32
      %dma_wait3A_682 = arith.constant 2 : i32
      %dma_wait3A_683 = arith.constant 0 : i32
      %dma_wait3A_684 = tpu.memref_slice %arg8[%dma_wait3A_682, %dma_wait3A_683] : memref<4x128xi32, #tpu.memory_space<vmem>> -> memref<1x128xi32, #tpu.memory_space<vmem>>
      %dma_wait3A_685 = tpu.memref_squeeze %dma_wait3A_684 : memref<1x128xi32, #tpu.memory_space<vmem>> -> memref<128xi32, #tpu.memory_space<vmem>>
      %dma_wait3A_686 = tpu.memref_slice %arg2[%dma_wait3A_681, %add3A_680] : memref<2x320000xi32, #tpu.memory_space<hbm>> -> memref<1x128xi32, #tpu.memory_space<hbm>>
      %dma_wait3A_687 = tpu.memref_squeeze %dma_wait3A_686 : memref<1x128xi32, #tpu.memory_space<hbm>> -> memref<128xi32, #tpu.memory_space<hbm>>
      %dma_wait3A_688 = arith.constant 0 : i32
      %dma_wait3A_689 = tpu.memref_slice %arg8[%dma_wait3A_682, %dma_wait3A_688] : memref<4x128xi32, #tpu.memory_space<vmem>> -> memref<1x128xi32, #tpu.memory_space<vmem>>
      %dma_wait3A_690 = tpu.memref_squeeze %dma_wait3A_689 : memref<1x128xi32, #tpu.memory_space<vmem>> -> memref<128xi32, #tpu.memory_space<vmem>>
      %dma_wait3A_691 = tpu.memref_slice %arg2[%dma_wait3A_681, %add3A_680] : memref<2x320000xi32, #tpu.memory_space<hbm>> -> memref<1x128xi32, #tpu.memory_space<hbm>>
      %dma_wait3A_692 = tpu.memref_squeeze %dma_wait3A_691 : memref<1x128xi32, #tpu.memory_space<hbm>> -> memref<128xi32, #tpu.memory_space<hbm>>
      tpu.wait_dma2 semaphore(%arg17 : memref<!tpu.dma_semaphore, #tpu.memory_space<semaphore_mem>>) src(%dma_wait3A_692 : memref<128xi32, #tpu.memory_space<hbm>>) dst(%dma_wait3A_690 : memref<128xi32, #tpu.memory_space<vmem>>)
      %dma_start3A_693 = arith.constant 2 : i32
      %dma_start3A_694 = arith.constant 0 : i32
      %dma_start3A_695 = tpu.memref_slice %arg8[%dma_start3A_693, %dma_start3A_694] : memref<4x128xi32, #tpu.memory_space<vmem>> -> memref<1x128xi32, #tpu.memory_space<vmem>>
      %dma_start3A_696 = tpu.memref_squeeze %dma_start3A_695 : memref<1x128xi32, #tpu.memory_space<vmem>> -> memref<128xi32, #tpu.memory_space<vmem>>
      %dma_start3A_697 = arith.constant 0 : i32
      %dma_start3A_698 = arith.constant 0 : i32
      %dma_start3A_699 = tpu.memref_slice %arg3[%dma_start3A_697, %dma_start3A_698] : memref<10240x128xf32, #tpu.memory_space<hbm>> -> memref<10240x128xf32, #tpu.memory_space<hbm>>
      tpu.enqueue_indirect_dma source(%dma_start3A_699 : memref<10240x128xf32, #tpu.memory_space<hbm>>) target(%arg6 : memref<128x128xf32, #tpu.memory_space<vmem>>) offsets(%dma_start3A_696 : memref<128xi32, #tpu.memory_space<vmem>>) semaphore(%arg11 : memref<!tpu.dma_semaphore, #tpu.memory_space<semaphore_mem>>)
      %add3A_700 = arith.constant 1 : i32
      %add3A_701 = arith.addi %mul3A_607, %add3A_700 : i32
      %dma_wait3A_702 = arith.constant 0 : i32
      %dma_wait3A_703 = tpu.memref_slice %arg9[%add3A_701, %dma_wait3A_702] : memref<80x128xi32, #tpu.memory_space<vmem>> -> memref<1x128xi32, #tpu.memory_space<vmem>>
      %dma_wait3A_704 = tpu.memref_squeeze %dma_wait3A_703 : memref<1x128xi32, #tpu.memory_space<vmem>> -> memref<128xi32, #tpu.memory_space<vmem>>
      %dma_wait3A_705 = arith.constant 0 : i32
      %dma_wait3A_706 = arith.constant 0 : i32
      %dma_wait3A_707 = tpu.memref_slice %arg5[%dma_wait3A_705, %dma_wait3A_706] : memref<10240x128xf32, #tpu.memory_space<vmem_shared>> -> memref<10240x128xf32, #tpu.memory_space<vmem_shared>>
      tpu.wait_indirect_dma semaphore(%arg14 : memref<!tpu.dma_semaphore, #tpu.memory_space<semaphore_mem>>) src(%arg7 : memref<128x128xf32, #tpu.memory_space<vmem>>) dst(%dma_wait3A_707 : memref<10240x128xf32, #tpu.memory_space<vmem_shared>>)
      %add3A_708 = arith.constant 3 : i32
      %add3A_709 = arith.addi %mul3A_607, %add3A_708 : i32
      %mul3A_710 = arith.constant 128 : i32
      %mul3A_711 = arith.muli %add3A_709, %mul3A_710 : i32
      %add3A_712 = arith.addi %mul3A_2, %mul3A_711 : i32
      %dma_wait3A_713 = arith.constant 0 : i32
      %dma_wait3A_714 = arith.constant 3 : i32
      %dma_wait3A_715 = arith.constant 0 : i32
      %dma_wait3A_716 = tpu.memref_slice %arg8[%dma_wait3A_714, %dma_wait3A_715] : memref<4x128xi32, #tpu.memory_space<vmem>> -> memref<1x128xi32, #tpu.memory_space<vmem>>
      %dma_wait3A_717 = tpu.memref_squeeze %dma_wait3A_716 : memref<1x128xi32, #tpu.memory_space<vmem>> -> memref<128xi32, #tpu.memory_space<vmem>>
      %dma_wait3A_718 = tpu.memref_slice %arg2[%dma_wait3A_713, %add3A_712] : memref<2x320000xi32, #tpu.memory_space<hbm>> -> memref<1x128xi32, #tpu.memory_space<hbm>>
      %dma_wait3A_719 = tpu.memref_squeeze %dma_wait3A_718 : memref<1x128xi32, #tpu.memory_space<hbm>> -> memref<128xi32, #tpu.memory_space<hbm>>
      %dma_wait3A_720 = arith.constant 0 : i32
      %dma_wait3A_721 = tpu.memref_slice %arg8[%dma_wait3A_714, %dma_wait3A_720] : memref<4x128xi32, #tpu.memory_space<vmem>> -> memref<1x128xi32, #tpu.memory_space<vmem>>
      %dma_wait3A_722 = tpu.memref_squeeze %dma_wait3A_721 : memref<1x128xi32, #tpu.memory_space<vmem>> -> memref<128xi32, #tpu.memory_space<vmem>>
      %dma_wait3A_723 = tpu.memref_slice %arg2[%dma_wait3A_713, %add3A_712] : memref<2x320000xi32, #tpu.memory_space<hbm>> -> memref<1x128xi32, #tpu.memory_space<hbm>>
      %dma_wait3A_724 = tpu.memref_squeeze %dma_wait3A_723 : memref<1x128xi32, #tpu.memory_space<hbm>> -> memref<128xi32, #tpu.memory_space<hbm>>
      tpu.wait_dma2 semaphore(%arg18 : memref<!tpu.dma_semaphore, #tpu.memory_space<semaphore_mem>>) src(%dma_wait3A_724 : memref<128xi32, #tpu.memory_space<hbm>>) dst(%dma_wait3A_722 : memref<128xi32, #tpu.memory_space<vmem>>)
      %dma_start3A_725 = arith.constant 3 : i32
      %dma_start3A_726 = arith.constant 0 : i32
      %dma_start3A_727 = tpu.memref_slice %arg8[%dma_start3A_725, %dma_start3A_726] : memref<4x128xi32, #tpu.memory_space<vmem>> -> memref<1x128xi32, #tpu.memory_space<vmem>>
      %dma_start3A_728 = tpu.memref_squeeze %dma_start3A_727 : memref<1x128xi32, #tpu.memory_space<vmem>> -> memref<128xi32, #tpu.memory_space<vmem>>
      %dma_start3A_729 = arith.constant 0 : i32
      %dma_start3A_730 = arith.constant 0 : i32
      %dma_start3A_731 = tpu.memref_slice %arg3[%dma_start3A_729, %dma_start3A_730] : memref<10240x128xf32, #tpu.memory_space<hbm>> -> memref<10240x128xf32, #tpu.memory_space<hbm>>
      tpu.enqueue_indirect_dma source(%dma_start3A_731 : memref<10240x128xf32, #tpu.memory_space<hbm>>) target(%arg7 : memref<128x128xf32, #tpu.memory_space<vmem>>) offsets(%dma_start3A_728 : memref<128xi32, #tpu.memory_space<vmem>>) semaphore(%arg12 : memref<!tpu.dma_semaphore, #tpu.memory_space<semaphore_mem>>)
      %dma_wait3A_732 = arith.constant 2 : i32
      %dma_wait3A_733 = arith.constant 0 : i32
      %dma_wait3A_734 = tpu.memref_slice %arg8[%dma_wait3A_732, %dma_wait3A_733] : memref<4x128xi32, #tpu.memory_space<vmem>> -> memref<1x128xi32, #tpu.memory_space<vmem>>
      %dma_wait3A_735 = tpu.memref_squeeze %dma_wait3A_734 : memref<1x128xi32, #tpu.memory_space<vmem>> -> memref<128xi32, #tpu.memory_space<vmem>>
      %dma_wait3A_736 = arith.constant 0 : i32
      %dma_wait3A_737 = arith.constant 0 : i32
      %dma_wait3A_738 = tpu.memref_slice %arg3[%dma_wait3A_736, %dma_wait3A_737] : memref<10240x128xf32, #tpu.memory_space<hbm>> -> memref<10240x128xf32, #tpu.memory_space<hbm>>
      tpu.wait_indirect_dma semaphore(%arg11 : memref<!tpu.dma_semaphore, #tpu.memory_space<semaphore_mem>>) src(%dma_wait3A_738 : memref<10240x128xf32, #tpu.memory_space<hbm>>) dst(%arg6 : memref<128x128xf32, #tpu.memory_space<vmem>>)
      %add3A_739 = arith.constant 6 : i32
      %add3A_740 = arith.addi %mul3A_607, %add3A_739 : i32
      %mul3A_741 = arith.constant 128 : i32
      %mul3A_742 = arith.muli %add3A_740, %mul3A_741 : i32
      %add3A_743 = arith.addi %mul3A_2, %mul3A_742 : i32
      %dma_start3A_744 = arith.constant 0 : i32
      %dma_start3A_745 = arith.constant 2 : i32
      %dma_start3A_746 = arith.constant 0 : i32
      %dma_start3A_747 = tpu.memref_slice %arg8[%dma_start3A_745, %dma_start3A_746] : memref<4x128xi32, #tpu.memory_space<vmem>> -> memref<1x128xi32, #tpu.memory_space<vmem>>
      %dma_start3A_748 = tpu.memref_squeeze %dma_start3A_747 : memref<1x128xi32, #tpu.memory_space<vmem>> -> memref<128xi32, #tpu.memory_space<vmem>>
      %dma_start3A_749 = tpu.memref_slice %arg2[%dma_start3A_744, %add3A_743] : memref<2x320000xi32, #tpu.memory_space<hbm>> -> memref<1x128xi32, #tpu.memory_space<hbm>>
      %dma_start3A_750 = tpu.memref_squeeze %dma_start3A_749 : memref<1x128xi32, #tpu.memory_space<hbm>> -> memref<128xi32, #tpu.memory_space<hbm>>
      %dma_start3A_751 = arith.constant 0 : i32
      %dma_start3A_752 = tpu.memref_slice %arg8[%dma_start3A_745, %dma_start3A_751] : memref<4x128xi32, #tpu.memory_space<vmem>> -> memref<1x128xi32, #tpu.memory_space<vmem>>
      %dma_start3A_753 = tpu.memref_squeeze %dma_start3A_752 : memref<1x128xi32, #tpu.memory_space<vmem>> -> memref<128xi32, #tpu.memory_space<vmem>>
      %dma_start3A_754 = tpu.memref_slice %arg2[%dma_start3A_744, %add3A_743] : memref<2x320000xi32, #tpu.memory_space<hbm>> -> memref<1x128xi32, #tpu.memory_space<hbm>>
      %dma_start3A_755 = tpu.memref_squeeze %dma_start3A_754 : memref<1x128xi32, #tpu.memory_space<hbm>> -> memref<128xi32, #tpu.memory_space<hbm>>
      tpu.enqueue_dma source(%dma_start3A_755 : memref<128xi32, #tpu.memory_space<hbm>>) target(%dma_start3A_753 : memref<128xi32, #tpu.memory_space<vmem>>) target_semaphore(%arg17 : memref<!tpu.dma_semaphore, #tpu.memory_space<semaphore_mem>>)
      %add3A_756 = arith.constant 2 : i32
      %add3A_757 = arith.addi %mul3A_607, %add3A_756 : i32
      %dma_start3A_758 = arith.constant 0 : i32
      %dma_start3A_759 = tpu.memref_slice %arg9[%add3A_757, %dma_start3A_758] : memref<80x128xi32, #tpu.memory_space<vmem>> -> memref<1x128xi32, #tpu.memory_space<vmem>>
      %dma_start3A_760 = tpu.memref_squeeze %dma_start3A_759 : memref<1x128xi32, #tpu.memory_space<vmem>> -> memref<128xi32, #tpu.memory_space<vmem>>
      %dma_start3A_761 = arith.constant 0 : i32
      %dma_start3A_762 = arith.constant 0 : i32
      %dma_start3A_763 = tpu.memref_slice %arg5[%dma_start3A_761, %dma_start3A_762] : memref<10240x128xf32, #tpu.memory_space<vmem_shared>> -> memref<10240x128xf32, #tpu.memory_space<vmem_shared>>
      tpu.enqueue_indirect_dma source(%arg6 : memref<128x128xf32, #tpu.memory_space<vmem>>) target(%dma_start3A_763 : memref<10240x128xf32, #tpu.memory_space<vmem_shared>>) offsets(%dma_start3A_760 : memref<128xi32, #tpu.memory_space<vmem>>) semaphore(%arg13 : memref<!tpu.dma_semaphore, #tpu.memory_space<semaphore_mem>>) {add = true}
      %dma_wait3A_764 = arith.constant 3 : i32
      %dma_wait3A_765 = arith.constant 0 : i32
      %dma_wait3A_766 = tpu.memref_slice %arg8[%dma_wait3A_764, %dma_wait3A_765] : memref<4x128xi32, #tpu.memory_space<vmem>> -> memref<1x128xi32, #tpu.memory_space<vmem>>
      %dma_wait3A_767 = tpu.memref_squeeze %dma_wait3A_766 : memref<1x128xi32, #tpu.memory_space<vmem>> -> memref<128xi32, #tpu.memory_space<vmem>>
      %dma_wait3A_768 = arith.constant 0 : i32
      %dma_wait3A_769 = arith.constant 0 : i32
      %dma_wait3A_770 = tpu.memref_slice %arg3[%dma_wait3A_768, %dma_wait3A_769] : memref<10240x128xf32, #tpu.memory_space<hbm>> -> memref<10240x128xf32, #tpu.memory_space<hbm>>
      tpu.wait_indirect_dma semaphore(%arg12 : memref<!tpu.dma_semaphore, #tpu.memory_space<semaphore_mem>>) src(%dma_wait3A_770 : memref<10240x128xf32, #tpu.memory_space<hbm>>) dst(%arg7 : memref<128x128xf32, #tpu.memory_space<vmem>>)
      %add3A_771 = arith.constant 7 : i32
      %add3A_772 = arith.addi %mul3A_607, %add3A_771 : i32
      %mul3A_773 = arith.constant 128 : i32
      %mul3A_774 = arith.muli %add3A_772, %mul3A_773 : i32
      %add3A_775 = arith.addi %mul3A_2, %mul3A_774 : i32
      %dma_start3A_776 = arith.constant 0 : i32
      %dma_start3A_777 = arith.constant 3 : i32
      %dma_start3A_778 = arith.constant 0 : i32
      %dma_start3A_779 = tpu.memref_slice %arg8[%dma_start3A_777, %dma_start3A_778] : memref<4x128xi32, #tpu.memory_space<vmem>> -> memref<1x128xi32, #tpu.memory_space<vmem>>
      %dma_start3A_780 = tpu.memref_squeeze %dma_start3A_779 : memref<1x128xi32, #tpu.memory_space<vmem>> -> memref<128xi32, #tpu.memory_space<vmem>>
      %dma_start3A_781 = tpu.memref_slice %arg2[%dma_start3A_776, %add3A_775] : memref<2x320000xi32, #tpu.memory_space<hbm>> -> memref<1x128xi32, #tpu.memory_space<hbm>>
      %dma_start3A_782 = tpu.memref_squeeze %dma_start3A_781 : memref<1x128xi32, #tpu.memory_space<hbm>> -> memref<128xi32, #tpu.memory_space<hbm>>
      %dma_start3A_783 = arith.constant 0 : i32
      %dma_start3A_784 = tpu.memref_slice %arg8[%dma_start3A_777, %dma_start3A_783] : memref<4x128xi32, #tpu.memory_space<vmem>> -> memref<1x128xi32, #tpu.memory_space<vmem>>
      %dma_start3A_785 = tpu.memref_squeeze %dma_start3A_784 : memref<1x128xi32, #tpu.memory_space<vmem>> -> memref<128xi32, #tpu.memory_space<vmem>>
      %dma_start3A_786 = tpu.memref_slice %arg2[%dma_start3A_776, %add3A_775] : memref<2x320000xi32, #tpu.memory_space<hbm>> -> memref<1x128xi32, #tpu.memory_space<hbm>>
      %dma_start3A_787 = tpu.memref_squeeze %dma_start3A_786 : memref<1x128xi32, #tpu.memory_space<hbm>> -> memref<128xi32, #tpu.memory_space<hbm>>
      tpu.enqueue_dma source(%dma_start3A_787 : memref<128xi32, #tpu.memory_space<hbm>>) target(%dma_start3A_785 : memref<128xi32, #tpu.memory_space<vmem>>) target_semaphore(%arg18 : memref<!tpu.dma_semaphore, #tpu.memory_space<semaphore_mem>>)
      %add3A_788 = arith.constant 3 : i32
      %add3A_789 = arith.addi %mul3A_607, %add3A_788 : i32
      %dma_start3A_790 = arith.constant 0 : i32
      %dma_start3A_791 = tpu.memref_slice %arg9[%add3A_789, %dma_start3A_790] : memref<80x128xi32, #tpu.memory_space<vmem>> -> memref<1x128xi32, #tpu.memory_space<vmem>>
      %dma_start3A_792 = tpu.memref_squeeze %dma_start3A_791 : memref<1x128xi32, #tpu.memory_space<vmem>> -> memref<128xi32, #tpu.memory_space<vmem>>
      %dma_start3A_793 = arith.constant 0 : i32
      %dma_start3A_794 = arith.constant 0 : i32
      %dma_start3A_795 = tpu.memref_slice %arg5[%dma_start3A_793, %dma_start3A_794] : memref<10240x128xf32, #tpu.memory_space<vmem_shared>> -> memref<10240x128xf32, #tpu.memory_space<vmem_shared>>
      tpu.enqueue_indirect_dma source(%arg7 : memref<128x128xf32, #tpu.memory_space<vmem>>) target(%dma_start3A_795 : memref<10240x128xf32, #tpu.memory_space<vmem_shared>>) offsets(%dma_start3A_792 : memref<128xi32, #tpu.memory_space<vmem>>) semaphore(%arg14 : memref<!tpu.dma_semaphore, #tpu.memory_space<semaphore_mem>>) {add = true}
      %add3A_796 = arith.constant 2 : i32
      %add3A_797 = arith.addi %mul3A_607, %add3A_796 : i32
      %dma_wait3A_798 = arith.constant 0 : i32
      %dma_wait3A_799 = tpu.memref_slice %arg9[%add3A_797, %dma_wait3A_798] : memref<80x128xi32, #tpu.memory_space<vmem>> -> memref<1x128xi32, #tpu.memory_space<vmem>>
      %dma_wait3A_800 = tpu.memref_squeeze %dma_wait3A_799 : memref<1x128xi32, #tpu.memory_space<vmem>> -> memref<128xi32, #tpu.memory_space<vmem>>
      %dma_wait3A_801 = arith.constant 0 : i32
      %dma_wait3A_802 = arith.constant 0 : i32
      %dma_wait3A_803 = tpu.memref_slice %arg5[%dma_wait3A_801, %dma_wait3A_802] : memref<10240x128xf32, #tpu.memory_space<vmem_shared>> -> memref<10240x128xf32, #tpu.memory_space<vmem_shared>>
      tpu.wait_indirect_dma semaphore(%arg13 : memref<!tpu.dma_semaphore, #tpu.memory_space<semaphore_mem>>) src(%arg6 : memref<128x128xf32, #tpu.memory_space<vmem>>) dst(%dma_wait3A_803 : memref<10240x128xf32, #tpu.memory_space<vmem_shared>>)
      %add3A_804 = arith.constant 4 : i32
      %add3A_805 = arith.addi %mul3A_607, %add3A_804 : i32
      %mul3A_806 = arith.constant 128 : i32
      %mul3A_807 = arith.muli %add3A_805, %mul3A_806 : i32
      %add3A_808 = arith.addi %mul3A_2, %mul3A_807 : i32
      %dma_wait3A_809 = arith.constant 0 : i32
      %dma_wait3A_810 = arith.constant 0 : i32
      %dma_wait3A_811 = arith.constant 0 : i32
      %dma_wait3A_812 = tpu.memref_slice %arg8[%dma_wait3A_810, %dma_wait3A_811] : memref<4x128xi32, #tpu.memory_space<vmem>> -> memref<1x128xi32, #tpu.memory_space<vmem>>
      %dma_wait3A_813 = tpu.memref_squeeze %dma_wait3A_812 : memref<1x128xi32, #tpu.memory_space<vmem>> -> memref<128xi32, #tpu.memory_space<vmem>>
      %dma_wait3A_814 = tpu.memref_slice %arg2[%dma_wait3A_809, %add3A_808] : memref<2x320000xi32, #tpu.memory_space<hbm>> -> memref<1x128xi32, #tpu.memory_space<hbm>>
      %dma_wait3A_815 = tpu.memref_squeeze %dma_wait3A_814 : memref<1x128xi32, #tpu.memory_space<hbm>> -> memref<128xi32, #tpu.memory_space<hbm>>
      %dma_wait3A_816 = arith.constant 0 : i32
      %dma_wait3A_817 = tpu.memref_slice %arg8[%dma_wait3A_810, %dma_wait3A_816] : memref<4x128xi32, #tpu.memory_space<vmem>> -> memref<1x128xi32, #tpu.memory_space<vmem>>
      %dma_wait3A_818 = tpu.memref_squeeze %dma_wait3A_817 : memref<1x128xi32, #tpu.memory_space<vmem>> -> memref<128xi32, #tpu.memory_space<vmem>>
      %dma_wait3A_819 = tpu.memref_slice %arg2[%dma_wait3A_809, %add3A_808] : memref<2x320000xi32, #tpu.memory_space<hbm>> -> memref<1x128xi32, #tpu.memory_space<hbm>>
      %dma_wait3A_820 = tpu.memref_squeeze %dma_wait3A_819 : memref<1x128xi32, #tpu.memory_space<hbm>> -> memref<128xi32, #tpu.memory_space<hbm>>
      tpu.wait_dma2 semaphore(%arg15 : memref<!tpu.dma_semaphore, #tpu.memory_space<semaphore_mem>>) src(%dma_wait3A_820 : memref<128xi32, #tpu.memory_space<hbm>>) dst(%dma_wait3A_818 : memref<128xi32, #tpu.memory_space<vmem>>)
      %dma_start3A_821 = arith.constant 0 : i32
      %dma_start3A_822 = arith.constant 0 : i32
      %dma_start3A_823 = tpu.memref_slice %arg8[%dma_start3A_821, %dma_start3A_822] : memref<4x128xi32, #tpu.memory_space<vmem>> -> memref<1x128xi32, #tpu.memory_space<vmem>>
      %dma_start3A_824 = tpu.memref_squeeze %dma_start3A_823 : memref<1x128xi32, #tpu.memory_space<vmem>> -> memref<128xi32, #tpu.memory_space<vmem>>
      %dma_start3A_825 = arith.constant 0 : i32
      %dma_start3A_826 = arith.constant 0 : i32
      %dma_start3A_827 = tpu.memref_slice %arg3[%dma_start3A_825, %dma_start3A_826] : memref<10240x128xf32, #tpu.memory_space<hbm>> -> memref<10240x128xf32, #tpu.memory_space<hbm>>
      tpu.enqueue_indirect_dma source(%dma_start3A_827 : memref<10240x128xf32, #tpu.memory_space<hbm>>) target(%arg6 : memref<128x128xf32, #tpu.memory_space<vmem>>) offsets(%dma_start3A_824 : memref<128xi32, #tpu.memory_space<vmem>>) semaphore(%arg11 : memref<!tpu.dma_semaphore, #tpu.memory_space<semaphore_mem>>)
      %add3A_828 = arith.constant 3 : i32
      %add3A_829 = arith.addi %mul3A_607, %add3A_828 : i32
      %dma_wait3A_830 = arith.constant 0 : i32
      %dma_wait3A_831 = tpu.memref_slice %arg9[%add3A_829, %dma_wait3A_830] : memref<80x128xi32, #tpu.memory_space<vmem>> -> memref<1x128xi32, #tpu.memory_space<vmem>>
      %dma_wait3A_832 = tpu.memref_squeeze %dma_wait3A_831 : memref<1x128xi32, #tpu.memory_space<vmem>> -> memref<128xi32, #tpu.memory_space<vmem>>
      %dma_wait3A_833 = arith.constant 0 : i32
      %dma_wait3A_834 = arith.constant 0 : i32
      %dma_wait3A_835 = tpu.memref_slice %arg5[%dma_wait3A_833, %dma_wait3A_834] : memref<10240x128xf32, #tpu.memory_space<vmem_shared>> -> memref<10240x128xf32, #tpu.memory_space<vmem_shared>>
      tpu.wait_indirect_dma semaphore(%arg14 : memref<!tpu.dma_semaphore, #tpu.memory_space<semaphore_mem>>) src(%arg7 : memref<128x128xf32, #tpu.memory_space<vmem>>) dst(%dma_wait3A_835 : memref<10240x128xf32, #tpu.memory_space<vmem_shared>>)
      %add3A_836 = arith.constant 5 : i32
      %add3A_837 = arith.addi %mul3A_607, %add3A_836 : i32
      %mul3A_838 = arith.constant 128 : i32
      %mul3A_839 = arith.muli %add3A_837, %mul3A_838 : i32
      %add3A_840 = arith.addi %mul3A_2, %mul3A_839 : i32
      %dma_wait3A_841 = arith.constant 0 : i32
      %dma_wait3A_842 = arith.constant 1 : i32
      %dma_wait3A_843 = arith.constant 0 : i32
      %dma_wait3A_844 = tpu.memref_slice %arg8[%dma_wait3A_842, %dma_wait3A_843] : memref<4x128xi32, #tpu.memory_space<vmem>> -> memref<1x128xi32, #tpu.memory_space<vmem>>
      %dma_wait3A_845 = tpu.memref_squeeze %dma_wait3A_844 : memref<1x128xi32, #tpu.memory_space<vmem>> -> memref<128xi32, #tpu.memory_space<vmem>>
      %dma_wait3A_846 = tpu.memref_slice %arg2[%dma_wait3A_841, %add3A_840] : memref<2x320000xi32, #tpu.memory_space<hbm>> -> memref<1x128xi32, #tpu.memory_space<hbm>>
      %dma_wait3A_847 = tpu.memref_squeeze %dma_wait3A_846 : memref<1x128xi32, #tpu.memory_space<hbm>> -> memref<128xi32, #tpu.memory_space<hbm>>
      %dma_wait3A_848 = arith.constant 0 : i32
      %dma_wait3A_849 = tpu.memref_slice %arg8[%dma_wait3A_842, %dma_wait3A_848] : memref<4x128xi32, #tpu.memory_space<vmem>> -> memref<1x128xi32, #tpu.memory_space<vmem>>
      %dma_wait3A_850 = tpu.memref_squeeze %dma_wait3A_849 : memref<1x128xi32, #tpu.memory_space<vmem>> -> memref<128xi32, #tpu.memory_space<vmem>>
      %dma_wait3A_851 = tpu.memref_slice %arg2[%dma_wait3A_841, %add3A_840] : memref<2x320000xi32, #tpu.memory_space<hbm>> -> memref<1x128xi32, #tpu.memory_space<hbm>>
      %dma_wait3A_852 = tpu.memref_squeeze %dma_wait3A_851 : memref<1x128xi32, #tpu.memory_space<hbm>> -> memref<128xi32, #tpu.memory_space<hbm>>
      tpu.wait_dma2 semaphore(%arg16 : memref<!tpu.dma_semaphore, #tpu.memory_space<semaphore_mem>>) src(%dma_wait3A_852 : memref<128xi32, #tpu.memory_space<hbm>>) dst(%dma_wait3A_850 : memref<128xi32, #tpu.memory_space<vmem>>)
      %dma_start3A_853 = arith.constant 1 : i32
      %dma_start3A_854 = arith.constant 0 : i32
      %dma_start3A_855 = tpu.memref_slice %arg8[%dma_start3A_853, %dma_start3A_854] : memref<4x128xi32, #tpu.memory_space<vmem>> -> memref<1x128xi32, #tpu.memory_space<vmem>>
      %dma_start3A_856 = tpu.memref_squeeze %dma_start3A_855 : memref<1x128xi32, #tpu.memory_space<vmem>> -> memref<128xi32, #tpu.memory_space<vmem>>
      %dma_start3A_857 = arith.constant 0 : i32
      %dma_start3A_858 = arith.constant 0 : i32
      %dma_start3A_859 = tpu.memref_slice %arg3[%dma_start3A_857, %dma_start3A_858] : memref<10240x128xf32, #tpu.memory_space<hbm>> -> memref<10240x128xf32, #tpu.memory_space<hbm>>
      tpu.enqueue_indirect_dma source(%dma_start3A_859 : memref<10240x128xf32, #tpu.memory_space<hbm>>) target(%arg7 : memref<128x128xf32, #tpu.memory_space<vmem>>) offsets(%dma_start3A_856 : memref<128xi32, #tpu.memory_space<vmem>>) semaphore(%arg12 : memref<!tpu.dma_semaphore, #tpu.memory_space<semaphore_mem>>)
      %scan3A_860 = arith.constant 0 : i32
      scf.yield %scan3A_860 : i32
    }
    %scan3A_309 = arith.constant 18 : i32
    %dma_wait3A = arith.constant 0 : i32
    %dma_wait3A_310 = arith.constant 0 : i32
    %dma_wait3A_311 = tpu.memref_slice %arg8[%dma_wait3A, %dma_wait3A_310] : memref<4x128xi32, #tpu.memory_space<vmem>> -> memref<1x128xi32, #tpu.memory_space<vmem>>
    %dma_wait3A_312 = tpu.memref_squeeze %dma_wait3A_311 : memref<1x128xi32, #tpu.memory_space<vmem>> -> memref<128xi32, #tpu.memory_space<vmem>>
    %dma_wait3A_313 = arith.constant 0 : i32
    %dma_wait3A_314 = arith.constant 0 : i32
    %dma_wait3A_315 = tpu.memref_slice %arg3[%dma_wait3A_313, %dma_wait3A_314] : memref<10240x128xf32, #tpu.memory_space<hbm>> -> memref<10240x128xf32, #tpu.memory_space<hbm>>
    tpu.wait_indirect_dma semaphore(%arg11 : memref<!tpu.dma_semaphore, #tpu.memory_space<semaphore_mem>>) src(%dma_wait3A_315 : memref<10240x128xf32, #tpu.memory_space<hbm>>) dst(%arg6 : memref<128x128xf32, #tpu.memory_space<vmem>>)
    %add3A_316 = arith.constant 9728 : i32
    %add3A_317 = arith.addi %mul3A_2, %add3A_316 : i32
    %dma_start3A_318 = arith.constant 0 : i32
    %dma_start3A_319 = arith.constant 0 : i32
    %dma_start3A_320 = arith.constant 0 : i32
    %dma_start3A_321 = tpu.memref_slice %arg8[%dma_start3A_319, %dma_start3A_320] : memref<4x128xi32, #tpu.memory_space<vmem>> -> memref<1x128xi32, #tpu.memory_space<vmem>>
    %dma_start3A_322 = tpu.memref_squeeze %dma_start3A_321 : memref<1x128xi32, #tpu.memory_space<vmem>> -> memref<128xi32, #tpu.memory_space<vmem>>
    %dma_start3A_323 = tpu.memref_slice %arg2[%dma_start3A_318, %add3A_317] : memref<2x320000xi32, #tpu.memory_space<hbm>> -> memref<1x128xi32, #tpu.memory_space<hbm>>
    %dma_start3A_324 = tpu.memref_squeeze %dma_start3A_323 : memref<1x128xi32, #tpu.memory_space<hbm>> -> memref<128xi32, #tpu.memory_space<hbm>>
    %dma_start3A_325 = arith.constant 0 : i32
    %dma_start3A_326 = tpu.memref_slice %arg8[%dma_start3A_319, %dma_start3A_325] : memref<4x128xi32, #tpu.memory_space<vmem>> -> memref<1x128xi32, #tpu.memory_space<vmem>>
    %dma_start3A_327 = tpu.memref_squeeze %dma_start3A_326 : memref<1x128xi32, #tpu.memory_space<vmem>> -> memref<128xi32, #tpu.memory_space<vmem>>
    %dma_start3A_328 = tpu.memref_slice %arg2[%dma_start3A_318, %add3A_317] : memref<2x320000xi32, #tpu.memory_space<hbm>> -> memref<1x128xi32, #tpu.memory_space<hbm>>
    %dma_start3A_329 = tpu.memref_squeeze %dma_start3A_328 : memref<1x128xi32, #tpu.memory_space<hbm>> -> memref<128xi32, #tpu.memory_space<hbm>>
    tpu.enqueue_dma source(%dma_start3A_329 : memref<128xi32, #tpu.memory_space<hbm>>) target(%dma_start3A_327 : memref<128xi32, #tpu.memory_space<vmem>>) target_semaphore(%arg15 : memref<!tpu.dma_semaphore, #tpu.memory_space<semaphore_mem>>)
    %dma_start3A_330 = arith.constant 72 : i32
    %dma_start3A_331 = arith.constant 0 : i32
    %dma_start3A_332 = tpu.memref_slice %arg9[%dma_start3A_330, %dma_start3A_331] : memref<80x128xi32, #tpu.memory_space<vmem>> -> memref<1x128xi32, #tpu.memory_space<vmem>>
    %dma_start3A_333 = tpu.memref_squeeze %dma_start3A_332 : memref<1x128xi32, #tpu.memory_space<vmem>> -> memref<128xi32, #tpu.memory_space<vmem>>
    %dma_start3A_334 = arith.constant 0 : i32
    %dma_start3A_335 = arith.constant 0 : i32
    %dma_start3A_336 = tpu.memref_slice %arg5[%dma_start3A_334, %dma_start3A_335] : memref<10240x128xf32, #tpu.memory_space<vmem_shared>> -> memref<10240x128xf32, #tpu.memory_space<vmem_shared>>
    tpu.enqueue_indirect_dma source(%arg6 : memref<128x128xf32, #tpu.memory_space<vmem>>) target(%dma_start3A_336 : memref<10240x128xf32, #tpu.memory_space<vmem_shared>>) offsets(%dma_start3A_333 : memref<128xi32, #tpu.memory_space<vmem>>) semaphore(%arg13 : memref<!tpu.dma_semaphore, #tpu.memory_space<semaphore_mem>>) {add = true}
    %dma_wait3A_337 = arith.constant 1 : i32
    %dma_wait3A_338 = arith.constant 0 : i32
    %dma_wait3A_339 = tpu.memref_slice %arg8[%dma_wait3A_337, %dma_wait3A_338] : memref<4x128xi32, #tpu.memory_space<vmem>> -> memref<1x128xi32, #tpu.memory_space<vmem>>
    %dma_wait3A_340 = tpu.memref_squeeze %dma_wait3A_339 : memref<1x128xi32, #tpu.memory_space<vmem>> -> memref<128xi32, #tpu.memory_space<vmem>>
    %dma_wait3A_341 = arith.constant 0 : i32
    %dma_wait3A_342 = arith.constant 0 : i32
    %dma_wait3A_343 = tpu.memref_slice %arg3[%dma_wait3A_341, %dma_wait3A_342] : memref<10240x128xf32, #tpu.memory_space<hbm>> -> memref<10240x128xf32, #tpu.memory_space<hbm>>
    tpu.wait_indirect_dma semaphore(%arg12 : memref<!tpu.dma_semaphore, #tpu.memory_space<semaphore_mem>>) src(%dma_wait3A_343 : memref<10240x128xf32, #tpu.memory_space<hbm>>) dst(%arg7 : memref<128x128xf32, #tpu.memory_space<vmem>>)
    %add3A_344 = arith.constant 9856 : i32
    %add3A_345 = arith.addi %mul3A_2, %add3A_344 : i32
    %dma_start3A_346 = arith.constant 0 : i32
    %dma_start3A_347 = arith.constant 1 : i32
    %dma_start3A_348 = arith.constant 0 : i32
    %dma_start3A_349 = tpu.memref_slice %arg8[%dma_start3A_347, %dma_start3A_348] : memref<4x128xi32, #tpu.memory_space<vmem>> -> memref<1x128xi32, #tpu.memory_space<vmem>>
    %dma_start3A_350 = tpu.memref_squeeze %dma_start3A_349 : memref<1x128xi32, #tpu.memory_space<vmem>> -> memref<128xi32, #tpu.memory_space<vmem>>
    %dma_start3A_351 = tpu.memref_slice %arg2[%dma_start3A_346, %add3A_345] : memref<2x320000xi32, #tpu.memory_space<hbm>> -> memref<1x128xi32, #tpu.memory_space<hbm>>
    %dma_start3A_352 = tpu.memref_squeeze %dma_start3A_351 : memref<1x128xi32, #tpu.memory_space<hbm>> -> memref<128xi32, #tpu.memory_space<hbm>>
    %dma_start3A_353 = arith.constant 0 : i32
    %dma_start3A_354 = tpu.memref_slice %arg8[%dma_start3A_347, %dma_start3A_353] : memref<4x128xi32, #tpu.memory_space<vmem>> -> memref<1x128xi32, #tpu.memory_space<vmem>>
    %dma_start3A_355 = tpu.memref_squeeze %dma_start3A_354 : memref<1x128xi32, #tpu.memory_space<vmem>> -> memref<128xi32, #tpu.memory_space<vmem>>
    %dma_start3A_356 = tpu.memref_slice %arg2[%dma_start3A_346, %add3A_345] : memref<2x320000xi32, #tpu.memory_space<hbm>> -> memref<1x128xi32, #tpu.memory_space<hbm>>
    %dma_start3A_357 = tpu.memref_squeeze %dma_start3A_356 : memref<1x128xi32, #tpu.memory_space<hbm>> -> memref<128xi32, #tpu.memory_space<hbm>>
    tpu.enqueue_dma source(%dma_start3A_357 : memref<128xi32, #tpu.memory_space<hbm>>) target(%dma_start3A_355 : memref<128xi32, #tpu.memory_space<vmem>>) target_semaphore(%arg16 : memref<!tpu.dma_semaphore, #tpu.memory_space<semaphore_mem>>)
    %dma_start3A_358 = arith.constant 73 : i32
    %dma_start3A_359 = arith.constant 0 : i32
    %dma_start3A_360 = tpu.memref_slice %arg9[%dma_start3A_358, %dma_start3A_359] : memref<80x128xi32, #tpu.memory_space<vmem>> -> memref<1x128xi32, #tpu.memory_space<vmem>>
    %dma_start3A_361 = tpu.memref_squeeze %dma_start3A_360 : memref<1x128xi32, #tpu.memory_space<vmem>> -> memref<128xi32, #tpu.memory_space<vmem>>
    %dma_start3A_362 = arith.constant 0 : i32
    %dma_start3A_363 = arith.constant 0 : i32
    %dma_start3A_364 = tpu.memref_slice %arg5[%dma_start3A_362, %dma_start3A_363] : memref<10240x128xf32, #tpu.memory_space<vmem_shared>> -> memref<10240x128xf32, #tpu.memory_space<vmem_shared>>
    tpu.enqueue_indirect_dma source(%arg7 : memref<128x128xf32, #tpu.memory_space<vmem>>) target(%dma_start3A_364 : memref<10240x128xf32, #tpu.memory_space<vmem_shared>>) offsets(%dma_start3A_361 : memref<128xi32, #tpu.memory_space<vmem>>) semaphore(%arg14 : memref<!tpu.dma_semaphore, #tpu.memory_space<semaphore_mem>>) {add = true}
    %dma_wait3A_365 = arith.constant 72 : i32
    %dma_wait3A_366 = arith.constant 0 : i32
    %dma_wait3A_367 = tpu.memref_slice %arg9[%dma_wait3A_365, %dma_wait3A_366] : memref<80x128xi32, #tpu.memory_space<vmem>> -> memref<1x128xi32, #tpu.memory_space<vmem>>
    %dma_wait3A_368 = tpu.memref_squeeze %dma_wait3A_367 : memref<1x128xi32, #tpu.memory_space<vmem>> -> memref<128xi32, #tpu.memory_space<vmem>>
    %dma_wait3A_369 = arith.constant 0 : i32
    %dma_wait3A_370 = arith.constant 0 : i32
    %dma_wait3A_371 = tpu.memref_slice %arg5[%dma_wait3A_369, %dma_wait3A_370] : memref<10240x128xf32, #tpu.memory_space<vmem_shared>> -> memref<10240x128xf32, #tpu.memory_space<vmem_shared>>
    tpu.wait_indirect_dma semaphore(%arg13 : memref<!tpu.dma_semaphore, #tpu.memory_space<semaphore_mem>>) src(%arg6 : memref<128x128xf32, #tpu.memory_space<vmem>>) dst(%dma_wait3A_371 : memref<10240x128xf32, #tpu.memory_space<vmem_shared>>)
    %add3A_372 = arith.constant 9472 : i32
    %add3A_373 = arith.addi %mul3A_2, %add3A_372 : i32
    %dma_wait3A_374 = arith.constant 0 : i32
    %dma_wait3A_375 = arith.constant 2 : i32
    %dma_wait3A_376 = arith.constant 0 : i32
    %dma_wait3A_377 = tpu.memref_slice %arg8[%dma_wait3A_375, %dma_wait3A_376] : memref<4x128xi32, #tpu.memory_space<vmem>> -> memref<1x128xi32, #tpu.memory_space<vmem>>
    %dma_wait3A_378 = tpu.memref_squeeze %dma_wait3A_377 : memref<1x128xi32, #tpu.memory_space<vmem>> -> memref<128xi32, #tpu.memory_space<vmem>>
    %dma_wait3A_379 = tpu.memref_slice %arg2[%dma_wait3A_374, %add3A_373] : memref<2x320000xi32, #tpu.memory_space<hbm>> -> memref<1x128xi32, #tpu.memory_space<hbm>>
    %dma_wait3A_380 = tpu.memref_squeeze %dma_wait3A_379 : memref<1x128xi32, #tpu.memory_space<hbm>> -> memref<128xi32, #tpu.memory_space<hbm>>
    %dma_wait3A_381 = arith.constant 0 : i32
    %dma_wait3A_382 = tpu.memref_slice %arg8[%dma_wait3A_375, %dma_wait3A_381] : memref<4x128xi32, #tpu.memory_space<vmem>> -> memref<1x128xi32, #tpu.memory_space<vmem>>
    %dma_wait3A_383 = tpu.memref_squeeze %dma_wait3A_382 : memref<1x128xi32, #tpu.memory_space<vmem>> -> memref<128xi32, #tpu.memory_space<vmem>>
    %dma_wait3A_384 = tpu.memref_slice %arg2[%dma_wait3A_374, %add3A_373] : memref<2x320000xi32, #tpu.memory_space<hbm>> -> memref<1x128xi32, #tpu.memory_space<hbm>>
    %dma_wait3A_385 = tpu.memref_squeeze %dma_wait3A_384 : memref<1x128xi32, #tpu.memory_space<hbm>> -> memref<128xi32, #tpu.memory_space<hbm>>
    tpu.wait_dma2 semaphore(%arg17 : memref<!tpu.dma_semaphore, #tpu.memory_space<semaphore_mem>>) src(%dma_wait3A_385 : memref<128xi32, #tpu.memory_space<hbm>>) dst(%dma_wait3A_383 : memref<128xi32, #tpu.memory_space<vmem>>)
    %dma_start3A_386 = arith.constant 2 : i32
    %dma_start3A_387 = arith.constant 0 : i32
    %dma_start3A_388 = tpu.memref_slice %arg8[%dma_start3A_386, %dma_start3A_387] : memref<4x128xi32, #tpu.memory_space<vmem>> -> memref<1x128xi32, #tpu.memory_space<vmem>>
    %dma_start3A_389 = tpu.memref_squeeze %dma_start3A_388 : memref<1x128xi32, #tpu.memory_space<vmem>> -> memref<128xi32, #tpu.memory_space<vmem>>
    %dma_start3A_390 = arith.constant 0 : i32
    %dma_start3A_391 = arith.constant 0 : i32
    %dma_start3A_392 = tpu.memref_slice %arg3[%dma_start3A_390, %dma_start3A_391] : memref<10240x128xf32, #tpu.memory_space<hbm>> -> memref<10240x128xf32, #tpu.memory_space<hbm>>
    tpu.enqueue_indirect_dma source(%dma_start3A_392 : memref<10240x128xf32, #tpu.memory_space<hbm>>) target(%arg6 : memref<128x128xf32, #tpu.memory_space<vmem>>) offsets(%dma_start3A_389 : memref<128xi32, #tpu.memory_space<vmem>>) semaphore(%arg11 : memref<!tpu.dma_semaphore, #tpu.memory_space<semaphore_mem>>)
    %dma_wait3A_393 = arith.constant 73 : i32
    %dma_wait3A_394 = arith.constant 0 : i32
    %dma_wait3A_395 = tpu.memref_slice %arg9[%dma_wait3A_393, %dma_wait3A_394] : memref<80x128xi32, #tpu.memory_space<vmem>> -> memref<1x128xi32, #tpu.memory_space<vmem>>
    %dma_wait3A_396 = tpu.memref_squeeze %dma_wait3A_395 : memref<1x128xi32, #tpu.memory_space<vmem>> -> memref<128xi32, #tpu.memory_space<vmem>>
    %dma_wait3A_397 = arith.constant 0 : i32
    %dma_wait3A_398 = arith.constant 0 : i32
    %dma_wait3A_399 = tpu.memref_slice %arg5[%dma_wait3A_397, %dma_wait3A_398] : memref<10240x128xf32, #tpu.memory_space<vmem_shared>> -> memref<10240x128xf32, #tpu.memory_space<vmem_shared>>
    tpu.wait_indirect_dma semaphore(%arg14 : memref<!tpu.dma_semaphore, #tpu.memory_space<semaphore_mem>>) src(%arg7 : memref<128x128xf32, #tpu.memory_space<vmem>>) dst(%dma_wait3A_399 : memref<10240x128xf32, #tpu.memory_space<vmem_shared>>)
    %add3A_400 = arith.constant 9600 : i32
    %add3A_401 = arith.addi %mul3A_2, %add3A_400 : i32
    %dma_wait3A_402 = arith.constant 0 : i32
    %dma_wait3A_403 = arith.constant 3 : i32
    %dma_wait3A_404 = arith.constant 0 : i32
    %dma_wait3A_405 = tpu.memref_slice %arg8[%dma_wait3A_403, %dma_wait3A_404] : memref<4x128xi32, #tpu.memory_space<vmem>> -> memref<1x128xi32, #tpu.memory_space<vmem>>
    %dma_wait3A_406 = tpu.memref_squeeze %dma_wait3A_405 : memref<1x128xi32, #tpu.memory_space<vmem>> -> memref<128xi32, #tpu.memory_space<vmem>>
    %dma_wait3A_407 = tpu.memref_slice %arg2[%dma_wait3A_402, %add3A_401] : memref<2x320000xi32, #tpu.memory_space<hbm>> -> memref<1x128xi32, #tpu.memory_space<hbm>>
    %dma_wait3A_408 = tpu.memref_squeeze %dma_wait3A_407 : memref<1x128xi32, #tpu.memory_space<hbm>> -> memref<128xi32, #tpu.memory_space<hbm>>
    %dma_wait3A_409 = arith.constant 0 : i32
    %dma_wait3A_410 = tpu.memref_slice %arg8[%dma_wait3A_403, %dma_wait3A_409] : memref<4x128xi32, #tpu.memory_space<vmem>> -> memref<1x128xi32, #tpu.memory_space<vmem>>
    %dma_wait3A_411 = tpu.memref_squeeze %dma_wait3A_410 : memref<1x128xi32, #tpu.memory_space<vmem>> -> memref<128xi32, #tpu.memory_space<vmem>>
    %dma_wait3A_412 = tpu.memref_slice %arg2[%dma_wait3A_402, %add3A_401] : memref<2x320000xi32, #tpu.memory_space<hbm>> -> memref<1x128xi32, #tpu.memory_space<hbm>>
    %dma_wait3A_413 = tpu.memref_squeeze %dma_wait3A_412 : memref<1x128xi32, #tpu.memory_space<hbm>> -> memref<128xi32, #tpu.memory_space<hbm>>
    tpu.wait_dma2 semaphore(%arg18 : memref<!tpu.dma_semaphore, #tpu.memory_space<semaphore_mem>>) src(%dma_wait3A_413 : memref<128xi32, #tpu.memory_space<hbm>>) dst(%dma_wait3A_411 : memref<128xi32, #tpu.memory_space<vmem>>)
    %dma_start3A_414 = arith.constant 3 : i32
    %dma_start3A_415 = arith.constant 0 : i32
    %dma_start3A_416 = tpu.memref_slice %arg8[%dma_start3A_414, %dma_start3A_415] : memref<4x128xi32, #tpu.memory_space<vmem>> -> memref<1x128xi32, #tpu.memory_space<vmem>>
    %dma_start3A_417 = tpu.memref_squeeze %dma_start3A_416 : memref<1x128xi32, #tpu.memory_space<vmem>> -> memref<128xi32, #tpu.memory_space<vmem>>
    %dma_start3A_418 = arith.constant 0 : i32
    %dma_start3A_419 = arith.constant 0 : i32
    %dma_start3A_420 = tpu.memref_slice %arg3[%dma_start3A_418, %dma_start3A_419] : memref<10240x128xf32, #tpu.memory_space<hbm>> -> memref<10240x128xf32, #tpu.memory_space<hbm>>
    tpu.enqueue_indirect_dma source(%dma_start3A_420 : memref<10240x128xf32, #tpu.memory_space<hbm>>) target(%arg7 : memref<128x128xf32, #tpu.memory_space<vmem>>) offsets(%dma_start3A_417 : memref<128xi32, #tpu.memory_space<vmem>>) semaphore(%arg12 : memref<!tpu.dma_semaphore, #tpu.memory_space<semaphore_mem>>)
    %dma_wait3A_421 = arith.constant 2 : i32
    %dma_wait3A_422 = arith.constant 0 : i32
    %dma_wait3A_423 = tpu.memref_slice %arg8[%dma_wait3A_421, %dma_wait3A_422] : memref<4x128xi32, #tpu.memory_space<vmem>> -> memref<1x128xi32, #tpu.memory_space<vmem>>
    %dma_wait3A_424 = tpu.memref_squeeze %dma_wait3A_423 : memref<1x128xi32, #tpu.memory_space<vmem>> -> memref<128xi32, #tpu.memory_space<vmem>>
    %dma_wait3A_425 = arith.constant 0 : i32
    %dma_wait3A_426 = arith.constant 0 : i32
    %dma_wait3A_427 = tpu.memref_slice %arg3[%dma_wait3A_425, %dma_wait3A_426] : memref<10240x128xf32, #tpu.memory_space<hbm>> -> memref<10240x128xf32, #tpu.memory_space<hbm>>
    tpu.wait_indirect_dma semaphore(%arg11 : memref<!tpu.dma_semaphore, #tpu.memory_space<semaphore_mem>>) src(%dma_wait3A_427 : memref<10240x128xf32, #tpu.memory_space<hbm>>) dst(%arg6 : memref<128x128xf32, #tpu.memory_space<vmem>>)
    %dma_start3A_428 = arith.constant 74 : i32
    %dma_start3A_429 = arith.constant 0 : i32
    %dma_start3A_430 = tpu.memref_slice %arg9[%dma_start3A_428, %dma_start3A_429] : memref<80x128xi32, #tpu.memory_space<vmem>> -> memref<1x128xi32, #tpu.memory_space<vmem>>
    %dma_start3A_431 = tpu.memref_squeeze %dma_start3A_430 : memref<1x128xi32, #tpu.memory_space<vmem>> -> memref<128xi32, #tpu.memory_space<vmem>>
    %dma_start3A_432 = arith.constant 0 : i32
    %dma_start3A_433 = arith.constant 0 : i32
    %dma_start3A_434 = tpu.memref_slice %arg5[%dma_start3A_432, %dma_start3A_433] : memref<10240x128xf32, #tpu.memory_space<vmem_shared>> -> memref<10240x128xf32, #tpu.memory_space<vmem_shared>>
    tpu.enqueue_indirect_dma source(%arg6 : memref<128x128xf32, #tpu.memory_space<vmem>>) target(%dma_start3A_434 : memref<10240x128xf32, #tpu.memory_space<vmem_shared>>) offsets(%dma_start3A_431 : memref<128xi32, #tpu.memory_space<vmem>>) semaphore(%arg13 : memref<!tpu.dma_semaphore, #tpu.memory_space<semaphore_mem>>) {add = true}
    %dma_wait3A_435 = arith.constant 3 : i32
    %dma_wait3A_436 = arith.constant 0 : i32
    %dma_wait3A_437 = tpu.memref_slice %arg8[%dma_wait3A_435, %dma_wait3A_436] : memref<4x128xi32, #tpu.memory_space<vmem>> -> memref<1x128xi32, #tpu.memory_space<vmem>>
    %dma_wait3A_438 = tpu.memref_squeeze %dma_wait3A_437 : memref<1x128xi32, #tpu.memory_space<vmem>> -> memref<128xi32, #tpu.memory_space<vmem>>
    %dma_wait3A_439 = arith.constant 0 : i32
    %dma_wait3A_440 = arith.constant 0 : i32
    %dma_wait3A_441 = tpu.memref_slice %arg3[%dma_wait3A_439, %dma_wait3A_440] : memref<10240x128xf32, #tpu.memory_space<hbm>> -> memref<10240x128xf32, #tpu.memory_space<hbm>>
    tpu.wait_indirect_dma semaphore(%arg12 : memref<!tpu.dma_semaphore, #tpu.memory_space<semaphore_mem>>) src(%dma_wait3A_441 : memref<10240x128xf32, #tpu.memory_space<hbm>>) dst(%arg7 : memref<128x128xf32, #tpu.memory_space<vmem>>)
    %dma_start3A_442 = arith.constant 75 : i32
    %dma_start3A_443 = arith.constant 0 : i32
    %dma_start3A_444 = tpu.memref_slice %arg9[%dma_start3A_442, %dma_start3A_443] : memref<80x128xi32, #tpu.memory_space<vmem>> -> memref<1x128xi32, #tpu.memory_space<vmem>>
    %dma_start3A_445 = tpu.memref_squeeze %dma_start3A_444 : memref<1x128xi32, #tpu.memory_space<vmem>> -> memref<128xi32, #tpu.memory_space<vmem>>
    %dma_start3A_446 = arith.constant 0 : i32
    %dma_start3A_447 = arith.constant 0 : i32
    %dma_start3A_448 = tpu.memref_slice %arg5[%dma_start3A_446, %dma_start3A_447] : memref<10240x128xf32, #tpu.memory_space<vmem_shared>> -> memref<10240x128xf32, #tpu.memory_space<vmem_shared>>
    tpu.enqueue_indirect_dma source(%arg7 : memref<128x128xf32, #tpu.memory_space<vmem>>) target(%dma_start3A_448 : memref<10240x128xf32, #tpu.memory_space<vmem_shared>>) offsets(%dma_start3A_445 : memref<128xi32, #tpu.memory_space<vmem>>) semaphore(%arg14 : memref<!tpu.dma_semaphore, #tpu.memory_space<semaphore_mem>>) {add = true}
    %dma_wait3A_449 = arith.constant 74 : i32
    %dma_wait3A_450 = arith.constant 0 : i32
    %dma_wait3A_451 = tpu.memref_slice %arg9[%dma_wait3A_449, %dma_wait3A_450] : memref<80x128xi32, #tpu.memory_space<vmem>> -> memref<1x128xi32, #tpu.memory_space<vmem>>
    %dma_wait3A_452 = tpu.memref_squeeze %dma_wait3A_451 : memref<1x128xi32, #tpu.memory_space<vmem>> -> memref<128xi32, #tpu.memory_space<vmem>>
    %dma_wait3A_453 = arith.constant 0 : i32
    %dma_wait3A_454 = arith.constant 0 : i32
    %dma_wait3A_455 = tpu.memref_slice %arg5[%dma_wait3A_453, %dma_wait3A_454] : memref<10240x128xf32, #tpu.memory_space<vmem_shared>> -> memref<10240x128xf32, #tpu.memory_space<vmem_shared>>
    tpu.wait_indirect_dma semaphore(%arg13 : memref<!tpu.dma_semaphore, #tpu.memory_space<semaphore_mem>>) src(%arg6 : memref<128x128xf32, #tpu.memory_space<vmem>>) dst(%dma_wait3A_455 : memref<10240x128xf32, #tpu.memory_space<vmem_shared>>)
    %add3A_456 = arith.constant 9728 : i32
    %add3A_457 = arith.addi %mul3A_2, %add3A_456 : i32
    %dma_wait3A_458 = arith.constant 0 : i32
    %dma_wait3A_459 = arith.constant 0 : i32
    %dma_wait3A_460 = arith.constant 0 : i32
    %dma_wait3A_461 = tpu.memref_slice %arg8[%dma_wait3A_459, %dma_wait3A_460] : memref<4x128xi32, #tpu.memory_space<vmem>> -> memref<1x128xi32, #tpu.memory_space<vmem>>
    %dma_wait3A_462 = tpu.memref_squeeze %dma_wait3A_461 : memref<1x128xi32, #tpu.memory_space<vmem>> -> memref<128xi32, #tpu.memory_space<vmem>>
    %dma_wait3A_463 = tpu.memref_slice %arg2[%dma_wait3A_458, %add3A_457] : memref<2x320000xi32, #tpu.memory_space<hbm>> -> memref<1x128xi32, #tpu.memory_space<hbm>>
    %dma_wait3A_464 = tpu.memref_squeeze %dma_wait3A_463 : memref<1x128xi32, #tpu.memory_space<hbm>> -> memref<128xi32, #tpu.memory_space<hbm>>
    %dma_wait3A_465 = arith.constant 0 : i32
    %dma_wait3A_466 = tpu.memref_slice %arg8[%dma_wait3A_459, %dma_wait3A_465] : memref<4x128xi32, #tpu.memory_space<vmem>> -> memref<1x128xi32, #tpu.memory_space<vmem>>
    %dma_wait3A_467 = tpu.memref_squeeze %dma_wait3A_466 : memref<1x128xi32, #tpu.memory_space<vmem>> -> memref<128xi32, #tpu.memory_space<vmem>>
    %dma_wait3A_468 = tpu.memref_slice %arg2[%dma_wait3A_458, %add3A_457] : memref<2x320000xi32, #tpu.memory_space<hbm>> -> memref<1x128xi32, #tpu.memory_space<hbm>>
    %dma_wait3A_469 = tpu.memref_squeeze %dma_wait3A_468 : memref<1x128xi32, #tpu.memory_space<hbm>> -> memref<128xi32, #tpu.memory_space<hbm>>
    tpu.wait_dma2 semaphore(%arg15 : memref<!tpu.dma_semaphore, #tpu.memory_space<semaphore_mem>>) src(%dma_wait3A_469 : memref<128xi32, #tpu.memory_space<hbm>>) dst(%dma_wait3A_467 : memref<128xi32, #tpu.memory_space<vmem>>)
    %dma_start3A_470 = arith.constant 0 : i32
    %dma_start3A_471 = arith.constant 0 : i32
    %dma_start3A_472 = tpu.memref_slice %arg8[%dma_start3A_470, %dma_start3A_471] : memref<4x128xi32, #tpu.memory_space<vmem>> -> memref<1x128xi32, #tpu.memory_space<vmem>>
    %dma_start3A_473 = tpu.memref_squeeze %dma_start3A_472 : memref<1x128xi32, #tpu.memory_space<vmem>> -> memref<128xi32, #tpu.memory_space<vmem>>
    %dma_start3A_474 = arith.constant 0 : i32
    %dma_start3A_475 = arith.constant 0 : i32
    %dma_start3A_476 = tpu.memref_slice %arg3[%dma_start3A_474, %dma_start3A_475] : memref<10240x128xf32, #tpu.memory_space<hbm>> -> memref<10240x128xf32, #tpu.memory_space<hbm>>
    tpu.enqueue_indirect_dma source(%dma_start3A_476 : memref<10240x128xf32, #tpu.memory_space<hbm>>) target(%arg6 : memref<128x128xf32, #tpu.memory_space<vmem>>) offsets(%dma_start3A_473 : memref<128xi32, #tpu.memory_space<vmem>>) semaphore(%arg11 : memref<!tpu.dma_semaphore, #tpu.memory_space<semaphore_mem>>)
    %dma_wait3A_477 = arith.constant 75 : i32
    %dma_wait3A_478 = arith.constant 0 : i32
    %dma_wait3A_479 = tpu.memref_slice %arg9[%dma_wait3A_477, %dma_wait3A_478] : memref<80x128xi32, #tpu.memory_space<vmem>> -> memref<1x128xi32, #tpu.memory_space<vmem>>
    %dma_wait3A_480 = tpu.memref_squeeze %dma_wait3A_479 : memref<1x128xi32, #tpu.memory_space<vmem>> -> memref<128xi32, #tpu.memory_space<vmem>>
    %dma_wait3A_481 = arith.constant 0 : i32
    %dma_wait3A_482 = arith.constant 0 : i32
    %dma_wait3A_483 = tpu.memref_slice %arg5[%dma_wait3A_481, %dma_wait3A_482] : memref<10240x128xf32, #tpu.memory_space<vmem_shared>> -> memref<10240x128xf32, #tpu.memory_space<vmem_shared>>
    tpu.wait_indirect_dma semaphore(%arg14 : memref<!tpu.dma_semaphore, #tpu.memory_space<semaphore_mem>>) src(%arg7 : memref<128x128xf32, #tpu.memory_space<vmem>>) dst(%dma_wait3A_483 : memref<10240x128xf32, #tpu.memory_space<vmem_shared>>)
    %add3A_484 = arith.constant 9856 : i32
    %add3A_485 = arith.addi %mul3A_2, %add3A_484 : i32
    %dma_wait3A_486 = arith.constant 0 : i32
    %dma_wait3A_487 = arith.constant 1 : i32
    %dma_wait3A_488 = arith.constant 0 : i32
    %dma_wait3A_489 = tpu.memref_slice %arg8[%dma_wait3A_487, %dma_wait3A_488] : memref<4x128xi32, #tpu.memory_space<vmem>> -> memref<1x128xi32, #tpu.memory_space<vmem>>
    %dma_wait3A_490 = tpu.memref_squeeze %dma_wait3A_489 : memref<1x128xi32, #tpu.memory_space<vmem>> -> memref<128xi32, #tpu.memory_space<vmem>>
    %dma_wait3A_491 = tpu.memref_slice %arg2[%dma_wait3A_486, %add3A_485] : memref<2x320000xi32, #tpu.memory_space<hbm>> -> memref<1x128xi32, #tpu.memory_space<hbm>>
    %dma_wait3A_492 = tpu.memref_squeeze %dma_wait3A_491 : memref<1x128xi32, #tpu.memory_space<hbm>> -> memref<128xi32, #tpu.memory_space<hbm>>
    %dma_wait3A_493 = arith.constant 0 : i32
    %dma_wait3A_494 = tpu.memref_slice %arg8[%dma_wait3A_487, %dma_wait3A_493] : memref<4x128xi32, #tpu.memory_space<vmem>> -> memref<1x128xi32, #tpu.memory_space<vmem>>
    %dma_wait3A_495 = tpu.memref_squeeze %dma_wait3A_494 : memref<1x128xi32, #tpu.memory_space<vmem>> -> memref<128xi32, #tpu.memory_space<vmem>>
    %dma_wait3A_496 = tpu.memref_slice %arg2[%dma_wait3A_486, %add3A_485] : memref<2x320000xi32, #tpu.memory_space<hbm>> -> memref<1x128xi32, #tpu.memory_space<hbm>>
    %dma_wait3A_497 = tpu.memref_squeeze %dma_wait3A_496 : memref<1x128xi32, #tpu.memory_space<hbm>> -> memref<128xi32, #tpu.memory_space<hbm>>
    tpu.wait_dma2 semaphore(%arg16 : memref<!tpu.dma_semaphore, #tpu.memory_space<semaphore_mem>>) src(%dma_wait3A_497 : memref<128xi32, #tpu.memory_space<hbm>>) dst(%dma_wait3A_495 : memref<128xi32, #tpu.memory_space<vmem>>)
    %dma_start3A_498 = arith.constant 1 : i32
    %dma_start3A_499 = arith.constant 0 : i32
    %dma_start3A_500 = tpu.memref_slice %arg8[%dma_start3A_498, %dma_start3A_499] : memref<4x128xi32, #tpu.memory_space<vmem>> -> memref<1x128xi32, #tpu.memory_space<vmem>>
    %dma_start3A_501 = tpu.memref_squeeze %dma_start3A_500 : memref<1x128xi32, #tpu.memory_space<vmem>> -> memref<128xi32, #tpu.memory_space<vmem>>
    %dma_start3A_502 = arith.constant 0 : i32
    %dma_start3A_503 = arith.constant 0 : i32
    %dma_start3A_504 = tpu.memref_slice %arg3[%dma_start3A_502, %dma_start3A_503] : memref<10240x128xf32, #tpu.memory_space<hbm>> -> memref<10240x128xf32, #tpu.memory_space<hbm>>
    tpu.enqueue_indirect_dma source(%dma_start3A_504 : memref<10240x128xf32, #tpu.memory_space<hbm>>) target(%arg7 : memref<128x128xf32, #tpu.memory_space<vmem>>) offsets(%dma_start3A_501 : memref<128xi32, #tpu.memory_space<vmem>>) semaphore(%arg12 : memref<!tpu.dma_semaphore, #tpu.memory_space<semaphore_mem>>)
    %dma_wait3A_505 = arith.constant 0 : i32
    %dma_wait3A_506 = arith.constant 0 : i32
    %dma_wait3A_507 = tpu.memref_slice %arg8[%dma_wait3A_505, %dma_wait3A_506] : memref<4x128xi32, #tpu.memory_space<vmem>> -> memref<1x128xi32, #tpu.memory_space<vmem>>
    %dma_wait3A_508 = tpu.memref_squeeze %dma_wait3A_507 : memref<1x128xi32, #tpu.memory_space<vmem>> -> memref<128xi32, #tpu.memory_space<vmem>>
    %dma_wait3A_509 = arith.constant 0 : i32
    %dma_wait3A_510 = arith.constant 0 : i32
    %dma_wait3A_511 = tpu.memref_slice %arg3[%dma_wait3A_509, %dma_wait3A_510] : memref<10240x128xf32, #tpu.memory_space<hbm>> -> memref<10240x128xf32, #tpu.memory_space<hbm>>
    tpu.wait_indirect_dma semaphore(%arg11 : memref<!tpu.dma_semaphore, #tpu.memory_space<semaphore_mem>>) src(%dma_wait3A_511 : memref<10240x128xf32, #tpu.memory_space<hbm>>) dst(%arg6 : memref<128x128xf32, #tpu.memory_space<vmem>>)
    %dma_start3A_512 = arith.constant 76 : i32
    %dma_start3A_513 = arith.constant 0 : i32
    %dma_start3A_514 = tpu.memref_slice %arg9[%dma_start3A_512, %dma_start3A_513] : memref<80x128xi32, #tpu.memory_space<vmem>> -> memref<1x128xi32, #tpu.memory_space<vmem>>
    %dma_start3A_515 = tpu.memref_squeeze %dma_start3A_514 : memref<1x128xi32, #tpu.memory_space<vmem>> -> memref<128xi32, #tpu.memory_space<vmem>>
    %dma_start3A_516 = arith.constant 0 : i32
    %dma_start3A_517 = arith.constant 0 : i32
    %dma_start3A_518 = tpu.memref_slice %arg5[%dma_start3A_516, %dma_start3A_517] : memref<10240x128xf32, #tpu.memory_space<vmem_shared>> -> memref<10240x128xf32, #tpu.memory_space<vmem_shared>>
    tpu.enqueue_indirect_dma source(%arg6 : memref<128x128xf32, #tpu.memory_space<vmem>>) target(%dma_start3A_518 : memref<10240x128xf32, #tpu.memory_space<vmem_shared>>) offsets(%dma_start3A_515 : memref<128xi32, #tpu.memory_space<vmem>>) semaphore(%arg13 : memref<!tpu.dma_semaphore, #tpu.memory_space<semaphore_mem>>) {add = true}
    %dma_wait3A_519 = arith.constant 1 : i32
    %dma_wait3A_520 = arith.constant 0 : i32
    %dma_wait3A_521 = tpu.memref_slice %arg8[%dma_wait3A_519, %dma_wait3A_520] : memref<4x128xi32, #tpu.memory_space<vmem>> -> memref<1x128xi32, #tpu.memory_space<vmem>>
    %dma_wait3A_522 = tpu.memref_squeeze %dma_wait3A_521 : memref<1x128xi32, #tpu.memory_space<vmem>> -> memref<128xi32, #tpu.memory_space<vmem>>
    %dma_wait3A_523 = arith.constant 0 : i32
    %dma_wait3A_524 = arith.constant 0 : i32
    %dma_wait3A_525 = tpu.memref_slice %arg3[%dma_wait3A_523, %dma_wait3A_524] : memref<10240x128xf32, #tpu.memory_space<hbm>> -> memref<10240x128xf32, #tpu.memory_space<hbm>>
    tpu.wait_indirect_dma semaphore(%arg12 : memref<!tpu.dma_semaphore, #tpu.memory_space<semaphore_mem>>) src(%dma_wait3A_525 : memref<10240x128xf32, #tpu.memory_space<hbm>>) dst(%arg7 : memref<128x128xf32, #tpu.memory_space<vmem>>)
    %dma_start3A_526 = arith.constant 77 : i32
    %dma_start3A_527 = arith.constant 0 : i32
    %dma_start3A_528 = tpu.memref_slice %arg9[%dma_start3A_526, %dma_start3A_527] : memref<80x128xi32, #tpu.memory_space<vmem>> -> memref<1x128xi32, #tpu.memory_space<vmem>>
    %dma_start3A_529 = tpu.memref_squeeze %dma_start3A_528 : memref<1x128xi32, #tpu.memory_space<vmem>> -> memref<128xi32, #tpu.memory_space<vmem>>
    %dma_start3A_530 = arith.constant 0 : i32
    %dma_start3A_531 = arith.constant 0 : i32
    %dma_start3A_532 = tpu.memref_slice %arg5[%dma_start3A_530, %dma_start3A_531] : memref<10240x128xf32, #tpu.memory_space<vmem_shared>> -> memref<10240x128xf32, #tpu.memory_space<vmem_shared>>
    tpu.enqueue_indirect_dma source(%arg7 : memref<128x128xf32, #tpu.memory_space<vmem>>) target(%dma_start3A_532 : memref<10240x128xf32, #tpu.memory_space<vmem_shared>>) offsets(%dma_start3A_529 : memref<128xi32, #tpu.memory_space<vmem>>) semaphore(%arg14 : memref<!tpu.dma_semaphore, #tpu.memory_space<semaphore_mem>>) {add = true}
    %dma_wait3A_533 = arith.constant 76 : i32
    %dma_wait3A_534 = arith.constant 0 : i32
    %dma_wait3A_535 = tpu.memref_slice %arg9[%dma_wait3A_533, %dma_wait3A_534] : memref<80x128xi32, #tpu.memory_space<vmem>> -> memref<1x128xi32, #tpu.memory_space<vmem>>
    %dma_wait3A_536 = tpu.memref_squeeze %dma_wait3A_535 : memref<1x128xi32, #tpu.memory_space<vmem>> -> memref<128xi32, #tpu.memory_space<vmem>>
    %dma_wait3A_537 = arith.constant 0 : i32
    %dma_wait3A_538 = arith.constant 0 : i32
    %dma_wait3A_539 = tpu.memref_slice %arg5[%dma_wait3A_537, %dma_wait3A_538] : memref<10240x128xf32, #tpu.memory_space<vmem_shared>> -> memref<10240x128xf32, #tpu.memory_space<vmem_shared>>
    tpu.wait_indirect_dma semaphore(%arg13 : memref<!tpu.dma_semaphore, #tpu.memory_space<semaphore_mem>>) src(%arg6 : memref<128x128xf32, #tpu.memory_space<vmem>>) dst(%dma_wait3A_539 : memref<10240x128xf32, #tpu.memory_space<vmem_shared>>)
    %dma_start3A_540 = arith.constant 0 : i32
    %dma_start3A_541 = arith.constant 0 : i32
    %dma_start3A_542 = tpu.memref_slice %arg10[%dma_start3A_540, %dma_start3A_541] : memref<2x128xi32, #tpu.memory_space<vmem>> -> memref<1x128xi32, #tpu.memory_space<vmem>>
    %dma_start3A_543 = tpu.memref_squeeze %dma_start3A_542 : memref<1x128xi32, #tpu.memory_space<vmem>> -> memref<128xi32, #tpu.memory_space<vmem>>
    %dma_start3A_544 = arith.constant 0 : i32
    %dma_start3A_545 = arith.constant 0 : i32
    %dma_start3A_546 = tpu.memref_slice %arg3[%dma_start3A_544, %dma_start3A_545] : memref<10240x128xf32, #tpu.memory_space<hbm>> -> memref<10240x128xf32, #tpu.memory_space<hbm>>
    tpu.enqueue_indirect_dma source(%dma_start3A_546 : memref<10240x128xf32, #tpu.memory_space<hbm>>) target(%arg6 : memref<128x128xf32, #tpu.memory_space<vmem>>) offsets(%dma_start3A_543 : memref<128xi32, #tpu.memory_space<vmem>>) semaphore(%arg11 : memref<!tpu.dma_semaphore, #tpu.memory_space<semaphore_mem>>)
    %dma_wait3A_547 = arith.constant 77 : i32
    %dma_wait3A_548 = arith.constant 0 : i32
    %dma_wait3A_549 = tpu.memref_slice %arg9[%dma_wait3A_547, %dma_wait3A_548] : memref<80x128xi32, #tpu.memory_space<vmem>> -> memref<1x128xi32, #tpu.memory_space<vmem>>
    %dma_wait3A_550 = tpu.memref_squeeze %dma_wait3A_549 : memref<1x128xi32, #tpu.memory_space<vmem>> -> memref<128xi32, #tpu.memory_space<vmem>>
    %dma_wait3A_551 = arith.constant 0 : i32
    %dma_wait3A_552 = arith.constant 0 : i32
    %dma_wait3A_553 = tpu.memref_slice %arg5[%dma_wait3A_551, %dma_wait3A_552] : memref<10240x128xf32, #tpu.memory_space<vmem_shared>> -> memref<10240x128xf32, #tpu.memory_space<vmem_shared>>
    tpu.wait_indirect_dma semaphore(%arg14 : memref<!tpu.dma_semaphore, #tpu.memory_space<semaphore_mem>>) src(%arg7 : memref<128x128xf32, #tpu.memory_space<vmem>>) dst(%dma_wait3A_553 : memref<10240x128xf32, #tpu.memory_space<vmem_shared>>)
    %dma_start3A_554 = arith.constant 1 : i32
    %dma_start3A_555 = arith.constant 0 : i32
    %dma_start3A_556 = tpu.memref_slice %arg10[%dma_start3A_554, %dma_start3A_555] : memref<2x128xi32, #tpu.memory_space<vmem>> -> memref<1x128xi32, #tpu.memory_space<vmem>>
    %dma_start3A_557 = tpu.memref_squeeze %dma_start3A_556 : memref<1x128xi32, #tpu.memory_space<vmem>> -> memref<128xi32, #tpu.memory_space<vmem>>
    %dma_start3A_558 = arith.constant 0 : i32
    %dma_start3A_559 = arith.constant 0 : i32
    %dma_start3A_560 = tpu.memref_slice %arg3[%dma_start3A_558, %dma_start3A_559] : memref<10240x128xf32, #tpu.memory_space<hbm>> -> memref<10240x128xf32, #tpu.memory_space<hbm>>
    tpu.enqueue_indirect_dma source(%dma_start3A_560 : memref<10240x128xf32, #tpu.memory_space<hbm>>) target(%arg7 : memref<128x128xf32, #tpu.memory_space<vmem>>) offsets(%dma_start3A_557 : memref<128xi32, #tpu.memory_space<vmem>>) semaphore(%arg12 : memref<!tpu.dma_semaphore, #tpu.memory_space<semaphore_mem>>)
    %dma_wait3A_561 = arith.constant 0 : i32
    %dma_wait3A_562 = arith.constant 0 : i32
    %dma_wait3A_563 = tpu.memref_slice %arg10[%dma_wait3A_561, %dma_wait3A_562] : memref<2x128xi32, #tpu.memory_space<vmem>> -> memref<1x128xi32, #tpu.memory_space<vmem>>
    %dma_wait3A_564 = tpu.memref_squeeze %dma_wait3A_563 : memref<1x128xi32, #tpu.memory_space<vmem>> -> memref<128xi32, #tpu.memory_space<vmem>>
    %dma_wait3A_565 = arith.constant 0 : i32
    %dma_wait3A_566 = arith.constant 0 : i32
    %dma_wait3A_567 = tpu.memref_slice %arg3[%dma_wait3A_565, %dma_wait3A_566] : memref<10240x128xf32, #tpu.memory_space<hbm>> -> memref<10240x128xf32, #tpu.memory_space<hbm>>
    tpu.wait_indirect_dma semaphore(%arg11 : memref<!tpu.dma_semaphore, #tpu.memory_space<semaphore_mem>>) src(%dma_wait3A_567 : memref<10240x128xf32, #tpu.memory_space<hbm>>) dst(%arg6 : memref<128x128xf32, #tpu.memory_space<vmem>>)
    %dma_start3A_568 = arith.constant 78 : i32
    %dma_start3A_569 = arith.constant 0 : i32
    %dma_start3A_570 = tpu.memref_slice %arg9[%dma_start3A_568, %dma_start3A_569] : memref<80x128xi32, #tpu.memory_space<vmem>> -> memref<1x128xi32, #tpu.memory_space<vmem>>
    %dma_start3A_571 = tpu.memref_squeeze %dma_start3A_570 : memref<1x128xi32, #tpu.memory_space<vmem>> -> memref<128xi32, #tpu.memory_space<vmem>>
    %dma_start3A_572 = arith.constant 0 : i32
    %dma_start3A_573 = arith.constant 0 : i32
    %dma_start3A_574 = tpu.memref_slice %arg5[%dma_start3A_572, %dma_start3A_573] : memref<10240x128xf32, #tpu.memory_space<vmem_shared>> -> memref<10240x128xf32, #tpu.memory_space<vmem_shared>>
    tpu.enqueue_indirect_dma source(%arg6 : memref<128x128xf32, #tpu.memory_space<vmem>>) target(%dma_start3A_574 : memref<10240x128xf32, #tpu.memory_space<vmem_shared>>) offsets(%dma_start3A_571 : memref<128xi32, #tpu.memory_space<vmem>>) semaphore(%arg13 : memref<!tpu.dma_semaphore, #tpu.memory_space<semaphore_mem>>) {add = true}
    %dma_wait3A_575 = arith.constant 1 : i32
    %dma_wait3A_576 = arith.constant 0 : i32
    %dma_wait3A_577 = tpu.memref_slice %arg10[%dma_wait3A_575, %dma_wait3A_576] : memref<2x128xi32, #tpu.memory_space<vmem>> -> memref<1x128xi32, #tpu.memory_space<vmem>>
    %dma_wait3A_578 = tpu.memref_squeeze %dma_wait3A_577 : memref<1x128xi32, #tpu.memory_space<vmem>> -> memref<128xi32, #tpu.memory_space<vmem>>
    %dma_wait3A_579 = arith.constant 0 : i32
    %dma_wait3A_580 = arith.constant 0 : i32
    %dma_wait3A_581 = tpu.memref_slice %arg3[%dma_wait3A_579, %dma_wait3A_580] : memref<10240x128xf32, #tpu.memory_space<hbm>> -> memref<10240x128xf32, #tpu.memory_space<hbm>>
    tpu.wait_indirect_dma semaphore(%arg12 : memref<!tpu.dma_semaphore, #tpu.memory_space<semaphore_mem>>) src(%dma_wait3A_581 : memref<10240x128xf32, #tpu.memory_space<hbm>>) dst(%arg7 : memref<128x128xf32, #tpu.memory_space<vmem>>)
    %dma_start3A_582 = arith.constant 79 : i32
    %dma_start3A_583 = arith.constant 0 : i32
    %dma_start3A_584 = tpu.memref_slice %arg9[%dma_start3A_582, %dma_start3A_583] : memref<80x128xi32, #tpu.memory_space<vmem>> -> memref<1x128xi32, #tpu.memory_space<vmem>>
    %dma_start3A_585 = tpu.memref_squeeze %dma_start3A_584 : memref<1x128xi32, #tpu.memory_space<vmem>> -> memref<128xi32, #tpu.memory_space<vmem>>
    %dma_start3A_586 = arith.constant 0 : i32
    %dma_start3A_587 = arith.constant 0 : i32
    %dma_start3A_588 = tpu.memref_slice %arg5[%dma_start3A_586, %dma_start3A_587] : memref<10240x128xf32, #tpu.memory_space<vmem_shared>> -> memref<10240x128xf32, #tpu.memory_space<vmem_shared>>
    tpu.enqueue_indirect_dma source(%arg7 : memref<128x128xf32, #tpu.memory_space<vmem>>) target(%dma_start3A_588 : memref<10240x128xf32, #tpu.memory_space<vmem_shared>>) offsets(%dma_start3A_585 : memref<128xi32, #tpu.memory_space<vmem>>) semaphore(%arg14 : memref<!tpu.dma_semaphore, #tpu.memory_space<semaphore_mem>>) {add = true}
    %dma_wait3A_589 = arith.constant 78 : i32
    %dma_wait3A_590 = arith.constant 0 : i32
    %dma_wait3A_591 = tpu.memref_slice %arg9[%dma_wait3A_589, %dma_wait3A_590] : memref<80x128xi32, #tpu.memory_space<vmem>> -> memref<1x128xi32, #tpu.memory_space<vmem>>
    %dma_wait3A_592 = tpu.memref_squeeze %dma_wait3A_591 : memref<1x128xi32, #tpu.memory_space<vmem>> -> memref<128xi32, #tpu.memory_space<vmem>>
    %dma_wait3A_593 = arith.constant 0 : i32
    %dma_wait3A_594 = arith.constant 0 : i32
    %dma_wait3A_595 = tpu.memref_slice %arg5[%dma_wait3A_593, %dma_wait3A_594] : memref<10240x128xf32, #tpu.memory_space<vmem_shared>> -> memref<10240x128xf32, #tpu.memory_space<vmem_shared>>
    tpu.wait_indirect_dma semaphore(%arg13 : memref<!tpu.dma_semaphore, #tpu.memory_space<semaphore_mem>>) src(%arg6 : memref<128x128xf32, #tpu.memory_space<vmem>>) dst(%dma_wait3A_595 : memref<10240x128xf32, #tpu.memory_space<vmem_shared>>)
    %dma_wait3A_596 = arith.constant 79 : i32
    %dma_wait3A_597 = arith.constant 0 : i32
    %dma_wait3A_598 = tpu.memref_slice %arg9[%dma_wait3A_596, %dma_wait3A_597] : memref<80x128xi32, #tpu.memory_space<vmem>> -> memref<1x128xi32, #tpu.memory_space<vmem>>
    %dma_wait3A_599 = tpu.memref_squeeze %dma_wait3A_598 : memref<1x128xi32, #tpu.memory_space<vmem>> -> memref<128xi32, #tpu.memory_space<vmem>>
    %dma_wait3A_600 = arith.constant 0 : i32
    %dma_wait3A_601 = arith.constant 0 : i32
    %dma_wait3A_602 = tpu.memref_slice %arg5[%dma_wait3A_600, %dma_wait3A_601] : memref<10240x128xf32, #tpu.memory_space<vmem_shared>> -> memref<10240x128xf32, #tpu.memory_space<vmem_shared>>
    tpu.wait_indirect_dma semaphore(%arg14 : memref<!tpu.dma_semaphore, #tpu.memory_space<semaphore_mem>>) src(%arg7 : memref<128x128xf32, #tpu.memory_space<vmem>>) dst(%dma_wait3A_602 : memref<10240x128xf32, #tpu.memory_space<vmem_shared>>)
    %barrier3A_603 = arith.constant 0 : index
    tpu.barrier barrier_id(%barrier3A_603)
    "tpu.region"() ({
      %run_scoped3A_604 = tpu.sem_alloc : memref<!tpu.dma_semaphore, #tpu.memory_space<semaphore_mem>>
      %dma_start3A_605 = arith.constant 0 : i32
      %dma_start3A_606 = tpu.memref_slice %arg4[%arg0, %mul3A_245, %dma_start3A_605] : memref<2x10240x128xf32, #tpu.memory_space<hbm>> -> memref<1x640x128xf32, #tpu.memory_space<hbm>>
      %dma_start3A_607 = tpu.memref_squeeze %dma_start3A_606 : memref<1x640x128xf32, #tpu.memory_space<hbm>> -> memref<640x128xf32, #tpu.memory_space<hbm>>
      %dma_start3A_608 = arith.constant 0 : i32
      %dma_start3A_609 = tpu.memref_slice %arg5[%mul3A_245, %dma_start3A_608] : memref<10240x128xf32, #tpu.memory_space<vmem_shared>> -> memref<640x128xf32, #tpu.memory_space<vmem_shared>>
      tpu.enqueue_dma source(%dma_start3A_609 : memref<640x128xf32, #tpu.memory_space<vmem_shared>>) target(%dma_start3A_607 : memref<640x128xf32, #tpu.memory_space<hbm>>) target_semaphore(%run_scoped3A_604 : memref<!tpu.dma_semaphore, #tpu.memory_space<semaphore_mem>>)
      %dma_wait3A_610 = arith.constant 0 : i32
      %dma_wait3A_611 = tpu.memref_slice %arg4[%arg0, %mul3A_245, %dma_wait3A_610] : memref<2x10240x128xf32, #tpu.memory_space<hbm>> -> memref<1x640x128xf32, #tpu.memory_space<hbm>>
      %dma_wait3A_612 = tpu.memref_squeeze %dma_wait3A_611 : memref<1x640x128xf32, #tpu.memory_space<hbm>> -> memref<640x128xf32, #tpu.memory_space<hbm>>
      %dma_wait3A_613 = arith.constant 0 : i32
      %dma_wait3A_614 = tpu.memref_slice %arg5[%mul3A_245, %dma_wait3A_613] : memref<10240x128xf32, #tpu.memory_space<vmem_shared>> -> memref<640x128xf32, #tpu.memory_space<vmem_shared>>
      tpu.wait_dma2 semaphore(%run_scoped3A_604 : memref<!tpu.dma_semaphore, #tpu.memory_space<semaphore_mem>>) src(%dma_wait3A_614 : memref<640x128xf32, #tpu.memory_space<vmem_shared>>) dst(%dma_wait3A_612 : memref<640x128xf32, #tpu.memory_space<hbm>>)
      tpu.yield
    }) : () -> ()
    return
  }
}

#map = affine_map<(d0, d1) -> (0, 0)>
module attributes {stable_mosaic.version = 14 : i64} {
  func.func @_sc_degree(%arg0: i32, %arg1: i32, %arg2: memref<2x320000xi32, #tpu.memory_space<hbm>>, %arg3: memref<32x10240xf32, #tpu.memory_space<hbm>>, %arg4: memref<10240xf32, #tpu.memory_space<vmem>>, %arg5: memref<10240xi32, #tpu.memory_space<vmem>>) attributes {dimension_semantics = [#tpu.dimension_semantics<core_parallel>, #tpu.dimension_semantics<subcore_parallel>], iteration_bounds = array<i64: 2, 16>, scalar_prefetch = 0 : i64, scratch_operands = 2 : i64, tpu.core_type = #tpu.core_type<sc_vector_subcore>, window_params = [{transform_indices = #map}, {transform_indices = #map}]} {
    %mul3A = arith.constant 16 : i32
    %mul3A_0 = arith.muli %arg0, %mul3A : i32
    %add3A = arith.addi %mul3A_0, %arg1 : i32
    %broadcast_in_dim3A = arith.constant 0.000000e+00 : f32
    %broadcast_in_dim3A_1 = vector.broadcast %broadcast_in_dim3A : f32 to vector<16xf32>
    %broadcast_in_dim3A_2 = arith.constant 1.000000e+00 : f32
    %broadcast_in_dim3A_3 = vector.broadcast %broadcast_in_dim3A_2 : f32 to vector<16xf32>
    %mul3A_4 = arith.constant 9984 : i32
    %mul3A_5 = arith.muli %add3A, %mul3A_4 : i32
    %run_scoped3A = arith.constant 1 : i32
    "tpu.region"() ({
      %run_scoped3A_98 = tpu.sem_alloc : memref<!tpu.dma_semaphore, #tpu.memory_space<semaphore_mem>>
      %dma_start3A = arith.constant 0 : i32
      %dma_start3A_99 = tpu.memref_slice %arg5[%dma_start3A] : memref<10240xi32, #tpu.memory_space<vmem>> -> memref<9984xi32, #tpu.memory_space<vmem>>
      %dma_start3A_100 = tpu.memref_slice %arg2[%run_scoped3A, %mul3A_5] : memref<2x320000xi32, #tpu.memory_space<hbm>> -> memref<1x9984xi32, #tpu.memory_space<hbm>>
      %dma_start3A_101 = tpu.memref_squeeze %dma_start3A_100 : memref<1x9984xi32, #tpu.memory_space<hbm>> -> memref<9984xi32, #tpu.memory_space<hbm>>
      %dma_start3A_102 = arith.constant 0 : i32
      %dma_start3A_103 = tpu.memref_slice %arg5[%dma_start3A_102] : memref<10240xi32, #tpu.memory_space<vmem>> -> memref<9984xi32, #tpu.memory_space<vmem>>
      %dma_start3A_104 = tpu.memref_slice %arg2[%run_scoped3A, %mul3A_5] : memref<2x320000xi32, #tpu.memory_space<hbm>> -> memref<1x9984xi32, #tpu.memory_space<hbm>>
      %dma_start3A_105 = tpu.memref_squeeze %dma_start3A_104 : memref<1x9984xi32, #tpu.memory_space<hbm>> -> memref<9984xi32, #tpu.memory_space<hbm>>
      tpu.enqueue_dma source(%dma_start3A_105 : memref<9984xi32, #tpu.memory_space<hbm>>) target(%dma_start3A_103 : memref<9984xi32, #tpu.memory_space<vmem>>) target_semaphore(%run_scoped3A_98 : memref<!tpu.dma_semaphore, #tpu.memory_space<semaphore_mem>>)
      %dma_wait3A = arith.constant 0 : i32
      %dma_wait3A_106 = tpu.memref_slice %arg5[%dma_wait3A] : memref<10240xi32, #tpu.memory_space<vmem>> -> memref<9984xi32, #tpu.memory_space<vmem>>
      %dma_wait3A_107 = tpu.memref_slice %arg2[%run_scoped3A, %mul3A_5] : memref<2x320000xi32, #tpu.memory_space<hbm>> -> memref<1x9984xi32, #tpu.memory_space<hbm>>
      %dma_wait3A_108 = tpu.memref_squeeze %dma_wait3A_107 : memref<1x9984xi32, #tpu.memory_space<hbm>> -> memref<9984xi32, #tpu.memory_space<hbm>>
      %dma_wait3A_109 = arith.constant 0 : i32
      %dma_wait3A_110 = tpu.memref_slice %arg5[%dma_wait3A_109] : memref<10240xi32, #tpu.memory_space<vmem>> -> memref<9984xi32, #tpu.memory_space<vmem>>
      %dma_wait3A_111 = tpu.memref_slice %arg2[%run_scoped3A, %mul3A_5] : memref<2x320000xi32, #tpu.memory_space<hbm>> -> memref<1x9984xi32, #tpu.memory_space<hbm>>
      %dma_wait3A_112 = tpu.memref_squeeze %dma_wait3A_111 : memref<1x9984xi32, #tpu.memory_space<hbm>> -> memref<9984xi32, #tpu.memory_space<hbm>>
      tpu.wait_dma2 semaphore(%run_scoped3A_98 : memref<!tpu.dma_semaphore, #tpu.memory_space<semaphore_mem>>) src(%dma_wait3A_112 : memref<9984xi32, #tpu.memory_space<hbm>>) dst(%dma_wait3A_110 : memref<9984xi32, #tpu.memory_space<vmem>>)
      tpu.yield
    }) : () -> ()
    %mul3A_6 = arith.constant 16 : i32
    %mul3A_7 = arith.muli %add3A, %mul3A_6 : i32
    %add3A_8 = arith.constant 319488 : i32
    %add3A_9 = arith.addi %add3A_8, %mul3A_7 : i32
    %run_scoped3A_10 = arith.constant 1 : i32
    "tpu.region"() ({
      %run_scoped3A_98 = tpu.sem_alloc : memref<!tpu.dma_semaphore, #tpu.memory_space<semaphore_mem>>
      %dma_start3A = arith.constant 9984 : i32
      %dma_start3A_99 = tpu.memref_slice %arg5[%dma_start3A] : memref<10240xi32, #tpu.memory_space<vmem>> -> memref<16xi32, #tpu.memory_space<vmem>>
      %dma_start3A_100 = tpu.memref_slice %arg2[%run_scoped3A_10, %add3A_9] : memref<2x320000xi32, #tpu.memory_space<hbm>> -> memref<1x16xi32, #tpu.memory_space<hbm>>
      %dma_start3A_101 = tpu.memref_squeeze %dma_start3A_100 : memref<1x16xi32, #tpu.memory_space<hbm>> -> memref<16xi32, #tpu.memory_space<hbm>>
      %dma_start3A_102 = arith.constant 9984 : i32
      %dma_start3A_103 = tpu.memref_slice %arg5[%dma_start3A_102] : memref<10240xi32, #tpu.memory_space<vmem>> -> memref<16xi32, #tpu.memory_space<vmem>>
      %dma_start3A_104 = tpu.memref_slice %arg2[%run_scoped3A_10, %add3A_9] : memref<2x320000xi32, #tpu.memory_space<hbm>> -> memref<1x16xi32, #tpu.memory_space<hbm>>
      %dma_start3A_105 = tpu.memref_squeeze %dma_start3A_104 : memref<1x16xi32, #tpu.memory_space<hbm>> -> memref<16xi32, #tpu.memory_space<hbm>>
      tpu.enqueue_dma source(%dma_start3A_105 : memref<16xi32, #tpu.memory_space<hbm>>) target(%dma_start3A_103 : memref<16xi32, #tpu.memory_space<vmem>>) target_semaphore(%run_scoped3A_98 : memref<!tpu.dma_semaphore, #tpu.memory_space<semaphore_mem>>)
      %dma_wait3A = arith.constant 9984 : i32
      %dma_wait3A_106 = tpu.memref_slice %arg5[%dma_wait3A] : memref<10240xi32, #tpu.memory_space<vmem>> -> memref<16xi32, #tpu.memory_space<vmem>>
      %dma_wait3A_107 = tpu.memref_slice %arg2[%run_scoped3A_10, %add3A_9] : memref<2x320000xi32, #tpu.memory_space<hbm>> -> memref<1x16xi32, #tpu.memory_space<hbm>>
      %dma_wait3A_108 = tpu.memref_squeeze %dma_wait3A_107 : memref<1x16xi32, #tpu.memory_space<hbm>> -> memref<16xi32, #tpu.memory_space<hbm>>
      %dma_wait3A_109 = arith.constant 9984 : i32
      %dma_wait3A_110 = tpu.memref_slice %arg5[%dma_wait3A_109] : memref<10240xi32, #tpu.memory_space<vmem>> -> memref<16xi32, #tpu.memory_space<vmem>>
      %dma_wait3A_111 = tpu.memref_slice %arg2[%run_scoped3A_10, %add3A_9] : memref<2x320000xi32, #tpu.memory_space<hbm>> -> memref<1x16xi32, #tpu.memory_space<hbm>>
      %dma_wait3A_112 = tpu.memref_squeeze %dma_wait3A_111 : memref<1x16xi32, #tpu.memory_space<hbm>> -> memref<16xi32, #tpu.memory_space<hbm>>
      tpu.wait_dma2 semaphore(%run_scoped3A_98 : memref<!tpu.dma_semaphore, #tpu.memory_space<semaphore_mem>>) src(%dma_wait3A_112 : memref<16xi32, #tpu.memory_space<hbm>>) dst(%dma_wait3A_110 : memref<16xi32, #tpu.memory_space<vmem>>)
      tpu.yield
    }) : () -> ()
    %iota3A = tpu.iota {dimensions = array<i32: 0>} : vector<16xi32>
    %add3A_11 = arith.constant 10000 : i32
    %add3A_12 = vector.broadcast %add3A_11 : i32 to vector<16xi32>
    %add3A_13 = arith.addi %add3A_12, %iota3A : vector<16xi32>
    %swap3A = arith.constant 10000 : index
    %swap3A_14 = tpu.vector_load %arg5[%swap3A] {strides = array<i32>} : memref<10240xi32, #tpu.memory_space<vmem>>, vector<16xi32>,
    tpu.vector_store %arg5[%swap3A], %add3A_13 {strides = array<i32>} : memref<10240xi32, #tpu.memory_space<vmem>>, vector<16xi32>,
    %add3A_15 = arith.constant 10016 : i32
    %add3A_16 = vector.broadcast %add3A_15 : i32 to vector<16xi32>
    %add3A_17 = arith.addi %add3A_16, %iota3A : vector<16xi32>
    %swap3A_18 = arith.constant 10016 : index
    %swap3A_19 = tpu.vector_load %arg5[%swap3A_18] {strides = array<i32>} : memref<10240xi32, #tpu.memory_space<vmem>>, vector<16xi32>,
    tpu.vector_store %arg5[%swap3A_18], %add3A_17 {strides = array<i32>} : memref<10240xi32, #tpu.memory_space<vmem>>, vector<16xi32>,
    %add3A_20 = arith.constant 10032 : i32
    %add3A_21 = vector.broadcast %add3A_20 : i32 to vector<16xi32>
    %add3A_22 = arith.addi %add3A_21, %iota3A : vector<16xi32>
    %swap3A_23 = arith.constant 10032 : index
    %swap3A_24 = tpu.vector_load %arg5[%swap3A_23] {strides = array<i32>} : memref<10240xi32, #tpu.memory_space<vmem>>, vector<16xi32>,
    tpu.vector_store %arg5[%swap3A_23], %add3A_22 {strides = array<i32>} : memref<10240xi32, #tpu.memory_space<vmem>>, vector<16xi32>,
    %add3A_25 = arith.constant 10048 : i32
    %add3A_26 = vector.broadcast %add3A_25 : i32 to vector<16xi32>
    %add3A_27 = arith.addi %add3A_26, %iota3A : vector<16xi32>
    %swap3A_28 = arith.constant 10048 : index
    %swap3A_29 = tpu.vector_load %arg5[%swap3A_28] {strides = array<i32>} : memref<10240xi32, #tpu.memory_space<vmem>>, vector<16xi32>,
    tpu.vector_store %arg5[%swap3A_28], %add3A_27 {strides = array<i32>} : memref<10240xi32, #tpu.memory_space<vmem>>, vector<16xi32>,
    %add3A_30 = arith.constant 10064 : i32
    %add3A_31 = vector.broadcast %add3A_30 : i32 to vector<16xi32>
    %add3A_32 = arith.addi %add3A_31, %iota3A : vector<16xi32>
    %swap3A_33 = arith.constant 10064 : index
    %swap3A_34 = tpu.vector_load %arg5[%swap3A_33] {strides = array<i32>} : memref<10240xi32, #tpu.memory_space<vmem>>, vector<16xi32>,
    tpu.vector_store %arg5[%swap3A_33], %add3A_32 {strides = array<i32>} : memref<10240xi32, #tpu.memory_space<vmem>>, vector<16xi32>,
    %add3A_35 = arith.constant 10080 : i32
    %add3A_36 = vector.broadcast %add3A_35 : i32 to vector<16xi32>
    %add3A_37 = arith.addi %add3A_36, %iota3A : vector<16xi32>
    %swap3A_38 = arith.constant 10080 : index
    %swap3A_39 = tpu.vector_load %arg5[%swap3A_38] {strides = array<i32>} : memref<10240xi32, #tpu.memory_space<vmem>>, vector<16xi32>,
    tpu.vector_store %arg5[%swap3A_38], %add3A_37 {strides = array<i32>} : memref<10240xi32, #tpu.memory_space<vmem>>, vector<16xi32>,
    %add3A_40 = arith.constant 10096 : i32
    %add3A_41 = vector.broadcast %add3A_40 : i32 to vector<16xi32>
    %add3A_42 = arith.addi %add3A_41, %iota3A : vector<16xi32>
    %swap3A_43 = arith.constant 10096 : index
    %swap3A_44 = tpu.vector_load %arg5[%swap3A_43] {strides = array<i32>} : memref<10240xi32, #tpu.memory_space<vmem>>, vector<16xi32>,
    tpu.vector_store %arg5[%swap3A_43], %add3A_42 {strides = array<i32>} : memref<10240xi32, #tpu.memory_space<vmem>>, vector<16xi32>,
    %add3A_45 = arith.constant 10112 : i32
    %add3A_46 = vector.broadcast %add3A_45 : i32 to vector<16xi32>
    %add3A_47 = arith.addi %add3A_46, %iota3A : vector<16xi32>
    %swap3A_48 = arith.constant 10112 : index
    %swap3A_49 = tpu.vector_load %arg5[%swap3A_48] {strides = array<i32>} : memref<10240xi32, #tpu.memory_space<vmem>>, vector<16xi32>,
    tpu.vector_store %arg5[%swap3A_48], %add3A_47 {strides = array<i32>} : memref<10240xi32, #tpu.memory_space<vmem>>, vector<16xi32>,
    %add3A_50 = arith.constant 10128 : i32
    %add3A_51 = vector.broadcast %add3A_50 : i32 to vector<16xi32>
    %add3A_52 = arith.addi %add3A_51, %iota3A : vector<16xi32>
    %swap3A_53 = arith.constant 10128 : index
    %swap3A_54 = tpu.vector_load %arg5[%swap3A_53] {strides = array<i32>} : memref<10240xi32, #tpu.memory_space<vmem>>, vector<16xi32>,
    tpu.vector_store %arg5[%swap3A_53], %add3A_52 {strides = array<i32>} : memref<10240xi32, #tpu.memory_space<vmem>>, vector<16xi32>,
    %add3A_55 = arith.constant 10144 : i32
    %add3A_56 = vector.broadcast %add3A_55 : i32 to vector<16xi32>
    %add3A_57 = arith.addi %add3A_56, %iota3A : vector<16xi32>
    %swap3A_58 = arith.constant 10144 : index
    %swap3A_59 = tpu.vector_load %arg5[%swap3A_58] {strides = array<i32>} : memref<10240xi32, #tpu.memory_space<vmem>>, vector<16xi32>,
    tpu.vector_store %arg5[%swap3A_58], %add3A_57 {strides = array<i32>} : memref<10240xi32, #tpu.memory_space<vmem>>, vector<16xi32>,
    %add3A_60 = arith.constant 10160 : i32
    %add3A_61 = vector.broadcast %add3A_60 : i32 to vector<16xi32>
    %add3A_62 = arith.addi %add3A_61, %iota3A : vector<16xi32>
    %swap3A_63 = arith.constant 10160 : index
    %swap3A_64 = tpu.vector_load %arg5[%swap3A_63] {strides = array<i32>} : memref<10240xi32, #tpu.memory_space<vmem>>, vector<16xi32>,
    tpu.vector_store %arg5[%swap3A_63], %add3A_62 {strides = array<i32>} : memref<10240xi32, #tpu.memory_space<vmem>>, vector<16xi32>,
    %add3A_65 = arith.constant 10176 : i32
    %add3A_66 = vector.broadcast %add3A_65 : i32 to vector<16xi32>
    %add3A_67 = arith.addi %add3A_66, %iota3A : vector<16xi32>
    %swap3A_68 = arith.constant 10176 : index
    %swap3A_69 = tpu.vector_load %arg5[%swap3A_68] {strides = array<i32>} : memref<10240xi32, #tpu.memory_space<vmem>>, vector<16xi32>,
    tpu.vector_store %arg5[%swap3A_68], %add3A_67 {strides = array<i32>} : memref<10240xi32, #tpu.memory_space<vmem>>, vector<16xi32>,
    %add3A_70 = arith.constant 10192 : i32
    %add3A_71 = vector.broadcast %add3A_70 : i32 to vector<16xi32>
    %add3A_72 = arith.addi %add3A_71, %iota3A : vector<16xi32>
    %swap3A_73 = arith.constant 10192 : index
    %swap3A_74 = tpu.vector_load %arg5[%swap3A_73] {strides = array<i32>} : memref<10240xi32, #tpu.memory_space<vmem>>, vector<16xi32>,
    tpu.vector_store %arg5[%swap3A_73], %add3A_72 {strides = array<i32>} : memref<10240xi32, #tpu.memory_space<vmem>>, vector<16xi32>,
    %add3A_75 = arith.constant 10208 : i32
    %add3A_76 = vector.broadcast %add3A_75 : i32 to vector<16xi32>
    %add3A_77 = arith.addi %add3A_76, %iota3A : vector<16xi32>
    %swap3A_78 = arith.constant 10208 : index
    %swap3A_79 = tpu.vector_load %arg5[%swap3A_78] {strides = array<i32>} : memref<10240xi32, #tpu.memory_space<vmem>>, vector<16xi32>,
    tpu.vector_store %arg5[%swap3A_78], %add3A_77 {strides = array<i32>} : memref<10240xi32, #tpu.memory_space<vmem>>, vector<16xi32>,
    %add3A_80 = arith.constant 10224 : i32
    %add3A_81 = vector.broadcast %add3A_80 : i32 to vector<16xi32>
    %add3A_82 = arith.addi %add3A_81, %iota3A : vector<16xi32>
    %swap3A_83 = arith.constant 10224 : index
    %swap3A_84 = tpu.vector_load %arg5[%swap3A_83] {strides = array<i32>} : memref<10240xi32, #tpu.memory_space<vmem>>, vector<16xi32>,
    tpu.vector_store %arg5[%swap3A_83], %add3A_82 {strides = array<i32>} : memref<10240xi32, #tpu.memory_space<vmem>>, vector<16xi32>,
    %scan3A = arith.constant 0 : i32
    %scan3A_85 = arith.constant 0 : i32
    %scan3A_86 = arith.constant 160 : i32
    %scan3A_87 = arith.addi %scan3A_85, %scan3A_86 : i32
    %scan3A_88 = arith.constant 1 : i32
    %scan3A_89 = scf.for %scan3A_98 = %scan3A_85 to %scan3A_87 step %scan3A_88 iter_args(%scan3A_99 = %scan3A) -> (i32)  : i32 {
      %mul3A_100 = arith.constant 64 : i32
      %mul3A_101 = arith.muli %scan3A_98, %mul3A_100 : i32
      %add3A_102 = arith.constant 0 : i32
      %add3A_103 = arith.addi %mul3A_101, %add3A_102 : i32
      %swap3A_104 = arith.index_cast %add3A_103 : i32 to index
      %swap3A_105 = tpu.vector_load %arg4[%swap3A_104] {strides = array<i32>} : memref<10240xf32, #tpu.memory_space<vmem>>, vector<16xf32>,
      tpu.vector_store %arg4[%swap3A_104], %broadcast_in_dim3A_1 {strides = array<i32>} : memref<10240xf32, #tpu.memory_space<vmem>>, vector<16xf32>,
      %mul3A_106 = arith.constant 64 : i32
      %mul3A_107 = arith.muli %scan3A_98, %mul3A_106 : i32
      %add3A_108 = arith.constant 16 : i32
      %add3A_109 = arith.addi %mul3A_107, %add3A_108 : i32
      %swap3A_110 = arith.index_cast %add3A_109 : i32 to index
      %swap3A_111 = tpu.vector_load %arg4[%swap3A_110] {strides = array<i32>} : memref<10240xf32, #tpu.memory_space<vmem>>, vector<16xf32>,
      tpu.vector_store %arg4[%swap3A_110], %broadcast_in_dim3A_1 {strides = array<i32>} : memref<10240xf32, #tpu.memory_space<vmem>>, vector<16xf32>,
      %mul3A_112 = arith.constant 64 : i32
      %mul3A_113 = arith.muli %scan3A_98, %mul3A_112 : i32
      %add3A_114 = arith.constant 32 : i32
      %add3A_115 = arith.addi %mul3A_113, %add3A_114 : i32
      %swap3A_116 = arith.index_cast %add3A_115 : i32 to index
      %swap3A_117 = tpu.vector_load %arg4[%swap3A_116] {strides = array<i32>} : memref<10240xf32, #tpu.memory_space<vmem>>, vector<16xf32>,
      tpu.vector_store %arg4[%swap3A_116], %broadcast_in_dim3A_1 {strides = array<i32>} : memref<10240xf32, #tpu.memory_space<vmem>>, vector<16xf32>,
      %mul3A_118 = arith.constant 64 : i32
      %mul3A_119 = arith.muli %scan3A_98, %mul3A_118 : i32
      %add3A_120 = arith.constant 48 : i32
      %add3A_121 = arith.addi %mul3A_119, %add3A_120 : i32
      %swap3A_122 = arith.index_cast %add3A_121 : i32 to index
      %swap3A_123 = tpu.vector_load %arg4[%swap3A_122] {strides = array<i32>} : memref<10240xf32, #tpu.memory_space<vmem>>, vector<16xf32>,
      tpu.vector_store %arg4[%swap3A_122], %broadcast_in_dim3A_1 {strides = array<i32>} : memref<10240xf32, #tpu.memory_space<vmem>>, vector<16xf32>,
      %scan3A_124 = arith.constant 0 : i32
      scf.yield %scan3A_124 : i32
    }
    %scan3A_90 = arith.constant 160 : i32
    %scan3A_91 = arith.constant 0 : i32
    %scan3A_92 = arith.constant 0 : i32
    %scan3A_93 = arith.constant 160 : i32
    %scan3A_94 = arith.addi %scan3A_92, %scan3A_93 : i32
    %scan3A_95 = arith.constant 1 : i32
    %scan3A_96 = scf.for %scan3A_98 = %scan3A_92 to %scan3A_94 step %scan3A_95 iter_args(%scan3A_99 = %scan3A_91) -> (i32)  : i32 {
      %mul3A_100 = arith.constant 64 : i32
      %mul3A_101 = arith.muli %scan3A_98, %mul3A_100 : i32
      %add3A_102 = arith.constant 0 : i32
      %add3A_103 = arith.addi %mul3A_101, %add3A_102 : i32
      %get3A = arith.index_cast %add3A_103 : i32 to index
      %get3A_104 = tpu.vector_load %arg5[%get3A] {strides = array<i32>} : memref<10240xi32, #tpu.memory_space<vmem>>, vector<16xi32>,
      tpu.vector_store_idx %arg4[%get3A_104], %broadcast_in_dim3A_3 {add = true} : memref<10240xf32, #tpu.memory_space<vmem>>[vector<16xi32>], vector<16xf32>,
      %mul3A_105 = arith.constant 64 : i32
      %mul3A_106 = arith.muli %scan3A_98, %mul3A_105 : i32
      %add3A_107 = arith.constant 16 : i32
      %add3A_108 = arith.addi %mul3A_106, %add3A_107 : i32
      %get3A_109 = arith.index_cast %add3A_108 : i32 to index
      %get3A_110 = tpu.vector_load %arg5[%get3A_109] {strides = array<i32>} : memref<10240xi32, #tpu.memory_space<vmem>>, vector<16xi32>,
      tpu.vector_store_idx %arg4[%get3A_110], %broadcast_in_dim3A_3 {add = true} : memref<10240xf32, #tpu.memory_space<vmem>>[vector<16xi32>], vector<16xf32>,
      %mul3A_111 = arith.constant 64 : i32
      %mul3A_112 = arith.muli %scan3A_98, %mul3A_111 : i32
      %add3A_113 = arith.constant 32 : i32
      %add3A_114 = arith.addi %mul3A_112, %add3A_113 : i32
      %get3A_115 = arith.index_cast %add3A_114 : i32 to index
      %get3A_116 = tpu.vector_load %arg5[%get3A_115] {strides = array<i32>} : memref<10240xi32, #tpu.memory_space<vmem>>, vector<16xi32>,
      tpu.vector_store_idx %arg4[%get3A_116], %broadcast_in_dim3A_3 {add = true} : memref<10240xf32, #tpu.memory_space<vmem>>[vector<16xi32>], vector<16xf32>,
      %mul3A_117 = arith.constant 64 : i32
      %mul3A_118 = arith.muli %scan3A_98, %mul3A_117 : i32
      %add3A_119 = arith.constant 48 : i32
      %add3A_120 = arith.addi %mul3A_118, %add3A_119 : i32
      %get3A_121 = arith.index_cast %add3A_120 : i32 to index
      %get3A_122 = tpu.vector_load %arg5[%get3A_121] {strides = array<i32>} : memref<10240xi32, #tpu.memory_space<vmem>>, vector<16xi32>,
      tpu.vector_store_idx %arg4[%get3A_122], %broadcast_in_dim3A_3 {add = true} : memref<10240xf32, #tpu.memory_space<vmem>>[vector<16xi32>], vector<16xf32>,
      %scan3A_123 = arith.constant 0 : i32
      scf.yield %scan3A_123 : i32
    }
    %scan3A_97 = arith.constant 160 : i32
    "tpu.region"() ({
      %run_scoped3A_98 = tpu.sem_alloc : memref<!tpu.dma_semaphore, #tpu.memory_space<semaphore_mem>>
      %dma_start3A = arith.constant 0 : i32
      %dma_start3A_99 = tpu.memref_slice %arg3[%add3A, %dma_start3A] : memref<32x10240xf32, #tpu.memory_space<hbm>> -> memref<1x10240xf32, #tpu.memory_space<hbm>>
      %dma_start3A_100 = tpu.memref_squeeze %dma_start3A_99 : memref<1x10240xf32, #tpu.memory_space<hbm>> -> memref<10240xf32, #tpu.memory_space<hbm>>
      %dma_start3A_101 = arith.constant 0 : i32
      %dma_start3A_102 = tpu.memref_slice %arg3[%add3A, %dma_start3A_101] : memref<32x10240xf32, #tpu.memory_space<hbm>> -> memref<1x10240xf32, #tpu.memory_space<hbm>>
      %dma_start3A_103 = tpu.memref_squeeze %dma_start3A_102 : memref<1x10240xf32, #tpu.memory_space<hbm>> -> memref<10240xf32, #tpu.memory_space<hbm>>
      tpu.enqueue_dma source(%arg4 : memref<10240xf32, #tpu.memory_space<vmem>>) target(%dma_start3A_103 : memref<10240xf32, #tpu.memory_space<hbm>>) target_semaphore(%run_scoped3A_98 : memref<!tpu.dma_semaphore, #tpu.memory_space<semaphore_mem>>)
      %dma_wait3A = arith.constant 0 : i32
      %dma_wait3A_104 = tpu.memref_slice %arg3[%add3A, %dma_wait3A] : memref<32x10240xf32, #tpu.memory_space<hbm>> -> memref<1x10240xf32, #tpu.memory_space<hbm>>
      %dma_wait3A_105 = tpu.memref_squeeze %dma_wait3A_104 : memref<1x10240xf32, #tpu.memory_space<hbm>> -> memref<10240xf32, #tpu.memory_space<hbm>>
      %dma_wait3A_106 = arith.constant 0 : i32
      %dma_wait3A_107 = tpu.memref_slice %arg3[%add3A, %dma_wait3A_106] : memref<32x10240xf32, #tpu.memory_space<hbm>> -> memref<1x10240xf32, #tpu.memory_space<hbm>>
      %dma_wait3A_108 = tpu.memref_squeeze %dma_wait3A_107 : memref<1x10240xf32, #tpu.memory_space<hbm>> -> memref<10240xf32, #tpu.memory_space<hbm>>
      tpu.wait_dma2 semaphore(%run_scoped3A_98 : memref<!tpu.dma_semaphore, #tpu.memory_space<semaphore_mem>>) src(%arg4 : memref<10240xf32, #tpu.memory_space<vmem>>) dst(%dma_wait3A_108 : memref<10240xf32, #tpu.memory_space<hbm>>)
      tpu.yield
    }) : () -> ()
    return
  }
}

#map = affine_map<(d0, d1) -> (0, 0)>
#map1 = affine_map<(d0, d1) -> (0, 0, 0)>
module attributes {stable_mosaic.version = 14 : i64} {
  func.func @_sc_segscalar(%arg0: i32, %arg1: i32, %arg2: memref<2x320000xi32, #tpu.memory_space<hbm>>, %arg3: memref<10x8x128xf32, #tpu.memory_space<hbm>>, %arg4: memref<32x10240xf32, #tpu.memory_space<hbm>>, %arg5: memref<10x8x128xf32, #tpu.memory_space<vmem>>, %arg6: memref<10240xf32, #tpu.memory_space<vmem>>, %arg7: memref<10240xi32, #tpu.memory_space<vmem>>, %arg8: memref<10240xi32, #tpu.memory_space<vmem>>) attributes {dimension_semantics = [#tpu.dimension_semantics<core_parallel>, #tpu.dimension_semantics<subcore_parallel>], iteration_bounds = array<i64: 2, 16>, scalar_prefetch = 0 : i64, scratch_operands = 4 : i64, tpu.core_type = #tpu.core_type<sc_vector_subcore>, window_params = [{transform_indices = #map}, {transform_indices = #map1}, {transform_indices = #map}]} {
    %mul3A = arith.constant 16 : i32
    %mul3A_0 = arith.muli %arg0, %mul3A : i32
    %add3A = arith.addi %mul3A_0, %arg1 : i32
    %broadcast_in_dim3A = arith.constant 0.000000e+00 : f32
    %broadcast_in_dim3A_1 = vector.broadcast %broadcast_in_dim3A : f32 to vector<16xf32>
    %mul3A_2 = arith.constant 9984 : i32
    %mul3A_3 = arith.muli %add3A, %mul3A_2 : i32
    %run_scoped3A = arith.constant 0 : i32
    "tpu.region"() ({
      %run_scoped3A_180 = tpu.sem_alloc : memref<!tpu.dma_semaphore, #tpu.memory_space<semaphore_mem>>
      %dma_start3A = arith.constant 0 : i32
      %dma_start3A_181 = tpu.memref_slice %arg7[%dma_start3A] : memref<10240xi32, #tpu.memory_space<vmem>> -> memref<9984xi32, #tpu.memory_space<vmem>>
      %dma_start3A_182 = tpu.memref_slice %arg2[%run_scoped3A, %mul3A_3] : memref<2x320000xi32, #tpu.memory_space<hbm>> -> memref<1x9984xi32, #tpu.memory_space<hbm>>
      %dma_start3A_183 = tpu.memref_squeeze %dma_start3A_182 : memref<1x9984xi32, #tpu.memory_space<hbm>> -> memref<9984xi32, #tpu.memory_space<hbm>>
      %dma_start3A_184 = arith.constant 0 : i32
      %dma_start3A_185 = tpu.memref_slice %arg7[%dma_start3A_184] : memref<10240xi32, #tpu.memory_space<vmem>> -> memref<9984xi32, #tpu.memory_space<vmem>>
      %dma_start3A_186 = tpu.memref_slice %arg2[%run_scoped3A, %mul3A_3] : memref<2x320000xi32, #tpu.memory_space<hbm>> -> memref<1x9984xi32, #tpu.memory_space<hbm>>
      %dma_start3A_187 = tpu.memref_squeeze %dma_start3A_186 : memref<1x9984xi32, #tpu.memory_space<hbm>> -> memref<9984xi32, #tpu.memory_space<hbm>>
      tpu.enqueue_dma source(%dma_start3A_187 : memref<9984xi32, #tpu.memory_space<hbm>>) target(%dma_start3A_185 : memref<9984xi32, #tpu.memory_space<vmem>>) target_semaphore(%run_scoped3A_180 : memref<!tpu.dma_semaphore, #tpu.memory_space<semaphore_mem>>)
      %dma_wait3A = arith.constant 0 : i32
      %dma_wait3A_188 = tpu.memref_slice %arg7[%dma_wait3A] : memref<10240xi32, #tpu.memory_space<vmem>> -> memref<9984xi32, #tpu.memory_space<vmem>>
      %dma_wait3A_189 = tpu.memref_slice %arg2[%run_scoped3A, %mul3A_3] : memref<2x320000xi32, #tpu.memory_space<hbm>> -> memref<1x9984xi32, #tpu.memory_space<hbm>>
      %dma_wait3A_190 = tpu.memref_squeeze %dma_wait3A_189 : memref<1x9984xi32, #tpu.memory_space<hbm>> -> memref<9984xi32, #tpu.memory_space<hbm>>
      %dma_wait3A_191 = arith.constant 0 : i32
      %dma_wait3A_192 = tpu.memref_slice %arg7[%dma_wait3A_191] : memref<10240xi32, #tpu.memory_space<vmem>> -> memref<9984xi32, #tpu.memory_space<vmem>>
      %dma_wait3A_193 = tpu.memref_slice %arg2[%run_scoped3A, %mul3A_3] : memref<2x320000xi32, #tpu.memory_space<hbm>> -> memref<1x9984xi32, #tpu.memory_space<hbm>>
      %dma_wait3A_194 = tpu.memref_squeeze %dma_wait3A_193 : memref<1x9984xi32, #tpu.memory_space<hbm>> -> memref<9984xi32, #tpu.memory_space<hbm>>
      tpu.wait_dma2 semaphore(%run_scoped3A_180 : memref<!tpu.dma_semaphore, #tpu.memory_space<semaphore_mem>>) src(%dma_wait3A_194 : memref<9984xi32, #tpu.memory_space<hbm>>) dst(%dma_wait3A_192 : memref<9984xi32, #tpu.memory_space<vmem>>)
      tpu.yield
    }) : () -> ()
    %mul3A_4 = arith.constant 16 : i32
    %mul3A_5 = arith.muli %add3A, %mul3A_4 : i32
    %add3A_6 = arith.constant 319488 : i32
    %add3A_7 = arith.addi %add3A_6, %mul3A_5 : i32
    %run_scoped3A_8 = arith.constant 0 : i32
    "tpu.region"() ({
      %run_scoped3A_180 = tpu.sem_alloc : memref<!tpu.dma_semaphore, #tpu.memory_space<semaphore_mem>>
      %dma_start3A = arith.constant 9984 : i32
      %dma_start3A_181 = tpu.memref_slice %arg7[%dma_start3A] : memref<10240xi32, #tpu.memory_space<vmem>> -> memref<16xi32, #tpu.memory_space<vmem>>
      %dma_start3A_182 = tpu.memref_slice %arg2[%run_scoped3A_8, %add3A_7] : memref<2x320000xi32, #tpu.memory_space<hbm>> -> memref<1x16xi32, #tpu.memory_space<hbm>>
      %dma_start3A_183 = tpu.memref_squeeze %dma_start3A_182 : memref<1x16xi32, #tpu.memory_space<hbm>> -> memref<16xi32, #tpu.memory_space<hbm>>
      %dma_start3A_184 = arith.constant 9984 : i32
      %dma_start3A_185 = tpu.memref_slice %arg7[%dma_start3A_184] : memref<10240xi32, #tpu.memory_space<vmem>> -> memref<16xi32, #tpu.memory_space<vmem>>
      %dma_start3A_186 = tpu.memref_slice %arg2[%run_scoped3A_8, %add3A_7] : memref<2x320000xi32, #tpu.memory_space<hbm>> -> memref<1x16xi32, #tpu.memory_space<hbm>>
      %dma_start3A_187 = tpu.memref_squeeze %dma_start3A_186 : memref<1x16xi32, #tpu.memory_space<hbm>> -> memref<16xi32, #tpu.memory_space<hbm>>
      tpu.enqueue_dma source(%dma_start3A_187 : memref<16xi32, #tpu.memory_space<hbm>>) target(%dma_start3A_185 : memref<16xi32, #tpu.memory_space<vmem>>) target_semaphore(%run_scoped3A_180 : memref<!tpu.dma_semaphore, #tpu.memory_space<semaphore_mem>>)
      %dma_wait3A = arith.constant 9984 : i32
      %dma_wait3A_188 = tpu.memref_slice %arg7[%dma_wait3A] : memref<10240xi32, #tpu.memory_space<vmem>> -> memref<16xi32, #tpu.memory_space<vmem>>
      %dma_wait3A_189 = tpu.memref_slice %arg2[%run_scoped3A_8, %add3A_7] : memref<2x320000xi32, #tpu.memory_space<hbm>> -> memref<1x16xi32, #tpu.memory_space<hbm>>
      %dma_wait3A_190 = tpu.memref_squeeze %dma_wait3A_189 : memref<1x16xi32, #tpu.memory_space<hbm>> -> memref<16xi32, #tpu.memory_space<hbm>>
      %dma_wait3A_191 = arith.constant 9984 : i32
      %dma_wait3A_192 = tpu.memref_slice %arg7[%dma_wait3A_191] : memref<10240xi32, #tpu.memory_space<vmem>> -> memref<16xi32, #tpu.memory_space<vmem>>
      %dma_wait3A_193 = tpu.memref_slice %arg2[%run_scoped3A_8, %add3A_7] : memref<2x320000xi32, #tpu.memory_space<hbm>> -> memref<1x16xi32, #tpu.memory_space<hbm>>
      %dma_wait3A_194 = tpu.memref_squeeze %dma_wait3A_193 : memref<1x16xi32, #tpu.memory_space<hbm>> -> memref<16xi32, #tpu.memory_space<hbm>>
      tpu.wait_dma2 semaphore(%run_scoped3A_180 : memref<!tpu.dma_semaphore, #tpu.memory_space<semaphore_mem>>) src(%dma_wait3A_194 : memref<16xi32, #tpu.memory_space<hbm>>) dst(%dma_wait3A_192 : memref<16xi32, #tpu.memory_space<vmem>>)
      tpu.yield
    }) : () -> ()
    %iota3A = tpu.iota {dimensions = array<i32: 0>} : vector<16xi32>
    %add3A_9 = arith.constant 10000 : i32
    %add3A_10 = vector.broadcast %add3A_9 : i32 to vector<16xi32>
    %add3A_11 = arith.addi %add3A_10, %iota3A : vector<16xi32>
    %swap3A = arith.constant 10000 : index
    %swap3A_12 = tpu.vector_load %arg7[%swap3A] {strides = array<i32>} : memref<10240xi32, #tpu.memory_space<vmem>>, vector<16xi32>,
    tpu.vector_store %arg7[%swap3A], %add3A_11 {strides = array<i32>} : memref<10240xi32, #tpu.memory_space<vmem>>, vector<16xi32>,
    %add3A_13 = arith.constant 10016 : i32
    %add3A_14 = vector.broadcast %add3A_13 : i32 to vector<16xi32>
    %add3A_15 = arith.addi %add3A_14, %iota3A : vector<16xi32>
    %swap3A_16 = arith.constant 10016 : index
    %swap3A_17 = tpu.vector_load %arg7[%swap3A_16] {strides = array<i32>} : memref<10240xi32, #tpu.memory_space<vmem>>, vector<16xi32>,
    tpu.vector_store %arg7[%swap3A_16], %add3A_15 {strides = array<i32>} : memref<10240xi32, #tpu.memory_space<vmem>>, vector<16xi32>,
    %add3A_18 = arith.constant 10032 : i32
    %add3A_19 = vector.broadcast %add3A_18 : i32 to vector<16xi32>
    %add3A_20 = arith.addi %add3A_19, %iota3A : vector<16xi32>
    %swap3A_21 = arith.constant 10032 : index
    %swap3A_22 = tpu.vector_load %arg7[%swap3A_21] {strides = array<i32>} : memref<10240xi32, #tpu.memory_space<vmem>>, vector<16xi32>,
    tpu.vector_store %arg7[%swap3A_21], %add3A_20 {strides = array<i32>} : memref<10240xi32, #tpu.memory_space<vmem>>, vector<16xi32>,
    %add3A_23 = arith.constant 10048 : i32
    %add3A_24 = vector.broadcast %add3A_23 : i32 to vector<16xi32>
    %add3A_25 = arith.addi %add3A_24, %iota3A : vector<16xi32>
    %swap3A_26 = arith.constant 10048 : index
    %swap3A_27 = tpu.vector_load %arg7[%swap3A_26] {strides = array<i32>} : memref<10240xi32, #tpu.memory_space<vmem>>, vector<16xi32>,
    tpu.vector_store %arg7[%swap3A_26], %add3A_25 {strides = array<i32>} : memref<10240xi32, #tpu.memory_space<vmem>>, vector<16xi32>,
    %add3A_28 = arith.constant 10064 : i32
    %add3A_29 = vector.broadcast %add3A_28 : i32 to vector<16xi32>
    %add3A_30 = arith.addi %add3A_29, %iota3A : vector<16xi32>
    %swap3A_31 = arith.constant 10064 : index
    %swap3A_32 = tpu.vector_load %arg7[%swap3A_31] {strides = array<i32>} : memref<10240xi32, #tpu.memory_space<vmem>>, vector<16xi32>,
    tpu.vector_store %arg7[%swap3A_31], %add3A_30 {strides = array<i32>} : memref<10240xi32, #tpu.memory_space<vmem>>, vector<16xi32>,
    %add3A_33 = arith.constant 10080 : i32
    %add3A_34 = vector.broadcast %add3A_33 : i32 to vector<16xi32>
    %add3A_35 = arith.addi %add3A_34, %iota3A : vector<16xi32>
    %swap3A_36 = arith.constant 10080 : index
    %swap3A_37 = tpu.vector_load %arg7[%swap3A_36] {strides = array<i32>} : memref<10240xi32, #tpu.memory_space<vmem>>, vector<16xi32>,
    tpu.vector_store %arg7[%swap3A_36], %add3A_35 {strides = array<i32>} : memref<10240xi32, #tpu.memory_space<vmem>>, vector<16xi32>,
    %add3A_38 = arith.constant 10096 : i32
    %add3A_39 = vector.broadcast %add3A_38 : i32 to vector<16xi32>
    %add3A_40 = arith.addi %add3A_39, %iota3A : vector<16xi32>
    %swap3A_41 = arith.constant 10096 : index
    %swap3A_42 = tpu.vector_load %arg7[%swap3A_41] {strides = array<i32>} : memref<10240xi32, #tpu.memory_space<vmem>>, vector<16xi32>,
    tpu.vector_store %arg7[%swap3A_41], %add3A_40 {strides = array<i32>} : memref<10240xi32, #tpu.memory_space<vmem>>, vector<16xi32>,
    %add3A_43 = arith.constant 10112 : i32
    %add3A_44 = vector.broadcast %add3A_43 : i32 to vector<16xi32>
    %add3A_45 = arith.addi %add3A_44, %iota3A : vector<16xi32>
    %swap3A_46 = arith.constant 10112 : index
    %swap3A_47 = tpu.vector_load %arg7[%swap3A_46] {strides = array<i32>} : memref<10240xi32, #tpu.memory_space<vmem>>, vector<16xi32>,
    tpu.vector_store %arg7[%swap3A_46], %add3A_45 {strides = array<i32>} : memref<10240xi32, #tpu.memory_space<vmem>>, vector<16xi32>,
    %add3A_48 = arith.constant 10128 : i32
    %add3A_49 = vector.broadcast %add3A_48 : i32 to vector<16xi32>
    %add3A_50 = arith.addi %add3A_49, %iota3A : vector<16xi32>
    %swap3A_51 = arith.constant 10128 : index
    %swap3A_52 = tpu.vector_load %arg7[%swap3A_51] {strides = array<i32>} : memref<10240xi32, #tpu.memory_space<vmem>>, vector<16xi32>,
    tpu.vector_store %arg7[%swap3A_51], %add3A_50 {strides = array<i32>} : memref<10240xi32, #tpu.memory_space<vmem>>, vector<16xi32>,
    %add3A_53 = arith.constant 10144 : i32
    %add3A_54 = vector.broadcast %add3A_53 : i32 to vector<16xi32>
    %add3A_55 = arith.addi %add3A_54, %iota3A : vector<16xi32>
    %swap3A_56 = arith.constant 10144 : index
    %swap3A_57 = tpu.vector_load %arg7[%swap3A_56] {strides = array<i32>} : memref<10240xi32, #tpu.memory_space<vmem>>, vector<16xi32>,
    tpu.vector_store %arg7[%swap3A_56], %add3A_55 {strides = array<i32>} : memref<10240xi32, #tpu.memory_space<vmem>>, vector<16xi32>,
    %add3A_58 = arith.constant 10160 : i32
    %add3A_59 = vector.broadcast %add3A_58 : i32 to vector<16xi32>
    %add3A_60 = arith.addi %add3A_59, %iota3A : vector<16xi32>
    %swap3A_61 = arith.constant 10160 : index
    %swap3A_62 = tpu.vector_load %arg7[%swap3A_61] {strides = array<i32>} : memref<10240xi32, #tpu.memory_space<vmem>>, vector<16xi32>,
    tpu.vector_store %arg7[%swap3A_61], %add3A_60 {strides = array<i32>} : memref<10240xi32, #tpu.memory_space<vmem>>, vector<16xi32>,
    %add3A_63 = arith.constant 10176 : i32
    %add3A_64 = vector.broadcast %add3A_63 : i32 to vector<16xi32>
    %add3A_65 = arith.addi %add3A_64, %iota3A : vector<16xi32>
    %swap3A_66 = arith.constant 10176 : index
    %swap3A_67 = tpu.vector_load %arg7[%swap3A_66] {strides = array<i32>} : memref<10240xi32, #tpu.memory_space<vmem>>, vector<16xi32>,
    tpu.vector_store %arg7[%swap3A_66], %add3A_65 {strides = array<i32>} : memref<10240xi32, #tpu.memory_space<vmem>>, vector<16xi32>,
    %add3A_68 = arith.constant 10192 : i32
    %add3A_69 = vector.broadcast %add3A_68 : i32 to vector<16xi32>
    %add3A_70 = arith.addi %add3A_69, %iota3A : vector<16xi32>
    %swap3A_71 = arith.constant 10192 : index
    %swap3A_72 = tpu.vector_load %arg7[%swap3A_71] {strides = array<i32>} : memref<10240xi32, #tpu.memory_space<vmem>>, vector<16xi32>,
    tpu.vector_store %arg7[%swap3A_71], %add3A_70 {strides = array<i32>} : memref<10240xi32, #tpu.memory_space<vmem>>, vector<16xi32>,
    %add3A_73 = arith.constant 10208 : i32
    %add3A_74 = vector.broadcast %add3A_73 : i32 to vector<16xi32>
    %add3A_75 = arith.addi %add3A_74, %iota3A : vector<16xi32>
    %swap3A_76 = arith.constant 10208 : index
    %swap3A_77 = tpu.vector_load %arg7[%swap3A_76] {strides = array<i32>} : memref<10240xi32, #tpu.memory_space<vmem>>, vector<16xi32>,
    tpu.vector_store %arg7[%swap3A_76], %add3A_75 {strides = array<i32>} : memref<10240xi32, #tpu.memory_space<vmem>>, vector<16xi32>,
    %add3A_78 = arith.constant 10224 : i32
    %add3A_79 = vector.broadcast %add3A_78 : i32 to vector<16xi32>
    %add3A_80 = arith.addi %add3A_79, %iota3A : vector<16xi32>
    %swap3A_81 = arith.constant 10224 : index
    %swap3A_82 = tpu.vector_load %arg7[%swap3A_81] {strides = array<i32>} : memref<10240xi32, #tpu.memory_space<vmem>>, vector<16xi32>,
    tpu.vector_store %arg7[%swap3A_81], %add3A_80 {strides = array<i32>} : memref<10240xi32, #tpu.memory_space<vmem>>, vector<16xi32>,
    %mul3A_83 = arith.constant 9984 : i32
    %mul3A_84 = arith.muli %add3A, %mul3A_83 : i32
    %run_scoped3A_85 = arith.constant 1 : i32
    "tpu.region"() ({
      %run_scoped3A_180 = tpu.sem_alloc : memref<!tpu.dma_semaphore, #tpu.memory_space<semaphore_mem>>
      %dma_start3A = arith.constant 0 : i32
      %dma_start3A_181 = tpu.memref_slice %arg8[%dma_start3A] : memref<10240xi32, #tpu.memory_space<vmem>> -> memref<9984xi32, #tpu.memory_space<vmem>>
      %dma_start3A_182 = tpu.memref_slice %arg2[%run_scoped3A_85, %mul3A_84] : memref<2x320000xi32, #tpu.memory_space<hbm>> -> memref<1x9984xi32, #tpu.memory_space<hbm>>
      %dma_start3A_183 = tpu.memref_squeeze %dma_start3A_182 : memref<1x9984xi32, #tpu.memory_space<hbm>> -> memref<9984xi32, #tpu.memory_space<hbm>>
      %dma_start3A_184 = arith.constant 0 : i32
      %dma_start3A_185 = tpu.memref_slice %arg8[%dma_start3A_184] : memref<10240xi32, #tpu.memory_space<vmem>> -> memref<9984xi32, #tpu.memory_space<vmem>>
      %dma_start3A_186 = tpu.memref_slice %arg2[%run_scoped3A_85, %mul3A_84] : memref<2x320000xi32, #tpu.memory_space<hbm>> -> memref<1x9984xi32, #tpu.memory_space<hbm>>
      %dma_start3A_187 = tpu.memref_squeeze %dma_start3A_186 : memref<1x9984xi32, #tpu.memory_space<hbm>> -> memref<9984xi32, #tpu.memory_space<hbm>>
      tpu.enqueue_dma source(%dma_start3A_187 : memref<9984xi32, #tpu.memory_space<hbm>>) target(%dma_start3A_185 : memref<9984xi32, #tpu.memory_space<vmem>>) target_semaphore(%run_scoped3A_180 : memref<!tpu.dma_semaphore, #tpu.memory_space<semaphore_mem>>)
      %dma_wait3A = arith.constant 0 : i32
      %dma_wait3A_188 = tpu.memref_slice %arg8[%dma_wait3A] : memref<10240xi32, #tpu.memory_space<vmem>> -> memref<9984xi32, #tpu.memory_space<vmem>>
      %dma_wait3A_189 = tpu.memref_slice %arg2[%run_scoped3A_85, %mul3A_84] : memref<2x320000xi32, #tpu.memory_space<hbm>> -> memref<1x9984xi32, #tpu.memory_space<hbm>>
      %dma_wait3A_190 = tpu.memref_squeeze %dma_wait3A_189 : memref<1x9984xi32, #tpu.memory_space<hbm>> -> memref<9984xi32, #tpu.memory_space<hbm>>
      %dma_wait3A_191 = arith.constant 0 : i32
      %dma_wait3A_192 = tpu.memref_slice %arg8[%dma_wait3A_191] : memref<10240xi32, #tpu.memory_space<vmem>> -> memref<9984xi32, #tpu.memory_space<vmem>>
      %dma_wait3A_193 = tpu.memref_slice %arg2[%run_scoped3A_85, %mul3A_84] : memref<2x320000xi32, #tpu.memory_space<hbm>> -> memref<1x9984xi32, #tpu.memory_space<hbm>>
      %dma_wait3A_194 = tpu.memref_squeeze %dma_wait3A_193 : memref<1x9984xi32, #tpu.memory_space<hbm>> -> memref<9984xi32, #tpu.memory_space<hbm>>
      tpu.wait_dma2 semaphore(%run_scoped3A_180 : memref<!tpu.dma_semaphore, #tpu.memory_space<semaphore_mem>>) src(%dma_wait3A_194 : memref<9984xi32, #tpu.memory_space<hbm>>) dst(%dma_wait3A_192 : memref<9984xi32, #tpu.memory_space<vmem>>)
      tpu.yield
    }) : () -> ()
    %mul3A_86 = arith.constant 16 : i32
    %mul3A_87 = arith.muli %add3A, %mul3A_86 : i32
    %add3A_88 = arith.constant 319488 : i32
    %add3A_89 = arith.addi %add3A_88, %mul3A_87 : i32
    %run_scoped3A_90 = arith.constant 1 : i32
    "tpu.region"() ({
      %run_scoped3A_180 = tpu.sem_alloc : memref<!tpu.dma_semaphore, #tpu.memory_space<semaphore_mem>>
      %dma_start3A = arith.constant 9984 : i32
      %dma_start3A_181 = tpu.memref_slice %arg8[%dma_start3A] : memref<10240xi32, #tpu.memory_space<vmem>> -> memref<16xi32, #tpu.memory_space<vmem>>
      %dma_start3A_182 = tpu.memref_slice %arg2[%run_scoped3A_90, %add3A_89] : memref<2x320000xi32, #tpu.memory_space<hbm>> -> memref<1x16xi32, #tpu.memory_space<hbm>>
      %dma_start3A_183 = tpu.memref_squeeze %dma_start3A_182 : memref<1x16xi32, #tpu.memory_space<hbm>> -> memref<16xi32, #tpu.memory_space<hbm>>
      %dma_start3A_184 = arith.constant 9984 : i32
      %dma_start3A_185 = tpu.memref_slice %arg8[%dma_start3A_184] : memref<10240xi32, #tpu.memory_space<vmem>> -> memref<16xi32, #tpu.memory_space<vmem>>
      %dma_start3A_186 = tpu.memref_slice %arg2[%run_scoped3A_90, %add3A_89] : memref<2x320000xi32, #tpu.memory_space<hbm>> -> memref<1x16xi32, #tpu.memory_space<hbm>>
      %dma_start3A_187 = tpu.memref_squeeze %dma_start3A_186 : memref<1x16xi32, #tpu.memory_space<hbm>> -> memref<16xi32, #tpu.memory_space<hbm>>
      tpu.enqueue_dma source(%dma_start3A_187 : memref<16xi32, #tpu.memory_space<hbm>>) target(%dma_start3A_185 : memref<16xi32, #tpu.memory_space<vmem>>) target_semaphore(%run_scoped3A_180 : memref<!tpu.dma_semaphore, #tpu.memory_space<semaphore_mem>>)
      %dma_wait3A = arith.constant 9984 : i32
      %dma_wait3A_188 = tpu.memref_slice %arg8[%dma_wait3A] : memref<10240xi32, #tpu.memory_space<vmem>> -> memref<16xi32, #tpu.memory_space<vmem>>
      %dma_wait3A_189 = tpu.memref_slice %arg2[%run_scoped3A_90, %add3A_89] : memref<2x320000xi32, #tpu.memory_space<hbm>> -> memref<1x16xi32, #tpu.memory_space<hbm>>
      %dma_wait3A_190 = tpu.memref_squeeze %dma_wait3A_189 : memref<1x16xi32, #tpu.memory_space<hbm>> -> memref<16xi32, #tpu.memory_space<hbm>>
      %dma_wait3A_191 = arith.constant 9984 : i32
      %dma_wait3A_192 = tpu.memref_slice %arg8[%dma_wait3A_191] : memref<10240xi32, #tpu.memory_space<vmem>> -> memref<16xi32, #tpu.memory_space<vmem>>
      %dma_wait3A_193 = tpu.memref_slice %arg2[%run_scoped3A_90, %add3A_89] : memref<2x320000xi32, #tpu.memory_space<hbm>> -> memref<1x16xi32, #tpu.memory_space<hbm>>
      %dma_wait3A_194 = tpu.memref_squeeze %dma_wait3A_193 : memref<1x16xi32, #tpu.memory_space<hbm>> -> memref<16xi32, #tpu.memory_space<hbm>>
      tpu.wait_dma2 semaphore(%run_scoped3A_180 : memref<!tpu.dma_semaphore, #tpu.memory_space<semaphore_mem>>) src(%dma_wait3A_194 : memref<16xi32, #tpu.memory_space<hbm>>) dst(%dma_wait3A_192 : memref<16xi32, #tpu.memory_space<vmem>>)
      tpu.yield
    }) : () -> ()
    %iota3A_91 = tpu.iota {dimensions = array<i32: 0>} : vector<16xi32>
    %add3A_92 = arith.constant 10000 : i32
    %add3A_93 = vector.broadcast %add3A_92 : i32 to vector<16xi32>
    %add3A_94 = arith.addi %add3A_93, %iota3A_91 : vector<16xi32>
    %swap3A_95 = arith.constant 10000 : index
    %swap3A_96 = tpu.vector_load %arg8[%swap3A_95] {strides = array<i32>} : memref<10240xi32, #tpu.memory_space<vmem>>, vector<16xi32>,
    tpu.vector_store %arg8[%swap3A_95], %add3A_94 {strides = array<i32>} : memref<10240xi32, #tpu.memory_space<vmem>>, vector<16xi32>,
    %add3A_97 = arith.constant 10016 : i32
    %add3A_98 = vector.broadcast %add3A_97 : i32 to vector<16xi32>
    %add3A_99 = arith.addi %add3A_98, %iota3A_91 : vector<16xi32>
    %swap3A_100 = arith.constant 10016 : index
    %swap3A_101 = tpu.vector_load %arg8[%swap3A_100] {strides = array<i32>} : memref<10240xi32, #tpu.memory_space<vmem>>, vector<16xi32>,
    tpu.vector_store %arg8[%swap3A_100], %add3A_99 {strides = array<i32>} : memref<10240xi32, #tpu.memory_space<vmem>>, vector<16xi32>,
    %add3A_102 = arith.constant 10032 : i32
    %add3A_103 = vector.broadcast %add3A_102 : i32 to vector<16xi32>
    %add3A_104 = arith.addi %add3A_103, %iota3A_91 : vector<16xi32>
    %swap3A_105 = arith.constant 10032 : index
    %swap3A_106 = tpu.vector_load %arg8[%swap3A_105] {strides = array<i32>} : memref<10240xi32, #tpu.memory_space<vmem>>, vector<16xi32>,
    tpu.vector_store %arg8[%swap3A_105], %add3A_104 {strides = array<i32>} : memref<10240xi32, #tpu.memory_space<vmem>>, vector<16xi32>,
    %add3A_107 = arith.constant 10048 : i32
    %add3A_108 = vector.broadcast %add3A_107 : i32 to vector<16xi32>
    %add3A_109 = arith.addi %add3A_108, %iota3A_91 : vector<16xi32>
    %swap3A_110 = arith.constant 10048 : index
    %swap3A_111 = tpu.vector_load %arg8[%swap3A_110] {strides = array<i32>} : memref<10240xi32, #tpu.memory_space<vmem>>, vector<16xi32>,
    tpu.vector_store %arg8[%swap3A_110], %add3A_109 {strides = array<i32>} : memref<10240xi32, #tpu.memory_space<vmem>>, vector<16xi32>,
    %add3A_112 = arith.constant 10064 : i32
    %add3A_113 = vector.broadcast %add3A_112 : i32 to vector<16xi32>
    %add3A_114 = arith.addi %add3A_113, %iota3A_91 : vector<16xi32>
    %swap3A_115 = arith.constant 10064 : index
    %swap3A_116 = tpu.vector_load %arg8[%swap3A_115] {strides = array<i32>} : memref<10240xi32, #tpu.memory_space<vmem>>, vector<16xi32>,
    tpu.vector_store %arg8[%swap3A_115], %add3A_114 {strides = array<i32>} : memref<10240xi32, #tpu.memory_space<vmem>>, vector<16xi32>,
    %add3A_117 = arith.constant 10080 : i32
    %add3A_118 = vector.broadcast %add3A_117 : i32 to vector<16xi32>
    %add3A_119 = arith.addi %add3A_118, %iota3A_91 : vector<16xi32>
    %swap3A_120 = arith.constant 10080 : index
    %swap3A_121 = tpu.vector_load %arg8[%swap3A_120] {strides = array<i32>} : memref<10240xi32, #tpu.memory_space<vmem>>, vector<16xi32>,
    tpu.vector_store %arg8[%swap3A_120], %add3A_119 {strides = array<i32>} : memref<10240xi32, #tpu.memory_space<vmem>>, vector<16xi32>,
    %add3A_122 = arith.constant 10096 : i32
    %add3A_123 = vector.broadcast %add3A_122 : i32 to vector<16xi32>
    %add3A_124 = arith.addi %add3A_123, %iota3A_91 : vector<16xi32>
    %swap3A_125 = arith.constant 10096 : index
    %swap3A_126 = tpu.vector_load %arg8[%swap3A_125] {strides = array<i32>} : memref<10240xi32, #tpu.memory_space<vmem>>, vector<16xi32>,
    tpu.vector_store %arg8[%swap3A_125], %add3A_124 {strides = array<i32>} : memref<10240xi32, #tpu.memory_space<vmem>>, vector<16xi32>,
    %add3A_127 = arith.constant 10112 : i32
    %add3A_128 = vector.broadcast %add3A_127 : i32 to vector<16xi32>
    %add3A_129 = arith.addi %add3A_128, %iota3A_91 : vector<16xi32>
    %swap3A_130 = arith.constant 10112 : index
    %swap3A_131 = tpu.vector_load %arg8[%swap3A_130] {strides = array<i32>} : memref<10240xi32, #tpu.memory_space<vmem>>, vector<16xi32>,
    tpu.vector_store %arg8[%swap3A_130], %add3A_129 {strides = array<i32>} : memref<10240xi32, #tpu.memory_space<vmem>>, vector<16xi32>,
    %add3A_132 = arith.constant 10128 : i32
    %add3A_133 = vector.broadcast %add3A_132 : i32 to vector<16xi32>
    %add3A_134 = arith.addi %add3A_133, %iota3A_91 : vector<16xi32>
    %swap3A_135 = arith.constant 10128 : index
    %swap3A_136 = tpu.vector_load %arg8[%swap3A_135] {strides = array<i32>} : memref<10240xi32, #tpu.memory_space<vmem>>, vector<16xi32>,
    tpu.vector_store %arg8[%swap3A_135], %add3A_134 {strides = array<i32>} : memref<10240xi32, #tpu.memory_space<vmem>>, vector<16xi32>,
    %add3A_137 = arith.constant 10144 : i32
    %add3A_138 = vector.broadcast %add3A_137 : i32 to vector<16xi32>
    %add3A_139 = arith.addi %add3A_138, %iota3A_91 : vector<16xi32>
    %swap3A_140 = arith.constant 10144 : index
    %swap3A_141 = tpu.vector_load %arg8[%swap3A_140] {strides = array<i32>} : memref<10240xi32, #tpu.memory_space<vmem>>, vector<16xi32>,
    tpu.vector_store %arg8[%swap3A_140], %add3A_139 {strides = array<i32>} : memref<10240xi32, #tpu.memory_space<vmem>>, vector<16xi32>,
    %add3A_142 = arith.constant 10160 : i32
    %add3A_143 = vector.broadcast %add3A_142 : i32 to vector<16xi32>
    %add3A_144 = arith.addi %add3A_143, %iota3A_91 : vector<16xi32>
    %swap3A_145 = arith.constant 10160 : index
    %swap3A_146 = tpu.vector_load %arg8[%swap3A_145] {strides = array<i32>} : memref<10240xi32, #tpu.memory_space<vmem>>, vector<16xi32>,
    tpu.vector_store %arg8[%swap3A_145], %add3A_144 {strides = array<i32>} : memref<10240xi32, #tpu.memory_space<vmem>>, vector<16xi32>,
    %add3A_147 = arith.constant 10176 : i32
    %add3A_148 = vector.broadcast %add3A_147 : i32 to vector<16xi32>
    %add3A_149 = arith.addi %add3A_148, %iota3A_91 : vector<16xi32>
    %swap3A_150 = arith.constant 10176 : index
    %swap3A_151 = tpu.vector_load %arg8[%swap3A_150] {strides = array<i32>} : memref<10240xi32, #tpu.memory_space<vmem>>, vector<16xi32>,
    tpu.vector_store %arg8[%swap3A_150], %add3A_149 {strides = array<i32>} : memref<10240xi32, #tpu.memory_space<vmem>>, vector<16xi32>,
    %add3A_152 = arith.constant 10192 : i32
    %add3A_153 = vector.broadcast %add3A_152 : i32 to vector<16xi32>
    %add3A_154 = arith.addi %add3A_153, %iota3A_91 : vector<16xi32>
    %swap3A_155 = arith.constant 10192 : index
    %swap3A_156 = tpu.vector_load %arg8[%swap3A_155] {strides = array<i32>} : memref<10240xi32, #tpu.memory_space<vmem>>, vector<16xi32>,
    tpu.vector_store %arg8[%swap3A_155], %add3A_154 {strides = array<i32>} : memref<10240xi32, #tpu.memory_space<vmem>>, vector<16xi32>,
    %add3A_157 = arith.constant 10208 : i32
    %add3A_158 = vector.broadcast %add3A_157 : i32 to vector<16xi32>
    %add3A_159 = arith.addi %add3A_158, %iota3A_91 : vector<16xi32>
    %swap3A_160 = arith.constant 10208 : index
    %swap3A_161 = tpu.vector_load %arg8[%swap3A_160] {strides = array<i32>} : memref<10240xi32, #tpu.memory_space<vmem>>, vector<16xi32>,
    tpu.vector_store %arg8[%swap3A_160], %add3A_159 {strides = array<i32>} : memref<10240xi32, #tpu.memory_space<vmem>>, vector<16xi32>,
    %add3A_162 = arith.constant 10224 : i32
    %add3A_163 = vector.broadcast %add3A_162 : i32 to vector<16xi32>
    %add3A_164 = arith.addi %add3A_163, %iota3A_91 : vector<16xi32>
    %swap3A_165 = arith.constant 10224 : index
    %swap3A_166 = tpu.vector_load %arg8[%swap3A_165] {strides = array<i32>} : memref<10240xi32, #tpu.memory_space<vmem>>, vector<16xi32>,
    tpu.vector_store %arg8[%swap3A_165], %add3A_164 {strides = array<i32>} : memref<10240xi32, #tpu.memory_space<vmem>>, vector<16xi32>,
    "tpu.region"() ({
      %run_scoped3A_180 = tpu.sem_alloc : memref<!tpu.dma_semaphore, #tpu.memory_space<semaphore_mem>>
      tpu.enqueue_dma source(%arg3 : memref<10x8x128xf32, #tpu.memory_space<hbm>>) target(%arg5 : memref<10x8x128xf32, #tpu.memory_space<vmem>>) target_semaphore(%run_scoped3A_180 : memref<!tpu.dma_semaphore, #tpu.memory_space<semaphore_mem>>)
      tpu.wait_dma2 semaphore(%run_scoped3A_180 : memref<!tpu.dma_semaphore, #tpu.memory_space<semaphore_mem>>) src(%arg3 : memref<10x8x128xf32, #tpu.memory_space<hbm>>) dst(%arg5 : memref<10x8x128xf32, #tpu.memory_space<vmem>>)
      tpu.yield
    }) : () -> ()
    %scan3A = arith.constant 0 : i32
    %scan3A_167 = arith.constant 0 : i32
    %scan3A_168 = arith.constant 160 : i32
    %scan3A_169 = arith.addi %scan3A_167, %scan3A_168 : i32
    %scan3A_170 = arith.constant 1 : i32
    %scan3A_171 = scf.for %scan3A_180 = %scan3A_167 to %scan3A_169 step %scan3A_170 iter_args(%scan3A_181 = %scan3A) -> (i32)  : i32 {
      %mul3A_182 = arith.constant 64 : i32
      %mul3A_183 = arith.muli %scan3A_180, %mul3A_182 : i32
      %add3A_184 = arith.constant 0 : i32
      %add3A_185 = arith.addi %mul3A_183, %add3A_184 : i32
      %swap3A_186 = arith.index_cast %add3A_185 : i32 to index
      %swap3A_187 = tpu.vector_load %arg6[%swap3A_186] {strides = array<i32>} : memref<10240xf32, #tpu.memory_space<vmem>>, vector<16xf32>,
      tpu.vector_store %arg6[%swap3A_186], %broadcast_in_dim3A_1 {strides = array<i32>} : memref<10240xf32, #tpu.memory_space<vmem>>, vector<16xf32>,
      %mul3A_188 = arith.constant 64 : i32
      %mul3A_189 = arith.muli %scan3A_180, %mul3A_188 : i32
      %add3A_190 = arith.constant 16 : i32
      %add3A_191 = arith.addi %mul3A_189, %add3A_190 : i32
      %swap3A_192 = arith.index_cast %add3A_191 : i32 to index
      %swap3A_193 = tpu.vector_load %arg6[%swap3A_192] {strides = array<i32>} : memref<10240xf32, #tpu.memory_space<vmem>>, vector<16xf32>,
      tpu.vector_store %arg6[%swap3A_192], %broadcast_in_dim3A_1 {strides = array<i32>} : memref<10240xf32, #tpu.memory_space<vmem>>, vector<16xf32>,
      %mul3A_194 = arith.constant 64 : i32
      %mul3A_195 = arith.muli %scan3A_180, %mul3A_194 : i32
      %add3A_196 = arith.constant 32 : i32
      %add3A_197 = arith.addi %mul3A_195, %add3A_196 : i32
      %swap3A_198 = arith.index_cast %add3A_197 : i32 to index
      %swap3A_199 = tpu.vector_load %arg6[%swap3A_198] {strides = array<i32>} : memref<10240xf32, #tpu.memory_space<vmem>>, vector<16xf32>,
      tpu.vector_store %arg6[%swap3A_198], %broadcast_in_dim3A_1 {strides = array<i32>} : memref<10240xf32, #tpu.memory_space<vmem>>, vector<16xf32>,
      %mul3A_200 = arith.constant 64 : i32
      %mul3A_201 = arith.muli %scan3A_180, %mul3A_200 : i32
      %add3A_202 = arith.constant 48 : i32
      %add3A_203 = arith.addi %mul3A_201, %add3A_202 : i32
      %swap3A_204 = arith.index_cast %add3A_203 : i32 to index
      %swap3A_205 = tpu.vector_load %arg6[%swap3A_204] {strides = array<i32>} : memref<10240xf32, #tpu.memory_space<vmem>>, vector<16xf32>,
      tpu.vector_store %arg6[%swap3A_204], %broadcast_in_dim3A_1 {strides = array<i32>} : memref<10240xf32, #tpu.memory_space<vmem>>, vector<16xf32>,
      %scan3A_206 = arith.constant 0 : i32
      scf.yield %scan3A_206 : i32
    }
    %scan3A_172 = arith.constant 160 : i32
    %scan3A_173 = arith.constant 0 : i32
    %scan3A_174 = arith.constant 0 : i32
    %scan3A_175 = arith.constant 160 : i32
    %scan3A_176 = arith.addi %scan3A_174, %scan3A_175 : i32
    %scan3A_177 = arith.constant 1 : i32
    %scan3A_178 = scf.for %scan3A_180 = %scan3A_174 to %scan3A_176 step %scan3A_177 iter_args(%scan3A_181 = %scan3A_173) -> (i32)  : i32 {
      %mul3A_182 = arith.constant 64 : i32
      %mul3A_183 = arith.muli %scan3A_180, %mul3A_182 : i32
      %add3A_184 = arith.constant 0 : i32
      %add3A_185 = arith.addi %mul3A_183, %add3A_184 : i32
      %get3A = arith.index_cast %add3A_185 : i32 to index
      %get3A_186 = tpu.vector_load %arg7[%get3A] {strides = array<i32>} : memref<10240xi32, #tpu.memory_space<vmem>>, vector<16xi32>,
      %mul3A_187 = arith.constant 64 : i32
      %mul3A_188 = arith.muli %scan3A_180, %mul3A_187 : i32
      %add3A_189 = arith.constant 0 : i32
      %add3A_190 = arith.addi %mul3A_188, %add3A_189 : i32
      %get3A_191 = arith.index_cast %add3A_190 : i32 to index
      %get3A_192 = tpu.vector_load %arg8[%get3A_191] {strides = array<i32>} : memref<10240xi32, #tpu.memory_space<vmem>>, vector<16xi32>,
      %shift_right_logical3A = arith.constant 10 : i32
      %shift_right_logical3A_193 = vector.broadcast %shift_right_logical3A : i32 to vector<16xi32>
      %shift_right_logical3A_194 = arith.shrui %get3A_186, %shift_right_logical3A_193 : vector<16xi32>
      %shift_right_logical3A_195 = arith.constant 7 : i32
      %shift_right_logical3A_196 = vector.broadcast %shift_right_logical3A_195 : i32 to vector<16xi32>
      %shift_right_logical3A_197 = arith.shrui %get3A_186, %shift_right_logical3A_196 : vector<16xi32>
      %and3A = arith.constant 7 : i32
      %and3A_198 = vector.broadcast %and3A : i32 to vector<16xi32>
      %and3A_199 = arith.andi %shift_right_logical3A_197, %and3A_198 : vector<16xi32>
      %and3A_200 = arith.constant 127 : i32
      %and3A_201 = vector.broadcast %and3A_200 : i32 to vector<16xi32>
      %and3A_202 = arith.andi %get3A_186, %and3A_201 : vector<16xi32>
      %gather3A = tpu.vector_load_idx %arg5[%shift_right_logical3A_194, %and3A_199, %and3A_202] : memref<10x8x128xf32, #tpu.memory_space<vmem>>[vector<16xi32>, vector<16xi32>, vector<16xi32>], vector<16xf32>,
      tpu.vector_store_idx %arg6[%get3A_192], %gather3A {add = true} : memref<10240xf32, #tpu.memory_space<vmem>>[vector<16xi32>], vector<16xf32>,
      %mul3A_203 = arith.constant 64 : i32
      %mul3A_204 = arith.muli %scan3A_180, %mul3A_203 : i32
      %add3A_205 = arith.constant 16 : i32
      %add3A_206 = arith.addi %mul3A_204, %add3A_205 : i32
      %get3A_207 = arith.index_cast %add3A_206 : i32 to index
      %get3A_208 = tpu.vector_load %arg7[%get3A_207] {strides = array<i32>} : memref<10240xi32, #tpu.memory_space<vmem>>, vector<16xi32>,
      %mul3A_209 = arith.constant 64 : i32
      %mul3A_210 = arith.muli %scan3A_180, %mul3A_209 : i32
      %add3A_211 = arith.constant 16 : i32
      %add3A_212 = arith.addi %mul3A_210, %add3A_211 : i32
      %get3A_213 = arith.index_cast %add3A_212 : i32 to index
      %get3A_214 = tpu.vector_load %arg8[%get3A_213] {strides = array<i32>} : memref<10240xi32, #tpu.memory_space<vmem>>, vector<16xi32>,
      %shift_right_logical3A_215 = arith.constant 10 : i32
      %shift_right_logical3A_216 = vector.broadcast %shift_right_logical3A_215 : i32 to vector<16xi32>
      %shift_right_logical3A_217 = arith.shrui %get3A_208, %shift_right_logical3A_216 : vector<16xi32>
      %shift_right_logical3A_218 = arith.constant 7 : i32
      %shift_right_logical3A_219 = vector.broadcast %shift_right_logical3A_218 : i32 to vector<16xi32>
      %shift_right_logical3A_220 = arith.shrui %get3A_208, %shift_right_logical3A_219 : vector<16xi32>
      %and3A_221 = arith.constant 7 : i32
      %and3A_222 = vector.broadcast %and3A_221 : i32 to vector<16xi32>
      %and3A_223 = arith.andi %shift_right_logical3A_220, %and3A_222 : vector<16xi32>
      %and3A_224 = arith.constant 127 : i32
      %and3A_225 = vector.broadcast %and3A_224 : i32 to vector<16xi32>
      %and3A_226 = arith.andi %get3A_208, %and3A_225 : vector<16xi32>
      %gather3A_227 = tpu.vector_load_idx %arg5[%shift_right_logical3A_217, %and3A_223, %and3A_226] : memref<10x8x128xf32, #tpu.memory_space<vmem>>[vector<16xi32>, vector<16xi32>, vector<16xi32>], vector<16xf32>,
      tpu.vector_store_idx %arg6[%get3A_214], %gather3A_227 {add = true} : memref<10240xf32, #tpu.memory_space<vmem>>[vector<16xi32>], vector<16xf32>,
      %mul3A_228 = arith.constant 64 : i32
      %mul3A_229 = arith.muli %scan3A_180, %mul3A_228 : i32
      %add3A_230 = arith.constant 32 : i32
      %add3A_231 = arith.addi %mul3A_229, %add3A_230 : i32
      %get3A_232 = arith.index_cast %add3A_231 : i32 to index
      %get3A_233 = tpu.vector_load %arg7[%get3A_232] {strides = array<i32>} : memref<10240xi32, #tpu.memory_space<vmem>>, vector<16xi32>,
      %mul3A_234 = arith.constant 64 : i32
      %mul3A_235 = arith.muli %scan3A_180, %mul3A_234 : i32
      %add3A_236 = arith.constant 32 : i32
      %add3A_237 = arith.addi %mul3A_235, %add3A_236 : i32
      %get3A_238 = arith.index_cast %add3A_237 : i32 to index
      %get3A_239 = tpu.vector_load %arg8[%get3A_238] {strides = array<i32>} : memref<10240xi32, #tpu.memory_space<vmem>>, vector<16xi32>,
      %shift_right_logical3A_240 = arith.constant 10 : i32
      %shift_right_logical3A_241 = vector.broadcast %shift_right_logical3A_240 : i32 to vector<16xi32>
      %shift_right_logical3A_242 = arith.shrui %get3A_233, %shift_right_logical3A_241 : vector<16xi32>
      %shift_right_logical3A_243 = arith.constant 7 : i32
      %shift_right_logical3A_244 = vector.broadcast %shift_right_logical3A_243 : i32 to vector<16xi32>
      %shift_right_logical3A_245 = arith.shrui %get3A_233, %shift_right_logical3A_244 : vector<16xi32>
      %and3A_246 = arith.constant 7 : i32
      %and3A_247 = vector.broadcast %and3A_246 : i32 to vector<16xi32>
      %and3A_248 = arith.andi %shift_right_logical3A_245, %and3A_247 : vector<16xi32>
      %and3A_249 = arith.constant 127 : i32
      %and3A_250 = vector.broadcast %and3A_249 : i32 to vector<16xi32>
      %and3A_251 = arith.andi %get3A_233, %and3A_250 : vector<16xi32>
      %gather3A_252 = tpu.vector_load_idx %arg5[%shift_right_logical3A_242, %and3A_248, %and3A_251] : memref<10x8x128xf32, #tpu.memory_space<vmem>>[vector<16xi32>, vector<16xi32>, vector<16xi32>], vector<16xf32>,
      tpu.vector_store_idx %arg6[%get3A_239], %gather3A_252 {add = true} : memref<10240xf32, #tpu.memory_space<vmem>>[vector<16xi32>], vector<16xf32>,
      %mul3A_253 = arith.constant 64 : i32
      %mul3A_254 = arith.muli %scan3A_180, %mul3A_253 : i32
      %add3A_255 = arith.constant 48 : i32
      %add3A_256 = arith.addi %mul3A_254, %add3A_255 : i32
      %get3A_257 = arith.index_cast %add3A_256 : i32 to index
      %get3A_258 = tpu.vector_load %arg7[%get3A_257] {strides = array<i32>} : memref<10240xi32, #tpu.memory_space<vmem>>, vector<16xi32>,
      %mul3A_259 = arith.constant 64 : i32
      %mul3A_260 = arith.muli %scan3A_180, %mul3A_259 : i32
      %add3A_261 = arith.constant 48 : i32
      %add3A_262 = arith.addi %mul3A_260, %add3A_261 : i32
      %get3A_263 = arith.index_cast %add3A_262 : i32 to index
      %get3A_264 = tpu.vector_load %arg8[%get3A_263] {strides = array<i32>} : memref<10240xi32, #tpu.memory_space<vmem>>, vector<16xi32>,
      %shift_right_logical3A_265 = arith.constant 10 : i32
      %shift_right_logical3A_266 = vector.broadcast %shift_right_logical3A_265 : i32 to vector<16xi32>
      %shift_right_logical3A_267 = arith.shrui %get3A_258, %shift_right_logical3A_266 : vector<16xi32>
      %shift_right_logical3A_268 = arith.constant 7 : i32
      %shift_right_logical3A_269 = vector.broadcast %shift_right_logical3A_268 : i32 to vector<16xi32>
      %shift_right_logical3A_270 = arith.shrui %get3A_258, %shift_right_logical3A_269 : vector<16xi32>
      %and3A_271 = arith.constant 7 : i32
      %and3A_272 = vector.broadcast %and3A_271 : i32 to vector<16xi32>
      %and3A_273 = arith.andi %shift_right_logical3A_270, %and3A_272 : vector<16xi32>
      %and3A_274 = arith.constant 127 : i32
      %and3A_275 = vector.broadcast %and3A_274 : i32 to vector<16xi32>
      %and3A_276 = arith.andi %get3A_258, %and3A_275 : vector<16xi32>
      %gather3A_277 = tpu.vector_load_idx %arg5[%shift_right_logical3A_267, %and3A_273, %and3A_276] : memref<10x8x128xf32, #tpu.memory_space<vmem>>[vector<16xi32>, vector<16xi32>, vector<16xi32>], vector<16xf32>,
      tpu.vector_store_idx %arg6[%get3A_264], %gather3A_277 {add = true} : memref<10240xf32, #tpu.memory_space<vmem>>[vector<16xi32>], vector<16xf32>,
      %scan3A_278 = arith.constant 0 : i32
      scf.yield %scan3A_278 : i32
    }
    %scan3A_179 = arith.constant 160 : i32
    "tpu.region"() ({
      %run_scoped3A_180 = tpu.sem_alloc : memref<!tpu.dma_semaphore, #tpu.memory_space<semaphore_mem>>
      %dma_start3A = arith.constant 0 : i32
      %dma_start3A_181 = tpu.memref_slice %arg4[%add3A, %dma_start3A] : memref<32x10240xf32, #tpu.memory_space<hbm>> -> memref<1x10240xf32, #tpu.memory_space<hbm>>
      %dma_start3A_182 = tpu.memref_squeeze %dma_start3A_181 : memref<1x10240xf32, #tpu.memory_space<hbm>> -> memref<10240xf32, #tpu.memory_space<hbm>>
      %dma_start3A_183 = arith.constant 0 : i32
      %dma_start3A_184 = tpu.memref_slice %arg4[%add3A, %dma_start3A_183] : memref<32x10240xf32, #tpu.memory_space<hbm>> -> memref<1x10240xf32, #tpu.memory_space<hbm>>
      %dma_start3A_185 = tpu.memref_squeeze %dma_start3A_184 : memref<1x10240xf32, #tpu.memory_space<hbm>> -> memref<10240xf32, #tpu.memory_space<hbm>>
      tpu.enqueue_dma source(%arg6 : memref<10240xf32, #tpu.memory_space<vmem>>) target(%dma_start3A_185 : memref<10240xf32, #tpu.memory_space<hbm>>) target_semaphore(%run_scoped3A_180 : memref<!tpu.dma_semaphore, #tpu.memory_space<semaphore_mem>>)
      %dma_wait3A = arith.constant 0 : i32
      %dma_wait3A_186 = tpu.memref_slice %arg4[%add3A, %dma_wait3A] : memref<32x10240xf32, #tpu.memory_space<hbm>> -> memref<1x10240xf32, #tpu.memory_space<hbm>>
      %dma_wait3A_187 = tpu.memref_squeeze %dma_wait3A_186 : memref<1x10240xf32, #tpu.memory_space<hbm>> -> memref<10240xf32, #tpu.memory_space<hbm>>
      %dma_wait3A_188 = arith.constant 0 : i32
      %dma_wait3A_189 = tpu.memref_slice %arg4[%add3A, %dma_wait3A_188] : memref<32x10240xf32, #tpu.memory_space<hbm>> -> memref<1x10240xf32, #tpu.memory_space<hbm>>
      %dma_wait3A_190 = tpu.memref_squeeze %dma_wait3A_189 : memref<1x10240xf32, #tpu.memory_space<hbm>> -> memref<10240xf32, #tpu.memory_space<hbm>>
      tpu.wait_dma2 semaphore(%run_scoped3A_180 : memref<!tpu.dma_semaphore, #tpu.memory_space<semaphore_mem>>) src(%arg6 : memref<10240xf32, #tpu.memory_space<vmem>>) dst(%dma_wait3A_190 : memref<10240xf32, #tpu.memory_space<hbm>>)
      tpu.yield
    }) : () -> ()
    return
  }
}

module attributes {stable_mosaic.version = 14 : i64} {
  func.func @_tc_prep_body(%arg0: memref<10000x32xf32, #tpu.memory_space<vmem>>, %arg1: memref<10000x96xf32, #tpu.memory_space<vmem>>, %arg2: memref<32x10240xf32, #tpu.memory_space<vmem>>, %arg3: memref<10240x128xf32, #tpu.memory_space<vmem>>, %arg4: memref<10240x1xf32, #tpu.memory_space<vmem>>) attributes {dimension_semantics = [], scalar_prefetch = 0 : i64, scratch_operands = 0 : i64, tpu.core_type = #tpu.core_type<tc>} {
    %get3A = arith.constant 0 : index
    %get3A_0 = arith.constant 0 : index
    %get3A_1 = vector.load %arg2[%get3A, %get3A_0] : memref<32x10240xf32, #tpu.memory_space<vmem>>, vector<32x10240xf32>
    %reduce_sum3A = arith.constant dense<0.000000e+00> : vector<10240xf32>
    %reduce_sum3A_2 = vector.multi_reduction <add>, %get3A_1, %reduce_sum3A [0] : vector<32x10240xf32> to vector<10240xf32>
    %add3A = arith.constant 1.000000e+00 : f32
    %add3A_3 = vector.broadcast %add3A : f32 to vector<10240xf32>
    %add3A_4 = arith.addf %add3A_3, %reduce_sum3A_2 : vector<10240xf32>
    %rsqrt3A = math.rsqrt %add3A_4 : vector<10240xf32>
    %broadcast_in_dim3A = vector.shape_cast %rsqrt3A : vector<10240xf32> to vector<10240x1xf32>
    %get3A_5 = arith.constant 0 : index
    %get3A_6 = arith.constant 0 : index
    %get3A_7 = vector.load %arg0[%get3A_5, %get3A_6] : memref<10000x32xf32, #tpu.memory_space<vmem>>, vector<10000x32xf32>
    %get3A_8 = arith.constant 0 : index
    %get3A_9 = arith.constant 0 : index
    %get3A_10 = vector.load %arg1[%get3A_8, %get3A_9] : memref<10000x96xf32, #tpu.memory_space<vmem>>, vector<10000x96xf32>
    %concatenate3A = tpu.concatenate %get3A_7, %get3A_10 in 1 : vector<10000x32xf32>, vector<10000x96xf32> -> vector<10000x128xf32>
    %broadcast_in_dim3A_11 = arith.constant 0.000000e+00 : f32
    %broadcast_in_dim3A_12 = vector.broadcast %broadcast_in_dim3A_11 : f32 to vector<240x128xf32>
    %concatenate3A_13 = tpu.concatenate %concatenate3A, %broadcast_in_dim3A_12 in 0 : vector<10000x128xf32>, vector<240x128xf32> -> vector<10240x128xf32>
    %mul3A = vector.broadcast %broadcast_in_dim3A : vector<10240x1xf32> to vector<10240x128xf32>
    %mul3A_14 = arith.mulf %concatenate3A_13, %mul3A : vector<10240x128xf32>
    %swap3A = arith.constant 0 : index
    %swap3A_15 = arith.constant 0 : index
    %swap3A_16 = vector.load %arg3[%swap3A, %swap3A_15] : memref<10240x128xf32, #tpu.memory_space<vmem>>, vector<10240x128xf32>
    tpu.vector_store %arg3[%swap3A, %swap3A_15], %mul3A_14 {strides = array<i32>} : memref<10240x128xf32, #tpu.memory_space<vmem>>, vector<10240x128xf32>,
    %swap3A_17 = arith.constant 0 : index
    %swap3A_18 = arith.constant 0 : index
    %swap3A_19 = vector.load %arg4[%swap3A_17, %swap3A_18] : memref<10240x1xf32, #tpu.memory_space<vmem>>, vector<10240x1xf32>
    tpu.vector_store %arg4[%swap3A_17, %swap3A_18], %broadcast_in_dim3A {strides = array<i32>} : memref<10240x1xf32, #tpu.memory_space<vmem>>, vector<10240x1xf32>,
    return
  }
}

module attributes {stable_mosaic.version = 14 : i64} {
  func.func @_tc_mlp_body(%arg0: i32, %arg1: memref<2x1024x128xf32, #tpu.memory_space<vmem>>, %arg2: memref<1024x128xf32, #tpu.memory_space<vmem>>, %arg3: memref<1024x1xf32, #tpu.memory_space<vmem>>, %arg4: memref<128x512xf32, #tpu.memory_space<vmem>>, %arg5: memref<1x512xf32, #tpu.memory_space<vmem>>, %arg6: memref<512x2xf32, #tpu.memory_space<vmem>>, %arg7: memref<1x8x128xf32, #tpu.memory_space<vmem>>) attributes {dimension_semantics = [#tpu.dimension_semantics<arbitrary>], iteration_bounds = array<i64: 10>, scalar_prefetch = 0 : i64, scratch_operands = 0 : i64, tpu.core_type = #tpu.core_type<tc>, window_params = [{transform_indices = @transform_0, window_bounds = array<i64: 2, 1024, 128>}, {transform_indices = @transform_1, window_bounds = array<i64: 1024, 128>}, {transform_indices = @transform_2, window_bounds = array<i64: 1024, 1>}, {pipeline_mode = #tpu.pipeline_mode<synchronous>, transform_indices = @transform_3, window_bounds = array<i64: 128, 512>}, {pipeline_mode = #tpu.pipeline_mode<synchronous>, transform_indices = @transform_4, window_bounds = array<i64: 1, 512>}, {pipeline_mode = #tpu.pipeline_mode<synchronous>, transform_indices = @transform_5, window_bounds = array<i64: 512, 2>}, {transform_indices = @transform_6, window_bounds = array<i64: 1, 8, 128>}]} {
    %get3A = arith.constant 0 : index
    %get3A_0 = arith.constant 0 : index
    %get3A_1 = vector.load %arg3[%get3A, %get3A_0] : memref<1024x1xf32, #tpu.memory_space<vmem>>, vector<1024x1xf32>
    %get3A_2 = arith.constant 0 : index
    %get3A_3 = arith.constant 0 : index
    %get3A_4 = arith.constant 0 : index
    %get3A_5 = vector.load %arg1[%get3A_2, %get3A_3, %get3A_4] : memref<2x1024x128xf32, #tpu.memory_space<vmem>>, vector<1x1024x128xf32>
    %get3A_6 = vector.shape_cast %get3A_5 : vector<1x1024x128xf32> to vector<1024x128xf32>
    %get3A_7 = arith.constant 1 : index
    %get3A_8 = arith.constant 0 : index
    %get3A_9 = arith.constant 0 : index
    %get3A_10 = vector.load %arg1[%get3A_7, %get3A_8, %get3A_9] : memref<2x1024x128xf32, #tpu.memory_space<vmem>>, vector<1x1024x128xf32>
    %get3A_11 = vector.shape_cast %get3A_10 : vector<1x1024x128xf32> to vector<1024x128xf32>
    %add3A = arith.addf %get3A_6, %get3A_11 : vector<1024x128xf32>
    %get3A_12 = arith.constant 0 : index
    %get3A_13 = arith.constant 0 : index
    %get3A_14 = vector.load %arg2[%get3A_12, %get3A_13] : memref<1024x128xf32, #tpu.memory_space<vmem>>, vector<1024x128xf32>
    %add3A_15 = arith.addf %add3A, %get3A_14 : vector<1024x128xf32>
    %mul3A = vector.broadcast %get3A_1 : vector<1024x1xf32> to vector<1024x128xf32>
    %mul3A_16 = arith.mulf %add3A_15, %mul3A : vector<1024x128xf32>
    %get3A_17 = arith.constant 0 : index
    %get3A_18 = arith.constant 0 : index
    %get3A_19 = vector.load %arg4[%get3A_17, %get3A_18] : memref<128x512xf32, #tpu.memory_space<vmem>>, vector<128x512xf32>
    %dot_general3A = arith.constant dense<0.000000e+00> : vector<1024x512xf32>
    %dot_general3A_20 = tpu.matmul %mul3A_16, %get3A_19, %dot_general3A {dimension_numbers = #tpu.dot_dimension_numbers<[1], [0], [0], [1], [0, 0, 1, 1], [], []>, transpose_lhs_hint = false} : vector<1024x128xf32>, vector<128x512xf32>, vector<1024x512xf32> -> vector<1024x512xf32>
    %get3A_21 = arith.constant 0 : index
    %get3A_22 = arith.constant 0 : index
    %get3A_23 = vector.load %arg5[%get3A_21, %get3A_22] : memref<1x512xf32, #tpu.memory_space<vmem>>, vector<1x512xf32>
    %add3A_24 = vector.broadcast %get3A_23 : vector<1x512xf32> to vector<1024x512xf32>
    %add3A_25 = arith.addf %dot_general3A_20, %add3A_24 : vector<1024x512xf32>
    %max3A = arith.constant 0.000000e+00 : f32
    %max3A_26 = vector.broadcast %max3A : f32 to vector<1024x512xf32>
    %max3A_27 = arith.maximumf %add3A_25, %max3A_26 : vector<1024x512xf32>
    %get3A_28 = arith.constant 0 : index
    %get3A_29 = arith.constant 0 : index
    %get3A_30 = vector.load %arg6[%get3A_28, %get3A_29] : memref<512x2xf32, #tpu.memory_space<vmem>>, vector<512x1xf32>
    %get3A_31 = arith.constant 0 : index
    %get3A_32 = arith.constant 1 : index
    %get3A_33 = vector.load %arg6[%get3A_31, %get3A_32] : memref<512x2xf32, #tpu.memory_space<vmem>>, vector<512x1xf32>
    %sub3A = arith.subf %get3A_30, %get3A_33 : vector<512x1xf32>
    %dot_general3A_34 = arith.constant dense<0.000000e+00> : vector<1024x1xf32>
    %dot_general3A_35 = tpu.matmul %max3A_27, %sub3A, %dot_general3A_34 {dimension_numbers = #tpu.dot_dimension_numbers<[1], [0], [0], [1], [0, 0, 1, 1], [], []>, transpose_lhs_hint = false} : vector<1024x512xf32>, vector<512x1xf32>, vector<1024x1xf32> -> vector<1024x1xf32>
    %mul3A_36 = arith.mulf %dot_general3A_35, %get3A_1 : vector<1024x1xf32>
    %mul3A_37 = arith.constant 1024 : i32
    %mul3A_38 = arith.muli %arg0, %mul3A_37 : i32
    %iota3A = tpu.iota {dimensions = array<i32: 0>} : vector<1024x1xi32>
    %add3A_39 = vector.broadcast %mul3A_38 : i32 to vector<1024x1xi32>
    %add3A_40 = arith.addi %add3A_39, %iota3A : vector<1024x1xi32>
    %lt3A = arith.constant 10000 : i32
    %lt3A_41 = vector.broadcast %lt3A : i32 to vector<1024x1xi32>
    %lt3A_42 = arith.cmpi slt, %add3A_40, %lt3A_41 : vector<1024x1xi32>
    %jit3A = arith.constant 0.000000e+00 : f32
    %broadcast_in_dim3A = vector.broadcast %jit3A : f32 to vector<1024x1xf32>
    %select_n3A = arith.select %lt3A_42, %mul3A_36, %broadcast_in_dim3A : vector<1024x1xi1>, vector<1024x1xf32>
    %reshape3A = vector.shape_cast %select_n3A : vector<1024x1xf32> to vector<1x8x128xf32>
    %swap3A = arith.constant 0 : index
    %swap3A_43 = arith.constant 0 : index
    %swap3A_44 = arith.constant 0 : index
    %swap3A_45 = vector.load %arg7[%swap3A, %swap3A_43, %swap3A_44] : memref<1x8x128xf32, #tpu.memory_space<vmem>>, vector<1x8x128xf32>
    tpu.vector_store %arg7[%swap3A, %swap3A_43, %swap3A_44], %reshape3A {strides = array<i32>} : memref<1x8x128xf32, #tpu.memory_space<vmem>>, vector<1x8x128xf32>,
    return
  }
  func.func @transform_0(%arg0: i32) -> (i32, i32, i32) {
    %c0_i32 = arith.constant 0 : i32
    %c0_i32_0 = arith.constant 0 : i32
    %c0_i32_1 = arith.constant 0 : i32
    return %c0_i32, %arg0, %c0_i32_0 : i32, i32, i32
  }
  func.func @transform_1(%arg0: i32) -> (i32, i32) {
    %c0_i32 = arith.constant 0 : i32
    %c0_i32_0 = arith.constant 0 : i32
    return %arg0, %c0_i32 : i32, i32
  }
  func.func @transform_2(%arg0: i32) -> (i32, i32) {
    %c0_i32 = arith.constant 0 : i32
    %c0_i32_0 = arith.constant 0 : i32
    return %arg0, %c0_i32 : i32, i32
  }
  func.func @transform_3(%arg0: i32) -> (i32, i32) {
    %c0_i32 = arith.constant 0 : i32
    %c0_i32_0 = arith.constant 0 : i32
    %c0_i32_1 = arith.constant 0 : i32
    return %c0_i32, %c0_i32_0 : i32, i32
  }
  func.func @transform_4(%arg0: i32) -> (i32, i32) {
    %c0_i32 = arith.constant 0 : i32
    %c0_i32_0 = arith.constant 0 : i32
    %c0_i32_1 = arith.constant 0 : i32
    return %c0_i32, %c0_i32_0 : i32, i32
  }
  func.func @transform_5(%arg0: i32) -> (i32, i32) {
    %c0_i32 = arith.constant 0 : i32
    %c0_i32_0 = arith.constant 0 : i32
    %c0_i32_1 = arith.constant 0 : i32
    return %c0_i32, %c0_i32_0 : i32, i32
  }
  func.func @transform_6(%arg0: i32) -> (i32, i32, i32) {
    %c0_i32 = arith.constant 0 : i32
    %c0_i32_0 = arith.constant 0 : i32
    %c0_i32_1 = arith.constant 0 : i32
    return %arg0, %c0_i32, %c0_i32_0 : i32, i32, i32
  }
}

module attributes {stable_mosaic.version = 14 : i64} {
  func.func @_tc_finish_body(%arg0: i32, %arg1: memref<32x1024xf32, #tpu.memory_space<vmem>>, %arg2: memref<1x8x128xf32, #tpu.memory_space<vmem>>, %arg3: memref<1024x1xf32, #tpu.memory_space<vmem>>, %arg4: memref<1x2xf32, #tpu.memory_space<vmem>>, %arg5: memref<1024x2xf32, #tpu.memory_space<vmem>>) attributes {dimension_semantics = [#tpu.dimension_semantics<arbitrary>], iteration_bounds = array<i64: 10>, scalar_prefetch = 0 : i64, scratch_operands = 0 : i64, tpu.core_type = #tpu.core_type<tc>, window_params = [{transform_indices = @transform_0, window_bounds = array<i64: 32, 1024>}, {transform_indices = @transform_1, window_bounds = array<i64: 1, 8, 128>}, {transform_indices = @transform_2, window_bounds = array<i64: 1024, 1>}, {pipeline_mode = #tpu.pipeline_mode<synchronous>, transform_indices = @transform_3, window_bounds = array<i64: 1, 2>}, {transform_indices = @transform_4, window_bounds = array<i64: 1024, 2>}]} {
    %get3A = arith.constant 0 : index
    %get3A_0 = arith.constant 0 : index
    %get3A_1 = vector.load %arg1[%get3A, %get3A_0] : memref<32x1024xf32, #tpu.memory_space<vmem>>, vector<32x1024xf32>
    %reduce_sum3A = arith.constant dense<0.000000e+00> : vector<1024xf32>
    %reduce_sum3A_2 = vector.multi_reduction <add>, %get3A_1, %reduce_sum3A [0] : vector<32x1024xf32> to vector<1024xf32>
    %reshape3A = vector.shape_cast %reduce_sum3A_2 : vector<1024xf32> to vector<8x128xf32>
    %get3A_3 = arith.constant 0 : index
    %get3A_4 = arith.constant 0 : index
    %get3A_5 = vector.load %arg3[%get3A_3, %get3A_4] : memref<1024x1xf32, #tpu.memory_space<vmem>>, vector<1024x1xf32>
    %reshape3A_6 = vector.shape_cast %get3A_5 : vector<1024x1xf32> to vector<8x128xf32>
    %get3A_7 = arith.constant 0 : index
    %get3A_8 = arith.constant 0 : index
    %get3A_9 = arith.constant 0 : index
    %get3A_10 = vector.load %arg2[%get3A_7, %get3A_8, %get3A_9] : memref<1x8x128xf32, #tpu.memory_space<vmem>>, vector<1x8x128xf32>
    %get3A_11 = vector.shape_cast %get3A_10 : vector<1x8x128xf32> to vector<8x128xf32>
    %add3A = arith.addf %reshape3A, %get3A_11 : vector<8x128xf32>
    %mul3A = arith.mulf %reshape3A_6, %add3A : vector<8x128xf32>
    %get3A_12 = arith.constant 0 : index
    %get3A_13 = arith.constant 0 : index
    %get3A_14 = vector.load %arg4[%get3A_12, %get3A_13] : memref<1x2xf32, #tpu.memory_space<vmem>>, vector<1x1xf32>
    %get3A_15 = vector.extract %get3A_14[0, 0] : f32 from vector<1x1xf32>
    %get3A_16 = arith.constant 0 : index
    %get3A_17 = arith.constant 1 : index
    %get3A_18 = vector.load %arg4[%get3A_16, %get3A_17] : memref<1x2xf32, #tpu.memory_space<vmem>>, vector<1x1xf32>
    %get3A_19 = vector.extract %get3A_18[0, 0] : f32 from vector<1x1xf32>
    %sub3A = arith.subf %get3A_15, %get3A_19 : f32
    %add3A_20 = vector.broadcast %sub3A : f32 to vector<8x128xf32>
    %add3A_21 = arith.addf %mul3A, %add3A_20 : vector<8x128xf32>
    %ge3A = arith.constant 0.000000e+00 : f32
    %ge3A_22 = vector.broadcast %ge3A : f32 to vector<8x128xf32>
    %ge3A_23 = arith.cmpf oge, %add3A_21, %ge3A_22 : vector<8x128xf32>
    %neg3A = arith.constant 0.000000e+00 : f32
    %neg3A_24 = vector.broadcast %neg3A : f32 to vector<8x128xf32>
    %neg3A_25 = arith.subf %neg3A_24, %add3A_21 : vector<8x128xf32>
    %select_n3A = arith.select %ge3A_23, %neg3A_25, %add3A_21 : vector<8x128xi1>, vector<8x128xf32>
    %exp3A = math.exp %select_n3A : vector<8x128xf32>
    %add3A_26 = arith.constant 1.000000e+00 : f32
    %add3A_27 = vector.broadcast %add3A_26 : f32 to vector<8x128xf32>
    %add3A_28 = arith.addf %add3A_27, %exp3A : vector<8x128xf32>
    %div3A = arith.constant 1.000000e+00 : f32
    %div3A_29 = vector.broadcast %div3A : f32 to vector<8x128xf32>
    %div3A_30 = arith.divf %div3A_29, %add3A_28 : vector<8x128xf32>
    %add3A_31 = arith.constant 1.000000e+00 : f32
    %add3A_32 = vector.broadcast %add3A_31 : f32 to vector<8x128xf32>
    %add3A_33 = arith.addf %add3A_32, %exp3A : vector<8x128xf32>
    %div3A_34 = arith.divf %exp3A, %add3A_33 : vector<8x128xf32>
    %select_n3A_35 = arith.select %ge3A_23, %div3A_30, %div3A_34 : vector<8x128xi1>, vector<8x128xf32>
    %reshape3A_36 = vector.shape_cast %select_n3A_35 : vector<8x128xf32> to vector<1024x1xf32>
    %sub3A_37 = arith.constant 1.000000e+00 : f32
    %sub3A_38 = vector.broadcast %sub3A_37 : f32 to vector<8x128xf32>
    %sub3A_39 = arith.subf %sub3A_38, %select_n3A_35 : vector<8x128xf32>
    %reshape3A_40 = vector.shape_cast %sub3A_39 : vector<8x128xf32> to vector<1024x1xf32>
    %concatenate3A = tpu.concatenate %reshape3A_36, %reshape3A_40 in 1 : vector<1024x1xf32>, vector<1024x1xf32> -> vector<1024x2xf32>
    %swap3A = arith.constant 0 : index
    %swap3A_41 = arith.constant 0 : index
    %swap3A_42 = vector.load %arg5[%swap3A, %swap3A_41] : memref<1024x2xf32, #tpu.memory_space<vmem>>, vector<1024x2xf32>
    tpu.vector_store %arg5[%swap3A, %swap3A_41], %concatenate3A {strides = array<i32>} : memref<1024x2xf32, #tpu.memory_space<vmem>>, vector<1024x2xf32>,
    return
  }
  func.func @transform_0(%arg0: i32) -> (i32, i32) {
    %c0_i32 = arith.constant 0 : i32
    %c0_i32_0 = arith.constant 0 : i32
    return %c0_i32, %arg0 : i32, i32
  }
  func.func @transform_1(%arg0: i32) -> (i32, i32, i32) {
    %c0_i32 = arith.constant 0 : i32
    %c0_i32_0 = arith.constant 0 : i32
    %c0_i32_1 = arith.constant 0 : i32
    return %arg0, %c0_i32, %c0_i32_0 : i32, i32, i32
  }
  func.func @transform_2(%arg0: i32) -> (i32, i32) {
    %c0_i32 = arith.constant 0 : i32
    %c0_i32_0 = arith.constant 0 : i32
    return %arg0, %c0_i32 : i32, i32
  }
  func.func @transform_3(%arg0: i32) -> (i32, i32) {
    %c0_i32 = arith.constant 0 : i32
    %c0_i32_0 = arith.constant 0 : i32
    %c0_i32_1 = arith.constant 0 : i32
    return %c0_i32, %c0_i32_0 : i32, i32
  }
  func.func @transform_4(%arg0: i32) -> (i32, i32) {
    %c0_i32 = arith.constant 0 : i32
    %c0_i32_0 = arith.constant 0 : i32
    return %arg0, %c0_i32 : i32, i32
  }
}

</mosaic_0001>

<sc_bundles>
// kernel: kernel.11.cloned.1.call-start
scs
__scs_entry_jumppad:
0x0: {  	(pc) =	sbr.rel $0x88, $3  }
0x1: {  	(tag) =	ssettag $0x0;
	lr =	simm.s32 $0x1  }
0x2: {  	[smem:$0x3F9A] =	sst lr;
	_ =	strace $0xD0000000  }
0x3: {  	_ = 	snop  }
0x4: {  	_ = 	snop  }
0x5: {  	_ = 	snop  }
0x6: {  	_ = 	snop  }
0x7: {  	_ = 	snop  }
__scs_overlays_trampoline_lowered:
0x8: {  	[smem:$0x3FA9] =	sst s0  }
0x9: {  	[smem:$0x3FAA] =	sst s1  }
0xa: {  	[smem:$0x3FAB] =	sst s2  }
0xb: {  	[smem:$0x3FAC] =	sst s3  }
0xc: {  	[smem:$0x3FAD] =	sst s4  }
0xd: {  	[smem:$0x3FAE] =	sst s5  }
0xe: {  	[smem:$0x3FAF] =	sst s6  }
0xf: {  	[smem:$0x3FB0] =	sst s7  }
0x10: {  	[smem:$0x3FB1] =	sst s8  }
0x11: {  	[smem:$0x3FB2] =	sst s9;
	s0 =	simm.s32 @!p0 $0x0  }
0x12: {  	s1 =	sld [smem:$0x3F98];
	s0 =	simm.s32 @p0 $0x1  }
0x13: {  	[smem:$0x3FB3] =	sst s0;
	s0 =	simm.s32 @!p1 $0x0  }
0x14: {  	s2 =	sld [smem:$0x3F97];
	s0 =	simm.s32 @p1 $0x1  }
0x15: {  	[smem:$0x3FB4] =	sst s0;
	s0 =	simm.s32 @!p2 $0x0  }
0x16: {  	s3 =	sld [smem:$0x3FDB];
	s0 =	simm.s32 @p2 $0x1  }
0x17: {  	s4 =	simm.s32 $0x1BF5;
	[smem:$0x3FB6] =	sst s0  }
0x18: {  	s0 =	sld [smem:$0x3F99];
	_ =	swait.ge [sflag:s4], $0x0  }
0x19: {  	s7 =	sld [smem:$0x3F9A]  }
0x1a: {  	s8 =	sadd.s32 $0xFFFFE003, lr  }
0x1b: {  	s9 =	sadd.s32 $0xFFFFFEF7, lr;
	s5 =	simm.s32 $0xFFFFFFFF;
	p2 =	slt.u32 s8, $0xFFFFF086  }
0x1c: {  	p1 =	slt.u32 s9, $0xF7A;
	s5 =	simm.s32 @!p2 $0x0  }
0x1d: {  	s5 =	simm.s32 @p1 $0x1;
	p0 =	seq.s32 s7, s2  }
0x1e: {  	s7 =	smul.u32 @!p0 $0xF7A, s2;
	p2 =	seq.s32 @!p0 s5, $0x0  }
0x1f: {  	s9 =	smul.u32 $0xF7A, s1;
	s8 =	simm.s32 @!p0 $0x1BF5;
	p2 =	por !p2, p0  }
0x20: {  	[sflag:s8] =	ssyncset.s32 @!p0 $0xFFFFF086;
	s6 =	sadd.s32 @!p0 s3, s7;
	s7 =	simm.s32 @!p0 $0x108  }
0x21: {  	s3 =	sadd.s32 s3, s9;
	s6 =	sadd.s32 @!p0 $0x88, s6;
	s7 =	simm.s32 @p2 $0x1082  }
0x22: {  	[simem:s7], [sflag:s8] =	dma.local @!p0 [hbm:s6], $0xF7A  }
0x23: {  	s9 =	sor.u32 $0xD0000000, s2;
	s6 =	simm.s32 $0x108;
	_ =	swait.ge @!p0 [sflag:s8], $0x0  }
0x24: {  	s3 =	sadd.s32 $0x88, s3;
	s6 =	simm.s32 @!p1 $0x1082;
	[sflag:s4] =	ssyncset.s32 $0xFFFFF086  }
0x25: {  	[simem:s6], [sflag:s4] =	dma.local [hbm:s3], $0xF7A  }
0x26: {  	[smem:$0x3F9A] =	sst s1;
	(tag) =	ssettag s2;
	_ =	strace s9  }
0x27: {  	s1 =	sld [smem:$0x3FAA]  }
0x28: {  	s2 =	sld [smem:$0x3FAB]  }
0x29: {  	s4 =	sld [smem:$0x3FAD]  }
0x2a: {  	p0 =	seq.s32 s5, $0x0;
	s5 =	sld [smem:$0x3FAE]  }
0x2b: {  	s6 =	sld [smem:$0x3FAF]  }
0x2c: {  	s7 =	sld [smem:$0x3FB0]  }
0x2d: {  	s3 =	simm.s32 $0x108;
	s8 =	sld [smem:$0x3FB1]  }
0x2e: {  	s3 =	simm.s32 @!p0 $0x1082;
	s9 =	sld [smem:$0x3FB2]  }
0x2f: {  	lr =	sadd.s32 s0, s3;
	s0 =	sld [smem:$0x3FA9]  }
0x30: {  	s3 =	sld [smem:$0x3FAC]  }
0x31: {  	[smem:$0x3FB5] =	sst s10  }
0x32: {  	s10 =	sld [smem:$0x3FB3];
	_ =	sdelay $0x3  }
0x33: {  	p0 =	seq.s32 s10, $0x1;
	s10 =	sld [smem:$0x3FB5];
	_ =	sdelay $0x3  }
0x34: {  	[smem:$0x3FB5] =	sst s10  }
0x35: {  	s10 =	sld [smem:$0x3FB4];
	_ =	sdelay $0x3  }
0x36: {  	p1 =	seq.s32 s10, $0x1;
	s10 =	sld [smem:$0x3FB5];
	_ =	sdelay $0x3  }
0x37: {  	[smem:$0x3FB5] =	sst s10  }
0x38: {  	s10 =	sld [smem:$0x3FB6]  }
0x39: {  	_ = 	snop;
	(pc) =	sbr.ind lr, $3  }
0x3a: {  	_ = 	snop  }
0x3b: {  	_ = 	snop  }
0x3c: {  	p2 =	seq.s32 s10, $0x1;
	s10 =	sld [smem:$0x3FB5]  }
0x3d: {  	_ =	shalt  }
0x3e: {  	_ =	shalt  }
0x3f: {  	_ =	shalt  }
0x40: {  	_ =	shalt  }
0x41: {  	_ =	shalt  }
0x42: {  	_ =	shalt  }
0x43: {  	_ =	shalt  }
0x44: {  	_ =	shalt  }
0x45: {  	_ =	shalt  }
0x46: {  	_ =	shalt  }
0x47: {  	_ =	shalt  }
0x48: {  	_ =	shalt  }
0x49: {  	_ =	shalt  }
0x4a: {  	_ =	shalt  }
0x4b: {  	_ =	shalt  }
0x4c: {  	_ =	shalt  }
0x4d: {  	_ =	shalt  }
0x4e: {  	_ =	shalt  }
0x4f: {  	_ =	shalt  }
0x50: {  	_ =	shalt  }
0x51: {  	_ =	shalt  }
0x52: {  	_ =	shalt  }
0x53: {  	_ =	shalt  }
0x54: {  	_ =	shalt  }
0x55: {  	_ =	shalt  }
0x56: {  	_ =	shalt  }
0x57: {  	_ =	shalt  }
0x58: {  	_ =	shalt  }
0x59: {  	_ =	shalt  }
0x5a: {  	_ =	shalt  }
0x5b: {  	_ =	shalt  }
0x5c: {  	_ =	shalt  }
0x5d: {  	_ =	shalt  }
0x5e: {  	_ =	shalt  }
0x5f: {  	_ =	shalt  }
0x60: {  	_ =	shalt  }
0x61: {  	_ =	shalt  }
0x62: {  	_ =	shalt  }
0x63: {  	_ =	shalt  }
0x64: {  	_ =	shalt  }
0x65: {  	_ =	shalt  }
0x66: {  	_ =	shalt  }
0x67: {  	_ =	shalt  }
0x68: {  	_ =	shalt  }
0x69: {  	_ =	shalt  }
0x6a: {  	_ =	shalt  }
0x6b: {  	_ =	shalt  }
0x6c: {  	_ =	shalt  }
0x6d: {  	_ =	shalt  }
0x6e: {  	_ =	shalt  }
0x6f: {  	_ =	shalt  }
0x70: {  	_ =	shalt  }
0x71: {  	_ =	shalt  }
0x72: {  	_ =	shalt  }
0x73: {  	_ =	shalt  }
0x74: {  	_ =	shalt  }
0x75: {  	_ =	shalt  }
0x76: {  	_ =	shalt  }
0x77: {  	_ =	shalt  }
0x78: {  	_ =	shalt  }
0x79: {  	_ =	shalt  }
0x7a: {  	_ =	shalt  }
0x7b: {  	_ =	shalt  }
0x7c: {  	_ =	shalt  }
0x7d: {  	_ =	shalt  }
0x7e: {  	_ =	shalt  }
0x7f: {  	_ =	shalt  }
0x80: {  	_ =	shalt  }
0x81: {  	_ =	shalt  }
0x82: {  	_ =	shalt  }
0x83: {  	_ =	shalt  }
0x84: {  	_ =	shalt  }
0x85: {  	_ =	shalt  }
0x86: {  	_ =	shalt  }
0x87: {  	_ =	shalt  }
.Lfunc_end0:
.L_simem_size_0:
called_computation.1_lowered:
.L_overlay_start_0:
0x88: {  	s2 =	sld [smem:$0x3FD9]  }
0x89: {  	s3 =	sld [smem:$0x3FFE];
	_ =	sdelay $0x1  }
0x8a: {  	s1 =	srdreg.scid  }
0x8b: {  	s0 =	sand.u32 $0x1, s1  }
0x8c: {  	s17 =	sshll.u32 s0, $0xA;
	s2 =	sadd.s32 s3, s2  }
0x8d: {  	s2 =	sadd.s32 s2, s17  }
0x8e: {  	[smem:$0x3FC1] =	sst s2  }
0x8f: {  	_ = 	snop  }
0x90: {  	s2 =	sld [smem:$0x3FC9];
	(tm) =	ssettm $0x1  }
0x91: {  	s18 =	sld [smem:$0x3FFB];
	_ =	sdelay $0x3  }
0x92: {  	_ =	strace s18  }
0x93: {  	s3 =	sld [smem:$0x3FFC];
	_ =	sdelay $0x3  }
0x94: {  	_ =	strace s3  }
0x95: {  	s3 =	sld [smem:$0x3FFD];
	_ =	sdelay $0x3  }
0x96: {  	_ =	strace s3  }
0x97: {  	_ =	strace $0x8FFFFFFF  }
0x98: {  	s19 =	sld [smem:$0x3FDB];
	_ =	sdelay $0x1  }
0x99: {  	s4 =	simm.s32 $_scs_section_size  }
0x9a: {  	s5 =	simm.s32 $_size__tile_overlayer_lowered;
	s6 =	simm.s32 $_tile_overlayer_lowered  }
0x9b: {  	s22 =	simm.s32 $0x1BFF;
	s21 =	sshll.u32 s6, $0x1;
	s3 =	sadd.s32 s4, s19  }
0x9c: {  	s7 =	simm.s32 $0x0;
	s20 =	sshll.u32 s5, $0x1;
	s5 =	sadd.s32 s21, s3  }
0x9d: {  	[timem:s7], [sflag:s22] =	dma.local [hbm:s5], s20  }
0x9e: {  	_ =	swait.ge [sflag:s22], s20  }
0x9f: {  	s4 =	ssub.s32 $0x0, s20;
	[sflag:s22] =	ssyncset.done $0x0  }
0xa0: {  	[sflag:s22] =	ssyncadd.s32 s4;
	_ =	sdelay $0x1  }
0xa1: {  	s23 =	simm.s32 $0x1B8B  }
0xa2: {  	_ =	swait.ge [sflag:s23], $0x1  }
0xa3: {  	[sflag:s23] =	ssyncset.done $0x0  }
0xa4: {  	s25 =	simm.s32 $0x1B8E;
	s24 =	sld [smem:$0x3FFE];
	[sflag:s23] =	ssyncadd.s32 $0xFFFFFFFF  }
0xa5: {  	s26 =	simm.s32 $execute0_lowered;
	[smem:$0x3FD2] =	sst s25  }
0xa6: {  	s5 =	sshll.u32 s26, $0x1;
	_ =	strace $0x80000049;
	[dreg:$0x1] =	wrdreg $0xFFFFFFFF  }
0xa7: {  	s28 =	simm.s32 $_size_execute0_lowered;
	s3 =	sadd.s32 s3, s5;
	[dreg:$0x0] =	wrdreg $0x0  }
0xa8: {  	s5 =	sshll.u32 s28, $0x1;
	[dreg:$0x2] =	wrdreg s3  }
0xa9: {  	[dreg:$0x3] =	wrdreg s5  }
0xaa: {  	[dreg:$0x4] =	wrdreg $0xC0  }
0xab: {  	_ =	task [dreg:s7], $0x5FFFF  }
0xac: {  	[dreg:$0x1] =	wrdreg $0xFFFFFFFF  }
0xad: {  	[dreg:$0x0] =	wrdreg $0x60  }
0xae: {  	[dreg:$0x2] =	wrdreg s2  }
0xaf: {  	[dreg:$0x3] =	wrdreg s24  }
0xb0: {  	[dreg:$0x4] =	wrdreg $0x0  }
0xb1: {  	[dreg:$0x5] =	wrdreg $0x9  }
0xb2: {  	_ =	task.clear_ibuf [dreg:s7], $0x6FFFF;
	_ =	strace $0x90000049  }
0xb3: {  	s29 =	simm.s32 $0x9;
	_ =	strace $0x8000004B  }
0xb4: {  	_ =	swait.ge [sflag:s29], $0x1  }
0xb5: {  	[sflag:s29] =	ssyncadd.s32 $0xFFFFFFFF  }
0xb6: {  	_ =	strace $0x9000004B  }
0xb7: {  	_ =	sfence  }
0xb8: {  	s30 =	sld [smem:$0x0];
	_ =	sdelay $0x2  }
0xb9: {  	s31 =	sshll.u32 s1, $0xD;
	s1 =	sshrl.u32 s1, $0x2  }
0xba: {  	s3 =	sand.u32 $0x4000, s31;
	s1 =	sadd.s32 s1, s30  }
0xbb: {  	s0 =	sor.u32 s3, s0;
	s1 =	sshll.u32 s1, $0x11  }
0xbc: {  	s0 =	sor.u32 s1, s0  }
0xbd: {  	s0 =	sadd.s32 $0x8F2B, s0  }
0xbe: {  	[sflag:s0] =	ssyncadd.remote.s32 $0x1  }
0xbf: {  	_ =	sfence.sel $0xFFFF  }
0xc0: {  	[dreg:$0x0] =	wrdreg $0xFFFFFFFF;
	(pc) =	sbr.abs _section_cstart, $3  }
0xc1: {  	[dreg:$0x1] =	wrdreg $0xFFFFFFFF  }
0xc2: {  	_ =	task.clear_ibuf [dreg:s7], $0x2FFFF;
	_ =	strace $0x9FFFFFFF  }
0xc3: {  	(tm) =	ssettm $0x7FFFFFFF  }
tec
execute0_lowered:
.L_overlay_start_1:
0x0: {  	(tag) =	ssettag $0x1  }
0x1: {  	s0 =	rddreg [dreg:$0x0]  }
0x2: {  	s1 =	rddreg [dreg:$0x1];
	s2 =	srdreg.scid  }
0x3: {  	s3 =	rddreg [dreg:$0x2];
	s13 =	stileid.u32  }
0x4: {  	s4 =	simm.s32 $0x0;
	s28 =	simm.s32 $0xA;
	s29 =	simm.s32 $0x1EA00  }
0x5: {  	s30 =	simm.s32 $0x9;
	s31 =	simm.s32 $0x14000;
	s6 =	smul.u32 $0x14000, s13  }
0x6: {  	s2 =	sand.u32 $0x1, s2;
	[smem:$0x7FF] =	sst s4;
	s12 =	smul.u32 $0x50000, s13  }
0x7: {  	s10 =	sshll.u32 s13, $0x4;
	s5 =	smul.u32 $0x140000, s2;
	_ =	strace $0x8000004A  }
0x8: {  	s7 =	sshll.u32 s2, $0x4;
	s19 =	ssub.s32 $0x2, s2;
	s11 =	sand.u32 $0x70, s10  }
0x9: {  	s2 =	smul.u32 $0x27000, s2;
	s7 =	sor.u32 s13, s7;
	s9 =	sshrl.u32 s19, $0x1  }
0xa: {  	s21 =	sshrl.u32 s12, $0x2;
	s13 =	smul.u32 $0x2700, s13;
	s6 =	sadd.s32 s6, s5  }
0xb: {  	s5 =	sadd.s32 $0x2800, s1;
	s8 =	sshll.u32 s7, $0x5;
	s23 =	smul.u32 $0x4E00, s7  }
0xc: {  	s24 =	sadd.s32 s21, s3;
	s7 =	smul.u32 $0x9C0, s7;
	s6 =	sshrl.u32 s6, $0x3  }
0xd: {  	s8 =	sand.u32 $0x300, s8;
	s22 =	sadd.s32 $0x4000, s24;
	s25 =	sadd.s32 $0x8000, s24  }
0xe: {  	s26 =	sadd.s32 $0xC000, s24;
	s2 =	sadd.s32 s13, s2;
	[dreg:$0x6] =	wrdreg s22  }
0xf: {  	s1 =	sadd.s32 s6, s1;
	s10 =	sor.u32 s10, s8;
	[dreg:$0x7] =	wrdreg s25  }
0x10: {  	s6 =	ssub.s32 s19, s9;
	s8 =	sor.u32 s11, s8;
	[dreg:$0x8] =	wrdreg s26  }
0x11: {  	s11 =	sadd.s32 s0, s7;
	s18 =	sshrl.u32 s2, $0x2;
	s19 =	sadd.s32 $0x380, s2  }
0x12: {  	s22 =	sadd.s32 $0x280, s2;
	s26 =	sadd.s32 $0x200, s2;
	s20 =	sshrl.u32 s10, $0x3  }
0x13: {  	s8 =	sshrl.u32 s8, $0x3;
	s10 =	sadd.s32 $0x10000, s24;
	[dreg:$0xa] =	wrdreg s11  }
0x14: {  	s1 =	sadd.s32 $0x2A800, s1;
	s17 =	smax.u32 s6, $0x1;
	[dreg:$0x15] =	wrdreg s26  }
0x15: {  	s21 =	sadd.s32 s18, s0;
	s25 =	sshrl.u32 s22, $0x2;
	[dreg:$0x9] =	wrdreg s10  }
0x16: {  	s26 =	simm.s32 $0x1E900;
	s18 =	simm.s32 $0x5;
	[dreg:$0x10] =	wrdreg s1  }
0x17: {  	s9 =	sor.u32 $0x13810, s20;
	s8 =	sadd.s32 s8, s0;
	[dreg:$0x11] =	wrdreg s17  }
0x18: {  	s20 =	sadd.s32 $0x300, s2;
	s1 =	sshrl.u32 s19, $0x2;
	s2 =	simm.s32 $0x1C080  }
0x19: {  	s10 =	simm.s32 $0x1C180;
	s17 =	simm.s32 $0x8;
	s9 =	sadd.s32 s0, s9  }
0x1a: {  	s19 =	simm.s32 $0x6;
	s8 =	sadd.s32 $0x13800, s8;
	[dreg:$0x4] =	wrdreg s9  }
0x1b: {  	s6 =	sshrl.u32 s20, $0x2;
	s1 =	sadd.s32 s1, s0;
	[dreg:$0x5] =	wrdreg s8  }
0x1c: {  	s20 =	simm.s32 $0x0;
	s9 =	sadd.s32 $0x20, s11;
	[dreg:$0x12] =	wrdreg s1  }
0x1d: {  	s8 =	sshrl.u32 s23, $0x3;
	s23 =	sadd.s32 s6, s0;
	[dreg:$0xb] =	wrdreg s9  }
0x1e: {  	s1 =	sadd.s32 s25, s0;
	s12 =	sadd.s32 s0, s8;
	[dreg:$0x13] =	wrdreg s23  }
0x1f: {  	v14 =	vlaneseq.u32;
	v15 =	vimm.f32 $0.0e+00;
	s6 =	simm.s32 $0x80;
	[dreg:$0x14] =	wrdreg s1;
	s14 =	sadd.s32 $0x40, s12  }
0x20: {  	v0 =	vor.u32 $0x2710, v14;
	v1 =	vor.u32 $0x2720, v14;
	v2 =	vor.u32 $0x2730, v14;
	s11 =	simm.s32 $0x1;
	s15 =	sadd.s32 $0x60, s12;
	[dreg:$0xc] =	wrdreg s14  }
0x21: {  	v3 =	vor.u32 $0x2740, v14;
	v4 =	vor.u32 $0x2750, v14;
	v5 =	vor.u32 $0x2760, v14;
	s1 =	simm.s32 $0x1C000;
	s16 =	sadd.s32 $0x980, s12;
	[dreg:$0xd] =	wrdreg s15  }
0x22: {  	v6 =	vor.u32 $0x2770, v14;
	v7 =	vor.u32 $0x2780, v14;
	v8 =	vor.u32 $0x2790, v14;
	s8 =	simm.s32 $0x18000;
	s7 =	sadd.s32 $0x9A0, s12;
	[dreg:$0xe] =	wrdreg s16  }
0x23: {  	v9 =	vor.u32 $0x27A0, v14;
	v10 =	vor.u32 $0x27B0, v14;
	v11 =	vor.u32 $0x27C0, v14;
	s9 =	simm.s32 $0x1C100;
	s12 =	simm.s32 $0x2;
	[dreg:$0xf] =	wrdreg s7  }
0x24: {  	v12 =	vor.u32 $0x27D0, v14;
	v13 =	vor.u32 $0x27E0, v14;
	v14 =	vor.u32 $0x27F0, v14;
	s14 =	simm.s32 $0x3;
	s15 =	simm.s32 $0x7;
	s16 =	simm.s32 $0x4  }
.LBB2_1:
0x25: {  	s7 =	simm.s32 $0x1C200  }
0x26: {  	s13 =	simm.s32 $0x30;
	s23 =	sadd.s32 $0x10, s21;
	s22 =	simm.s32 $0x1C280  }
.LBB2_2:
0x27: {  	[tilespmem:s7], [sflag:$0x9] =	stream.linear.gather [hbm4b:s23+s4], $0x80, $0x38;
	[tilespmem:$0x1EB00] =	vst v63  }
0x28: {  	s23 =	smov.u32 s13;
	s7 =	smov.u32 s22;
	p0 =	sne.s32 s13, $0x9B0  }
.Ltmp0:
0x29: {  	s13 =	sadd.s32 $0x20, s13;
	(pc) =	sbr.rel @p0 .LBB2_2-.Ltmp0, $2  }
0x2a: {  	_ =	sdelay $0x2  }
0x2b: {  	s22 =	sadd.s32 $0x80, s22;
	s23 =	sadd.s32 s23, s21  }
0x2c: {  	[tilespmem:s7], [sflag:$0x9] =	stream.linear.gather [hbm4b:s23+s4], $0x80, $0x38;
	[tilespmem:$0x1EB00] =	vst v63  }
0x2d: {  	s25 =	rddreg [dreg:$0x4]  }
0x2e: {  	[tilespmem:s26], [sflag:$0xA] =	stream.linear.gather [hbm4b:s25+s4], $0x10, $0x38;
	[tilespmem:$0x1EB00] =	vst v63  }
0x2f: {  	_ =	swait.ge [sflag:s28], $0x10  }
0x30: {  	[sflag:s28] =	ssyncset.done $0x0  }
0x31: {  	s26 =	rddreg [dreg:$0x5];
	[sflag:s28] =	ssyncadd.s32 $0xFFFFFFF0  }
0x32: {  	[tilespmem:s29], [sflag:$0xA] =	stream.linear.gather [hbm4b:s26+s4], $0x10, $0x38;
	[tilespmem:$0x1EB00] =	vst v63  }
0x33: {  	_ =	swait.ge [sflag:s28], $0x10  }
0x34: {  	[sflag:s28] =	ssyncset.done $0x0  }
0x35: {  	[sflag:s28] =	ssyncadd.s32 $0xFFFFFFF0  }
0x36: {  	[tilespmem:$0x1E910] =	vst v0  }
0x37: {  	[tilespmem:$0x1EA10] =	vst v0  }
0x38: {  	[tilespmem:$0x1E920] =	vst v1  }
0x39: {  	[tilespmem:$0x1EA20] =	vst v1  }
0x3a: {  	[tilespmem:$0x1E930] =	vst v2  }
0x3b: {  	[tilespmem:$0x1EA30] =	vst v2  }
0x3c: {  	[tilespmem:$0x1E940] =	vst v3  }
0x3d: {  	[tilespmem:$0x1EA40] =	vst v3  }
0x3e: {  	[tilespmem:$0x1E950] =	vst v4  }
0x3f: {  	[tilespmem:$0x1EA50] =	vst v4  }
0x40: {  	[tilespmem:$0x1E960] =	vst v5  }
0x41: {  	[tilespmem:$0x1EA60] =	vst v5  }
0x42: {  	[tilespmem:$0x1E970] =	vst v6  }
0x43: {  	[tilespmem:$0x1EA70] =	vst v6  }
0x44: {  	[tilespmem:$0x1E980] =	vst v7  }
0x45: {  	[tilespmem:$0x1EA80] =	vst v7  }
0x46: {  	[tilespmem:$0x1E990] =	vst v8  }
0x47: {  	[tilespmem:$0x1EA90] =	vst v8  }
0x48: {  	[tilespmem:$0x1E9A0] =	vst v9  }
0x49: {  	[tilespmem:$0x1EAA0] =	vst v9  }
0x4a: {  	[tilespmem:$0x1E9B0] =	vst v10  }
0x4b: {  	[tilespmem:$0x1EAB0] =	vst v10  }
0x4c: {  	[tilespmem:$0x1E9C0] =	vst v11  }
0x4d: {  	[tilespmem:$0x1EAC0] =	vst v11  }
0x4e: {  	[tilespmem:$0x1E9D0] =	vst v12  }
0x4f: {  	[tilespmem:$0x1EAD0] =	vst v12  }
0x50: {  	[tilespmem:$0x1E9E0] =	vst v13  }
0x51: {  	[tilespmem:$0x1EAE0] =	vst v13  }
0x52: {  	[tilespmem:$0x1E9F0] =	vst v14  }
0x53: {  	s7 =	simm.s32 $0x4E;
	[tilespmem:$0x1EAF0] =	vst v14  }
.LBB2_4:
0x54: {  	p0 =	sne.s32 s7, $0x1  }
.Ltmp1:
0x55: {  	_ = 	snop;
	(pc) =	sbr.rel @p0 .LBB2_4-.Ltmp1, $4  }
0x56: {  	_ = 	snop  }
0x57: {  	_ =	swait.ge [sflag:s30], $0x80  }
0x58: {  	[sflag:s30] =	ssyncset.done $0x0  }
0x59: {  	s7 =	sadd.s32 $0xFFFFFFFF, s7;
	[sflag:s30] =	ssyncadd.s32 $0xFFFFFF80  }
0x5a: {  	s7 =	simm.s32 $0x0;
	s13 =	simm.s32 $0x200  }
.LBB2_6:
0x5b: {  	p0 =	sne.s32 s13, $0xFE00;
	[tilespmem:s7+$0x14070] =	vst v15  }
0x5c: {  	[tilespmem:s7+$0x14000] =	vst v15  }
0x5d: {  	[tilespmem:s7+$0x14010] =	vst v15  }
.Ltmp2:
0x5e: {  	[tilespmem:s7+$0x14020] =	vst v15;
	(pc) =	sbr.rel @p0 .LBB2_6-.Ltmp2, $4  }
0x5f: {  	[tilespmem:s7+$0x14030] =	vst v15  }
0x60: {  	[tilespmem:s7+$0x14040] =	vst v15  }
0x61: {  	[tilespmem:s7+$0x14050] =	vst v15  }
0x62: {  	[tilespmem:s7+$0x14060] =	vst v15;
	s7 =	sshra.s32 s13, $0x2;
	s13 =	sadd.s32 $0x200, s13  }
0x63: {  	[tilespmem:s7+$0x14070] =	vst v15  }
0x64: {  	[tilespmem:s7+$0x14000] =	vst v15  }
0x65: {  	[tilespmem:s7+$0x14010] =	vst v15  }
0x66: {  	[tilespmem:s7+$0x14020] =	vst v15  }
0x67: {  	[tilespmem:s7+$0x14030] =	vst v15  }
0x68: {  	[tilespmem:s7+$0x14040] =	vst v15  }
0x69: {  	[tilespmem:s7+$0x14050] =	vst v15  }
0x6a: {  	[tilespmem:s7+$0x14060] =	vst v15  }
0x6b: {  	[spmem:s24] =	stream.linear.scatter [tilespmem:s31], [sflag:$0xA], $0x4000, $0x38;
	[tilespmem:$0x1EB00] =	vst v63  }
0x6c: {  	_ =	swait.ge [sflag:s28], $0x4000  }
0x6d: {  	[sflag:s28] =	ssyncset.done $0x0  }
0x6e: {  	s26 =	rddreg [dreg:$0x6];
	[sflag:s28] =	ssyncadd.s32 $0xFFFFC000  }
0x6f: {  	[spmem:s26] =	stream.linear.scatter [tilespmem:s31], [sflag:$0xA], $0x4000, $0x38;
	[tilespmem:$0x1EB00] =	vst v63  }
0x70: {  	_ =	swait.ge [sflag:s28], $0x4000  }
0x71: {  	[sflag:s28] =	ssyncset.done $0x0  }
0x72: {  	s13 =	rddreg [dreg:$0x7];
	[sflag:s28] =	ssyncadd.s32 $0xFFFFC000  }
0x73: {  	[spmem:s13] =	stream.linear.scatter [tilespmem:s31], [sflag:$0xA], $0x4000, $0x38;
	[tilespmem:$0x1EB00] =	vst v63  }
0x74: {  	_ =	swait.ge [sflag:s28], $0x4000  }
0x75: {  	[sflag:s28] =	ssyncset.done $0x0  }
0x76: {  	s22 =	rddreg [dreg:$0x8];
	[sflag:s28] =	ssyncadd.s32 $0xFFFFC000  }
0x77: {  	[spmem:s22] =	stream.linear.scatter [tilespmem:s31], [sflag:$0xA], $0x4000, $0x38;
	[tilespmem:$0x1EB00] =	vst v63  }
0x78: {  	_ =	swait.ge [sflag:s28], $0x4000  }
0x79: {  	[sflag:s28] =	ssyncset.done $0x0  }
0x7a: {  	s23 =	rddreg [dreg:$0x9];
	[sflag:s28] =	ssyncadd.s32 $0xFFFFC000  }
0x7b: {  	[spmem:s23] =	stream.linear.scatter [tilespmem:s31], [sflag:$0xA], $0x4000, $0x38;
	[tilespmem:$0x1EB00] =	vst v63  }
0x7c: {  	_ =	swait.ge [sflag:s28], $0x4000  }
0x7d: {  	[sflag:s28] =	ssyncset.done $0x0  }
0x7e: {  	[sflag:s28] =	ssyncadd.s32 $0xFFFFC000  }
0x7f: {  	[bflag:$0x0] =	sbarrier.arrive $0xFFFF  }
0x80: {  	s25 =	smov.u32 s24;
	s24 =	simm.s32 $0x0;
	s13 =	rddreg [dreg:$0xa]  }
0x81: {  	[tilespmem:s1], [sflag:$0xA] =	stream.linear.gather [hbm4b:s13+s24], $0x80, $0x38;
	[tilespmem:$0x1EB00] =	vst v63  }
0x82: {  	_ =	swait.ge [sflag:s28], $0x80  }
0x83: {  	[sflag:s28] =	ssyncset.done $0x0  }
0x84: {  	s26 =	rddreg [dreg:$0xb];
	[sflag:s28] =	ssyncadd.s32 $0xFFFFFF80  }
0x85: {  	[tilespmem:s2], [sflag:$0xA] =	stream.linear.gather [hbm4b:s26+s24], $0x80, $0x38;
	[tilespmem:$0x1EB00] =	vst v63  }
0x86: {  	_ =	swait.ge [sflag:s28], $0x80  }
0x87: {  	[sflag:s28] =	ssyncset.done $0x0  }
0x88: {  	[sflag:s28] =	ssyncadd.s32 $0xFFFFFF80  }
0x89: {  	[tilespmem:s31], [sflag:$0x1] =	stream.indirect.gather [hbm4b:s5+s6], $0x80, s1, s6, $0xb8;
	[tilespmem:$0x1EB00] =	vst v63  }
0x8a: {  	_ = 	snop  }
0x8b: {  	[tilespmem:s8], [sflag:$0x2] =	stream.indirect.gather [hbm4b:s5+s6], $0x80, s2, s6, $0xb8;
	[tilespmem:$0x1EB00] =	vst v63  }
0x8c: {  	s22 =	rddreg [dreg:$0xc]  }
0x8d: {  	[tilespmem:s9], [sflag:$0x7] =	stream.linear.gather [hbm4b:s22+s24], $0x80, $0x38;
	[tilespmem:$0x1EB00] =	vst v63  }
0x8e: {  	s23 =	rddreg [dreg:$0xd]  }
0x8f: {  	[tilespmem:s10], [sflag:$0x8] =	stream.linear.gather [hbm4b:s23+s24], $0x80, $0x38;
	[tilespmem:$0x1EB00] =	vst v63  }
0x90: {  	_ =	swait.ge [sflag:s11], $0x4000  }
0x91: {  	s29 =	rddreg [dreg:$0x15]  }
0x92: {  	[sflag:s11] =	ssyncset.done $0x0;
	s24 =	sshrl.u32 s29, $0x2  }
0x93: {  	[sflag:s11] =	ssyncadd.s32 $0xFFFFC000;
	s7 =	sadd.s32 s0, s24  }
0x94: {  	[tilespmem:s1], [sflag:$0x5] =	stream.linear.gather [hbm4b:s7+s4], $0x80, $0x38;
	[tilespmem:$0x1EB00] =	vst v63  }
0x95: {  	s26 =	simm.s32 $0x1C200  }
0x96: {  	[spmem:s3] =	stream.indirect.scatter.add.f32 [tilespmem:s31], [sflag:$0x3], $0x80, s26, s6, $0xb8;
	[tilespmem:$0x1EB00] =	vst v63  }
0x97: {  	_ =	swait.ge [sflag:s12], $0x4000  }
0x98: {  	[sflag:s12] =	ssyncset.done $0x0  }
0x99: {  	s24 =	rddreg [dreg:$0x14];
	[sflag:s12] =	ssyncadd.s32 $0xFFFFC000  }
0x9a: {  	[tilespmem:s2], [sflag:$0x6] =	stream.linear.gather [hbm4b:s24+s4], $0x80, $0x38;
	[tilespmem:$0x1EB00] =	vst v63  }
0x9b: {  	s13 =	simm.s32 $0x1C280  }
0x9c: {  	[spmem:s3] =	stream.indirect.scatter.add.f32 [tilespmem:s8], [sflag:$0x4], $0x80, s13, s6, $0xb8;
	[tilespmem:$0x1EB00] =	vst v63  }
0x9d: {  	_ =	swait.ge [sflag:s14], $0x4000  }
0x9e: {  	[sflag:s14] =	ssyncset.done $0x0  }
0x9f: {  	[sflag:s14] =	ssyncadd.s32 $0xFFFFC000  }
0xa0: {  	_ =	swait.ge [sflag:s15], $0x80  }
0xa1: {  	[sflag:s15] =	ssyncset.done $0x0  }
0xa2: {  	[sflag:s15] =	ssyncadd.s32 $0xFFFFFF80  }
0xa3: {  	[tilespmem:s31], [sflag:$0x1] =	stream.indirect.gather [hbm4b:s5+s6], $0x80, s9, s6, $0xb8;
	[tilespmem:$0x1EB00] =	vst v63  }
0xa4: {  	_ =	swait.ge [sflag:s16], $0x4000  }
0xa5: {  	[sflag:s16] =	ssyncset.done $0x0  }
0xa6: {  	[sflag:s16] =	ssyncadd.s32 $0xFFFFC000  }
0xa7: {  	_ =	swait.ge [sflag:s17], $0x80  }
0xa8: {  	[sflag:s17] =	ssyncset.done $0x0  }
0xa9: {  	[sflag:s17] =	ssyncadd.s32 $0xFFFFFF80  }
0xaa: {  	[tilespmem:s8], [sflag:$0x2] =	stream.indirect.gather [hbm4b:s5+s6], $0x80, s10, s6, $0xb8;
	[tilespmem:$0x1EB00] =	vst v63  }
0xab: {  	_ =	swait.ge [sflag:s11], $0x4000  }
0xac: {  	[sflag:s11] =	ssyncset.done $0x0  }
0xad: {  	s23 =	rddreg [dreg:$0x13];
	[sflag:s11] =	ssyncadd.s32 $0xFFFFC000  }
0xae: {  	[tilespmem:s9], [sflag:$0x7] =	stream.linear.gather [hbm4b:s23+s4], $0x80, $0x38;
	[tilespmem:$0x1EB00] =	vst v63  }
0xaf: {  	s22 =	simm.s32 $0x1C300  }
0xb0: {  	[spmem:s3] =	stream.indirect.scatter.add.f32 [tilespmem:s31], [sflag:$0x3], $0x80, s22, s6, $0xb8;
	[tilespmem:$0x1EB00] =	vst v63  }
0xb1: {  	_ =	swait.ge [sflag:s12], $0x4000  }
0xb2: {  	[sflag:s12] =	ssyncset.done $0x0  }
0xb3: {  	s22 =	rddreg [dreg:$0x12];
	[sflag:s12] =	ssyncadd.s32 $0xFFFFC000  }
0xb4: {  	[tilespmem:s10], [sflag:$0x8] =	stream.linear.gather [hbm4b:s22+s4], $0x80, $0x38;
	[tilespmem:$0x1EB00] =	vst v63  }
0xb5: {  	s26 =	simm.s32 $0x1C380  }
0xb6: {  	[spmem:s3] =	stream.indirect.scatter.add.f32 [tilespmem:s8], [sflag:$0x4], $0x80, s26, s6, $0xb8;
	[tilespmem:$0x1EB00] =	vst v63  }
0xb7: {  	_ =	swait.ge [sflag:s14], $0x4000  }
0xb8: {  	[sflag:s14] =	ssyncset.done $0x0  }
0xb9: {  	[sflag:s14] =	ssyncadd.s32 $0xFFFFC000  }
0xba: {  	_ =	swait.ge [sflag:s18], $0x80  }
0xbb: {  	[sflag:s18] =	ssyncset.done $0x0  }
0xbc: {  	[sflag:s18] =	ssyncadd.s32 $0xFFFFFF80  }
0xbd: {  	[tilespmem:s31], [sflag:$0x1] =	stream.indirect.gather [hbm4b:s5+s6], $0x80, s1, s6, $0xb8;
	[tilespmem:$0x1EB00] =	vst v63  }
0xbe: {  	_ =	swait.ge [sflag:s16], $0x4000  }
0xbf: {  	[sflag:s16] =	ssyncset.done $0x0  }
0xc0: {  	[sflag:s16] =	ssyncadd.s32 $0xFFFFC000  }
0xc1: {  	s29 =	sadd.s32 $0x200, s29;
	_ =	swait.ge [sflag:s19], $0x80  }
0xc2: {  	s13 =	simm.s32 $0x800;
	s23 =	sadd.s32 $0x80, s23;
	[sflag:s19] =	ssyncset.done $0x0  }
0xc3: {  	s22 =	sadd.s32 $0x80, s22;
	s26 =	sadd.s32 $0x80, s24;
	[sflag:s19] =	ssyncadd.s32 $0xFFFFFF80  }
.LBB2_8:
0xc4: {  	[tilespmem:s8], [sflag:$0x2] =	stream.indirect.gather [hbm4b:s5+s6], $0x80, s2, s6, $0xb8;
	[tilespmem:$0x1EB00] =	vst v63  }
0xc5: {  	s7 =	smov.u32 s13  }
0xc6: {  	p0 =	sne.s32 s13, $0x8800;
	s13 =	sadd.s32 $0x800, s13;
	_ =	swait.ge [sflag:s11], $0x4000  }
0xc7: {  	s24 =	sshrl.u32 s29, $0x2;
	[sflag:s11] =	ssyncset.done $0x0  }
0xc8: {  	s24 =	sadd.s32 s0, s24;
	s7 =	sshra.s32 s7, $0x2;
	[sflag:s11] =	ssyncadd.s32 $0xFFFFC000  }
0xc9: {  	[tilespmem:s1], [sflag:$0x5] =	stream.linear.gather [hbm4b:s24+s4], $0x80, $0x38;
	[tilespmem:$0x1EB00] =	vst v63  }
0xca: {  	s24 =	sadd.s32 $0x1C200, s7  }
0xcb: {  	[spmem:s3] =	stream.indirect.scatter.add.f32 [tilespmem:s31], [sflag:$0x3], $0x80, s24, s6, $0xb8;
	[tilespmem:$0x1EB00] =	vst v63  }
0xcc: {  	_ =	swait.ge [sflag:s12], $0x4000  }
0xcd: {  	[sflag:s12] =	ssyncset.done $0x0  }
0xce: {  	[sflag:s12] =	ssyncadd.s32 $0xFFFFC000  }
0xcf: {  	[tilespmem:s2], [sflag:$0x6] =	stream.linear.gather [hbm4b:s26+s4], $0x80, $0x38;
	[tilespmem:$0x1EB00] =	vst v63  }
0xd0: {  	s24 =	sadd.s32 $0x1C280, s7  }
0xd1: {  	[spmem:s3] =	stream.indirect.scatter.add.f32 [tilespmem:s8], [sflag:$0x4], $0x80, s24, s6, $0xb8;
	[tilespmem:$0x1EB00] =	vst v63  }
0xd2: {  	_ =	swait.ge [sflag:s14], $0x4000  }
0xd3: {  	[sflag:s14] =	ssyncset.done $0x0  }
0xd4: {  	[sflag:s14] =	ssyncadd.s32 $0xFFFFC000  }
0xd5: {  	_ =	swait.ge [sflag:s15], $0x80  }
0xd6: {  	[sflag:s15] =	ssyncset.done $0x0  }
0xd7: {  	[sflag:s15] =	ssyncadd.s32 $0xFFFFFF80  }
0xd8: {  	[tilespmem:s31], [sflag:$0x1] =	stream.indirect.gather [hbm4b:s5+s6], $0x80, s9, s6, $0xb8;
	[tilespmem:$0x1EB00] =	vst v63  }
0xd9: {  	_ =	swait.ge [sflag:s16], $0x4000  }
0xda: {  	[sflag:s16] =	ssyncset.done $0x0  }
0xdb: {  	[sflag:s16] =	ssyncadd.s32 $0xFFFFC000  }
0xdc: {  	_ =	swait.ge [sflag:s17], $0x80  }
0xdd: {  	[sflag:s17] =	ssyncset.done $0x0  }
0xde: {  	[sflag:s17] =	ssyncadd.s32 $0xFFFFFF80  }
0xdf: {  	[tilespmem:s8], [sflag:$0x2] =	stream.indirect.gather [hbm4b:s5+s6], $0x80, s10, s6, $0xb8;
	[tilespmem:$0x1EB00] =	vst v63  }
0xe0: {  	_ =	swait.ge [sflag:s11], $0x4000  }
0xe1: {  	[sflag:s11] =	ssyncset.done $0x0  }
0xe2: {  	[sflag:s11] =	ssyncadd.s32 $0xFFFFC000  }
0xe3: {  	[tilespmem:s9], [sflag:$0x7] =	stream.linear.gather [hbm4b:s23+s4], $0x80, $0x38;
	[tilespmem:$0x1EB00] =	vst v63  }
0xe4: {  	s24 =	sadd.s32 $0x1C300, s7  }
0xe5: {  	[spmem:s3] =	stream.indirect.scatter.add.f32 [tilespmem:s31], [sflag:$0x3], $0x80, s24, s6, $0xb8;
	[tilespmem:$0x1EB00] =	vst v63  }
0xe6: {  	_ =	swait.ge [sflag:s12], $0x4000  }
0xe7: {  	[sflag:s12] =	ssyncset.done $0x0  }
0xe8: {  	[sflag:s12] =	ssyncadd.s32 $0xFFFFC000  }
0xe9: {  	[tilespmem:s10], [sflag:$0x8] =	stream.linear.gather [hbm4b:s22+s4], $0x80, $0x38;
	[tilespmem:$0x1EB00] =	vst v63  }
0xea: {  	s7 =	sadd.s32 $0x1C380, s7  }
0xeb: {  	[spmem:s3] =	stream.indirect.scatter.add.f32 [tilespmem:s8], [sflag:$0x4], $0x80, s7, s6, $0xb8;
	[tilespmem:$0x1EB00] =	vst v63  }
0xec: {  	_ =	swait.ge [sflag:s14], $0x4000  }
0xed: {  	[sflag:s14] =	ssyncset.done $0x0  }
0xee: {  	[sflag:s14] =	ssyncadd.s32 $0xFFFFC000  }
0xef: {  	_ =	swait.ge [sflag:s18], $0x80  }
0xf0: {  	[sflag:s18] =	ssyncset.done $0x0  }
0xf1: {  	[sflag:s18] =	ssyncadd.s32 $0xFFFFFF80  }
0xf2: {  	[tilespmem:s31], [sflag:$0x1] =	stream.indirect.gather [hbm4b:s5+s6], $0x80, s1, s6, $0xb8;
	[tilespmem:$0x1EB00] =	vst v63  }
0xf3: {  	_ =	swait.ge [sflag:s16], $0x4000  }
.Ltmp3:
0xf4: {  	[sflag:s16] =	ssyncset.done $0x0;
	(pc) =	sbr.rel @p0 .LBB2_8-.Ltmp3, $4  }
0xf5: {  	[sflag:s16] =	ssyncadd.s32 $0xFFFFC000  }
0xf6: {  	_ =	swait.ge [sflag:s19], $0x80  }
0xf7: {  	s29 =	sadd.s32 $0x200, s29;
	s26 =	sadd.s32 $0x80, s26;
	[sflag:s19] =	ssyncset.done $0x0  }
0xf8: {  	s23 =	sadd.s32 $0x80, s23;
	s22 =	sadd.s32 $0x80, s22;
	[sflag:s19] =	ssyncadd.s32 $0xFFFFFF80  }
0xf9: {  	[tilespmem:s8], [sflag:$0x2] =	stream.indirect.gather [hbm4b:s5+s6], $0x80, s2, s6, $0xb8;
	[tilespmem:$0x1EB00] =	vst v63  }
0xfa: {  	_ =	swait.ge [sflag:s11], $0x4000  }
0xfb: {  	[sflag:s11] =	ssyncset.done $0x0  }
0xfc: {  	s7 =	rddreg [dreg:$0xe];
	[sflag:s11] =	ssyncadd.s32 $0xFFFFC000  }
0xfd: {  	[tilespmem:s1], [sflag:$0x5] =	stream.linear.gather [hbm4b:s7+s4], $0x80, $0x38;
	[tilespmem:$0x1EB00] =	vst v63  }
0xfe: {  	s26 =	simm.s32 $0x1E600  }
0xff: {  	[spmem:s3] =	stream.indirect.scatter.add.f32 [tilespmem:s31], [sflag:$0x3], $0x80, s26, s6, $0xb8;
	[tilespmem:$0x1EB00] =	vst v63  }
0x100: {  	_ =	swait.ge [sflag:s12], $0x4000  }
0x101: {  	[sflag:s12] =	ssyncset.done $0x0  }
0x102: {  	s13 =	rddreg [dreg:$0xf];
	[sflag:s12] =	ssyncadd.s32 $0xFFFFC000  }
0x103: {  	[tilespmem:s2], [sflag:$0x6] =	stream.linear.gather [hbm4b:s13+s4], $0x80, $0x38;
	[tilespmem:$0x1EB00] =	vst v63  }
0x104: {  	s22 =	simm.s32 $0x1E680  }
0x105: {  	[spmem:s3] =	stream.indirect.scatter.add.f32 [tilespmem:s8], [sflag:$0x4], $0x80, s22, s6, $0xb8;
	[tilespmem:$0x1EB00] =	vst v63  }
0x106: {  	_ =	swait.ge [sflag:s14], $0x4000  }
0x107: {  	[sflag:s14] =	ssyncset.done $0x0  }
0x108: {  	[sflag:s14] =	ssyncadd.s32 $0xFFFFC000  }
0x109: {  	_ =	swait.ge [sflag:s15], $0x80  }
0x10a: {  	[sflag:s15] =	ssyncset.done $0x0  }
0x10b: {  	[sflag:s15] =	ssyncadd.s32 $0xFFFFFF80  }
0x10c: {  	[tilespmem:s31], [sflag:$0x1] =	stream.indirect.gather [hbm4b:s5+s6], $0x80, s9, s6, $0xb8;
	[tilespmem:$0x1EB00] =	vst v63  }
0x10d: {  	_ =	swait.ge [sflag:s16], $0x4000  }
0x10e: {  	[sflag:s16] =	ssyncset.done $0x0  }
0x10f: {  	[sflag:s16] =	ssyncadd.s32 $0xFFFFC000  }
0x110: {  	_ =	swait.ge [sflag:s17], $0x80  }
0x111: {  	[sflag:s17] =	ssyncset.done $0x0  }
0x112: {  	[sflag:s17] =	ssyncadd.s32 $0xFFFFFF80  }
0x113: {  	[tilespmem:s8], [sflag:$0x2] =	stream.indirect.gather [hbm4b:s5+s6], $0x80, s10, s6, $0xb8;
	[tilespmem:$0x1EB00] =	vst v63  }
0x114: {  	_ =	swait.ge [sflag:s11], $0x4000  }
0x115: {  	[sflag:s11] =	ssyncset.done $0x0  }
0x116: {  	s23 =	simm.s32 $0x1E700;
	[sflag:s11] =	ssyncadd.s32 $0xFFFFC000  }
0x117: {  	[spmem:s3] =	stream.indirect.scatter.add.f32 [tilespmem:s31], [sflag:$0x3], $0x80, s23, s6, $0xb8;
	[tilespmem:$0x1EB00] =	vst v63  }
0x118: {  	_ =	swait.ge [sflag:s12], $0x4000  }
0x119: {  	[sflag:s12] =	ssyncset.done $0x0  }
0x11a: {  	s24 =	simm.s32 $0x1E780;
	[sflag:s12] =	ssyncadd.s32 $0xFFFFC000  }
0x11b: {  	[spmem:s3] =	stream.indirect.scatter.add.f32 [tilespmem:s8], [sflag:$0x4], $0x80, s24, s6, $0xb8;
	[tilespmem:$0x1EB00] =	vst v63  }
0x11c: {  	_ =	swait.ge [sflag:s14], $0x4000  }
0x11d: {  	[sflag:s14] =	ssyncset.done $0x0  }
0x11e: {  	[sflag:s14] =	ssyncadd.s32 $0xFFFFC000  }
0x11f: {  	_ =	swait.ge [sflag:s18], $0x80  }
0x120: {  	[sflag:s18] =	ssyncset.done $0x0  }
0x121: {  	[sflag:s18] =	ssyncadd.s32 $0xFFFFFF80  }
0x122: {  	[tilespmem:s31], [sflag:$0x1] =	stream.indirect.gather [hbm4b:s5+s6], $0x80, s1, s6, $0xb8;
	[tilespmem:$0x1EB00] =	vst v63  }
0x123: {  	_ =	swait.ge [sflag:s16], $0x4000  }
0x124: {  	[sflag:s16] =	ssyncset.done $0x0  }
0x125: {  	[sflag:s16] =	ssyncadd.s32 $0xFFFFC000  }
0x126: {  	_ =	swait.ge [sflag:s19], $0x80  }
0x127: {  	[sflag:s19] =	ssyncset.done $0x0  }
0x128: {  	[sflag:s19] =	ssyncadd.s32 $0xFFFFFF80  }
0x129: {  	[tilespmem:s8], [sflag:$0x2] =	stream.indirect.gather [hbm4b:s5+s6], $0x80, s2, s6, $0xb8;
	[tilespmem:$0x1EB00] =	vst v63  }
0x12a: {  	_ =	swait.ge [sflag:s11], $0x4000  }
0x12b: {  	[sflag:s11] =	ssyncset.done $0x0  }
0x12c: {  	s26 =	simm.s32 $0x1E800;
	[sflag:s11] =	ssyncadd.s32 $0xFFFFC000  }
0x12d: {  	[spmem:s3] =	stream.indirect.scatter.add.f32 [tilespmem:s31], [sflag:$0x3], $0x80, s26, s6, $0xb8;
	[tilespmem:$0x1EB00] =	vst v63  }
0x12e: {  	_ =	swait.ge [sflag:s12], $0x4000  }
0x12f: {  	[sflag:s12] =	ssyncset.done $0x0  }
0x130: {  	s13 =	simm.s32 $0x1E880;
	[sflag:s12] =	ssyncadd.s32 $0xFFFFC000  }
0x131: {  	[spmem:s3] =	stream.indirect.scatter.add.f32 [tilespmem:s8], [sflag:$0x4], $0x80, s13, s6, $0xb8;
	[tilespmem:$0x1EB00] =	vst v63  }
0x132: {  	_ =	swait.ge [sflag:s14], $0x4000  }
0x133: {  	[sflag:s14] =	ssyncset.done $0x0  }
0x134: {  	s29 =	simm.s32 $0x1EA00;
	[sflag:s14] =	ssyncadd.s32 $0xFFFFC000  }
0x135: {  	[tilespmem:s31], [sflag:$0x1] =	stream.indirect.gather [hbm4b:s5+s6], $0x80, s29, s6, $0xb8;
	[tilespmem:$0x1EB00] =	vst v63  }
0x136: {  	_ =	swait.ge [sflag:s16], $0x4000  }
0x137: {  	[sflag:s16] =	ssyncset.done $0x0  }
0x138: {  	s22 =	simm.s32 $0x1EA80;
	[sflag:s16] =	ssyncadd.s32 $0xFFFFC000  }
0x139: {  	[tilespmem:s8], [sflag:$0x2] =	stream.indirect.gather [hbm4b:s5+s6], $0x80, s22, s6, $0xb8;
	[tilespmem:$0x1EB00] =	vst v63  }
0x13a: {  	_ =	swait.ge [sflag:s11], $0x4000  }
0x13b: {  	[sflag:s11] =	ssyncset.done $0x0  }
0x13c: {  	s26 =	simm.s32 $0x1E900;
	[sflag:s11] =	ssyncadd.s32 $0xFFFFC000  }
0x13d: {  	[spmem:s3] =	stream.indirect.scatter.add.f32 [tilespmem:s31], [sflag:$0x3], $0x80, s26, s6, $0xb8;
	[tilespmem:$0x1EB00] =	vst v63  }
0x13e: {  	_ =	swait.ge [sflag:s12], $0x4000  }
0x13f: {  	[sflag:s12] =	ssyncset.done $0x0  }
0x140: {  	s23 =	simm.s32 $0x1E980;
	[sflag:s12] =	ssyncadd.s32 $0xFFFFC000  }
0x141: {  	[spmem:s3] =	stream.indirect.scatter.add.f32 [tilespmem:s8], [sflag:$0x4], $0x80, s23, s6, $0xb8;
	[tilespmem:$0x1EB00] =	vst v63  }
0x142: {  	_ =	swait.ge [sflag:s14], $0x4000  }
0x143: {  	[sflag:s14] =	ssyncset.done $0x0  }
0x144: {  	[sflag:s14] =	ssyncadd.s32 $0xFFFFC000  }
0x145: {  	_ =	swait.ge [sflag:s16], $0x4000  }
0x146: {  	[sflag:s16] =	ssyncset.done $0x0  }
0x147: {  	s24 =	stileid.u32;
	[sflag:s16] =	ssyncadd.s32 $0xFFFFC000  }
0x148: {  	s7 =	sshll.u32 s24, $0x6;
	[bflag:$0x0] =	sbarrier.arrive $0xFFFF  }
0x149: {  	s7 =	sor.u32 $0x1C0A, s7;
	s13 =	sshrl.u32 s25, $0x3;
	s22 =	rddreg [dreg:$0x10]  }
0x14a: {  	[hbm:s22], [sflag:s7] =	dma.local [spmem:s13], $0x2800  }
0x14b: {  	_ =	swait.ge [sflag:s28], $0x2800  }
0x14c: {  	s20 =	sadd.s32 $0x1, s20;
	s24 =	smov.u32 s25;
	s25 =	rddreg [dreg:$0x11]  }
0x14d: {  	p0 =	sne.s32 s20, s25  }
.Ltmp4:
0x14e: {  	_ = 	snop;
	(pc) =	sbr.rel @p0 .LBB2_1-.Ltmp4, $3  }
0x14f: {  	_ =	sdelay $0x1  }
0x150: {  	[sflag:s28] =	ssyncset.done $0x0  }
0x151: {  	[sflag:s28] =	ssyncadd.s32 $0xFFFFD800  }
0x152: {  	_ =	sfence.sel $0x180000  }
0x153: {  	[bflag:$0x0] =	sbarrier.arrive $0xFFFF  }
0x154: {  	_ =	strace $0x9000004A  }
0x155: {  	s0 =	stileid.u32;
	[bflag:$0x2] =	sbarrier.arrive $0xFFFF  }
0x156: {  	p0 =	sne.s32 s0, $0x0;
	s0 =	rddreg [dreg:$0x3]  }
0x157: {  	s0 =	sadd.s32 @!p0 $0x100000, s0  }
0x158: {  	[sflag:s0] =	ssyncadd.tile.s32 @!p0 $0x1;
	_ =	shalt  }
.Lfunc_end2:
_tile_overlayer_lowered:
.L_overlay_start_2:
0x159: {  	(tag) =	ssettag $0x2  }
0x15a: {  	s0 =	rddreg [dreg:$0x0];
	s2 =	stileid.u32  }
0x15b: {  	s1 =	rddreg [dreg:$0x1];
	p0 =	sne.s32 s2, $0x0  }
0x15c: {  	s3 =	rddreg [dreg:$0x2];
	[bflag:$0x3] =	sbarrier.arrive $0xFFFF;
	s2 =	simm.s32 @!p0 $0x1C0A  }
0x15d: {  	[timem:s3], [sflag:s2] =	dma.local @!p0 [hbm:s0], s1  }
0x15e: {  	s0 =	simm.s32 @!p0 $0xA  }
0x15f: {  	_ =	swait.ge @!p0 [sflag:s0], s1  }
0x160: {  	s1 =	ssub.s32 @!p0 $0x0, s1;
	[sflag:s0] =	ssyncset.done @!p0 $0x0  }
0x161: {  	[sflag:s0] =	ssyncadd.s32 @!p0 s1  }
0x162: {  	[bflag:$0x3] =	sbarrier.arrive $0xFFFF  }
0x163: {  	_ =	shalt  }

// kernel: kernel.14.cloned.1.call-start
scs
__scs_entry_jumppad:
0x0: {  	(pc) =	sbr.rel $0x88, $3  }
0x1: {  	(tag) =	ssettag $0x0;
	lr =	simm.s32 $0x1  }
0x2: {  	[smem:$0x3F9A] =	sst lr;
	_ =	strace $0xD0000000  }
0x3: {  	_ = 	snop  }
0x4: {  	_ = 	snop  }
0x5: {  	_ = 	snop  }
0x6: {  	_ = 	snop  }
0x7: {  	_ = 	snop  }
__scs_overlays_trampoline_lowered:
0x8: {  	[smem:$0x3FA9] =	sst s0  }
0x9: {  	[smem:$0x3FAA] =	sst s1  }
0xa: {  	[smem:$0x3FAB] =	sst s2  }
0xb: {  	[smem:$0x3FAC] =	sst s3  }
0xc: {  	[smem:$0x3FAD] =	sst s4  }
0xd: {  	[smem:$0x3FAE] =	sst s5  }
0xe: {  	[smem:$0x3FAF] =	sst s6  }
0xf: {  	[smem:$0x3FB0] =	sst s7  }
0x10: {  	[smem:$0x3FB1] =	sst s8  }
0x11: {  	[smem:$0x3FB2] =	sst s9;
	s0 =	simm.s32 @!p0 $0x0  }
0x12: {  	s1 =	sld [smem:$0x3F98];
	s0 =	simm.s32 @p0 $0x1  }
0x13: {  	[smem:$0x3FB3] =	sst s0;
	s0 =	simm.s32 @!p1 $0x0  }
0x14: {  	s2 =	sld [smem:$0x3F97];
	s0 =	simm.s32 @p1 $0x1  }
0x15: {  	[smem:$0x3FB4] =	sst s0;
	s0 =	simm.s32 @!p2 $0x0  }
0x16: {  	s3 =	sld [smem:$0x3FDB];
	s0 =	simm.s32 @p2 $0x1  }
0x17: {  	s4 =	simm.s32 $0x1BF5;
	[smem:$0x3FB6] =	sst s0  }
0x18: {  	s0 =	sld [smem:$0x3F99];
	_ =	swait.ge [sflag:s4], $0x0  }
0x19: {  	s7 =	sld [smem:$0x3F9A]  }
0x1a: {  	s8 =	sadd.s32 $0xFFFFE003, lr  }
0x1b: {  	s9 =	sadd.s32 $0xFFFFFEF7, lr;
	s5 =	simm.s32 $0xFFFFFFFF;
	p2 =	slt.u32 s8, $0xFFFFF086  }
0x1c: {  	p1 =	slt.u32 s9, $0xF7A;
	s5 =	simm.s32 @!p2 $0x0  }
0x1d: {  	s5 =	simm.s32 @p1 $0x1;
	p0 =	seq.s32 s7, s2  }
0x1e: {  	s7 =	smul.u32 @!p0 $0xF7A, s2;
	p2 =	seq.s32 @!p0 s5, $0x0  }
0x1f: {  	s9 =	smul.u32 $0xF7A, s1;
	s8 =	simm.s32 @!p0 $0x1BF5;
	p2 =	por !p2, p0  }
0x20: {  	[sflag:s8] =	ssyncset.s32 @!p0 $0xFFFFF086;
	s6 =	sadd.s32 @!p0 s3, s7;
	s7 =	simm.s32 @!p0 $0x108  }
0x21: {  	s3 =	sadd.s32 s3, s9;
	s6 =	sadd.s32 @!p0 $0x88, s6;
	s7 =	simm.s32 @p2 $0x1082  }
0x22: {  	[simem:s7], [sflag:s8] =	dma.local @!p0 [hbm:s6], $0xF7A  }
0x23: {  	s9 =	sor.u32 $0xD0000000, s2;
	s6 =	simm.s32 $0x108;
	_ =	swait.ge @!p0 [sflag:s8], $0x0  }
0x24: {  	s3 =	sadd.s32 $0x88, s3;
	s6 =	simm.s32 @!p1 $0x1082;
	[sflag:s4] =	ssyncset.s32 $0xFFFFF086  }
0x25: {  	[simem:s6], [sflag:s4] =	dma.local [hbm:s3], $0xF7A  }
0x26: {  	[smem:$0x3F9A] =	sst s1;
	(tag) =	ssettag s2;
	_ =	strace s9  }
0x27: {  	s1 =	sld [smem:$0x3FAA]  }
0x28: {  	s2 =	sld [smem:$0x3FAB]  }
0x29: {  	s4 =	sld [smem:$0x3FAD]  }
0x2a: {  	p0 =	seq.s32 s5, $0x0;
	s5 =	sld [smem:$0x3FAE]  }
0x2b: {  	s6 =	sld [smem:$0x3FAF]  }
0x2c: {  	s7 =	sld [smem:$0x3FB0]  }
0x2d: {  	s3 =	simm.s32 $0x108;
	s8 =	sld [smem:$0x3FB1]  }
0x2e: {  	s3 =	simm.s32 @!p0 $0x1082;
	s9 =	sld [smem:$0x3FB2]  }
0x2f: {  	lr =	sadd.s32 s0, s3;
	s0 =	sld [smem:$0x3FA9]  }
0x30: {  	s3 =	sld [smem:$0x3FAC]  }
0x31: {  	[smem:$0x3FB5] =	sst s10  }
0x32: {  	s10 =	sld [smem:$0x3FB3];
	_ =	sdelay $0x3  }
0x33: {  	p0 =	seq.s32 s10, $0x1;
	s10 =	sld [smem:$0x3FB5];
	_ =	sdelay $0x3  }
0x34: {  	[smem:$0x3FB5] =	sst s10  }
0x35: {  	s10 =	sld [smem:$0x3FB4];
	_ =	sdelay $0x3  }
0x36: {  	p1 =	seq.s32 s10, $0x1;
	s10 =	sld [smem:$0x3FB5];
	_ =	sdelay $0x3  }
0x37: {  	[smem:$0x3FB5] =	sst s10  }
0x38: {  	s10 =	sld [smem:$0x3FB6]  }
0x39: {  	_ = 	snop;
	(pc) =	sbr.ind lr, $3  }
0x3a: {  	_ = 	snop  }
0x3b: {  	_ = 	snop  }
0x3c: {  	p2 =	seq.s32 s10, $0x1;
	s10 =	sld [smem:$0x3FB5]  }
0x3d: {  	_ =	shalt  }
0x3e: {  	_ =	shalt  }
0x3f: {  	_ =	shalt  }
0x40: {  	_ =	shalt  }
0x41: {  	_ =	shalt  }
0x42: {  	_ =	shalt  }
0x43: {  	_ =	shalt  }
0x44: {  	_ =	shalt  }
0x45: {  	_ =	shalt  }
0x46: {  	_ =	shalt  }
0x47: {  	_ =	shalt  }
0x48: {  	_ =	shalt  }
0x49: {  	_ =	shalt  }
0x4a: {  	_ =	shalt  }
0x4b: {  	_ =	shalt  }
0x4c: {  	_ =	shalt  }
0x4d: {  	_ =	shalt  }
0x4e: {  	_ =	shalt  }
0x4f: {  	_ =	shalt  }
0x50: {  	_ =	shalt  }
0x51: {  	_ =	shalt  }
0x52: {  	_ =	shalt  }
0x53: {  	_ =	shalt  }
0x54: {  	_ =	shalt  }
0x55: {  	_ =	shalt  }
0x56: {  	_ =	shalt  }
0x57: {  	_ =	shalt  }
0x58: {  	_ =	shalt  }
0x59: {  	_ =	shalt  }
0x5a: {  	_ =	shalt  }
0x5b: {  	_ =	shalt  }
0x5c: {  	_ =	shalt  }
0x5d: {  	_ =	shalt  }
0x5e: {  	_ =	shalt  }
0x5f: {  	_ =	shalt  }
0x60: {  	_ =	shalt  }
0x61: {  	_ =	shalt  }
0x62: {  	_ =	shalt  }
0x63: {  	_ =	shalt  }
0x64: {  	_ =	shalt  }
0x65: {  	_ =	shalt  }
0x66: {  	_ =	shalt  }
0x67: {  	_ =	shalt  }
0x68: {  	_ =	shalt  }
0x69: {  	_ =	shalt  }
0x6a: {  	_ =	shalt  }
0x6b: {  	_ =	shalt  }
0x6c: {  	_ =	shalt  }
0x6d: {  	_ =	shalt  }
0x6e: {  	_ =	shalt  }
0x6f: {  	_ =	shalt  }
0x70: {  	_ =	shalt  }
0x71: {  	_ =	shalt  }
0x72: {  	_ =	shalt  }
0x73: {  	_ =	shalt  }
0x74: {  	_ =	shalt  }
0x75: {  	_ =	shalt  }
0x76: {  	_ =	shalt  }
0x77: {  	_ =	shalt  }
0x78: {  	_ =	shalt  }
0x79: {  	_ =	shalt  }
0x7a: {  	_ =	shalt  }
0x7b: {  	_ =	shalt  }
0x7c: {  	_ =	shalt  }
0x7d: {  	_ =	shalt  }
0x7e: {  	_ =	shalt  }
0x7f: {  	_ =	shalt  }
0x80: {  	_ =	shalt  }
0x81: {  	_ =	shalt  }
0x82: {  	_ =	shalt  }
0x83: {  	_ =	shalt  }
0x84: {  	_ =	shalt  }
0x85: {  	_ =	shalt  }
0x86: {  	_ =	shalt  }
0x87: {  	_ =	shalt  }
.Lfunc_end0:
.L_simem_size_0:
called_computation.2_lowered:
.L_overlay_start_0:
0x88: {  	s2 =	sld [smem:$0x3FD9]  }
0x89: {  	s3 =	sld [smem:$0x3FFE];
	_ =	sdelay $0x1  }
0x8a: {  	s1 =	srdreg.scid  }
0x8b: {  	s0 =	sand.u32 $0x1, s1  }
0x8c: {  	s17 =	sshll.u32 s0, $0xA;
	s2 =	sadd.s32 s3, s2  }
0x8d: {  	s2 =	sadd.s32 s2, s17  }
0x8e: {  	[smem:$0x3FC1] =	sst s2  }
0x8f: {  	_ = 	snop  }
0x90: {  	s2 =	sld [smem:$0x3FC9]  }
0x91: {  	s18 =	sld [smem:$0x3FD0];
	(tm) =	ssettm $0x1  }
0x92: {  	s4 =	sld [smem:$0x3FFB];
	_ =	sdelay $0x3  }
0x93: {  	_ =	strace s4  }
0x94: {  	s4 =	sld [smem:$0x3FFC];
	_ =	sdelay $0x3  }
0x95: {  	_ =	strace s4  }
0x96: {  	s4 =	sld [smem:$0x3FFD];
	_ =	sdelay $0x3  }
0x97: {  	_ =	strace s4  }
0x98: {  	_ =	strace $0x8FFFFFFF  }
0x99: {  	s19 =	sld [smem:$0x3FDB];
	_ =	sdelay $0x1  }
0x9a: {  	s5 =	simm.s32 $_scs_section_size  }
0x9b: {  	s6 =	simm.s32 $_size__tile_overlayer_lowered;
	s7 =	simm.s32 $_tile_overlayer_lowered  }
0x9c: {  	s22 =	simm.s32 $0x1BFF;
	s21 =	sshll.u32 s7, $0x1;
	s4 =	sadd.s32 s5, s19  }
0x9d: {  	s8 =	simm.s32 $0x0;
	s20 =	sshll.u32 s6, $0x1;
	s6 =	sadd.s32 s21, s4  }
0x9e: {  	[timem:s8], [sflag:s22] =	dma.local [hbm:s6], s20  }
0x9f: {  	_ =	swait.ge [sflag:s22], s20  }
0xa0: {  	s5 =	ssub.s32 $0x0, s20;
	[sflag:s22] =	ssyncset.done $0x0  }
0xa1: {  	[sflag:s22] =	ssyncadd.s32 s5;
	_ =	sdelay $0x1  }
0xa2: {  	s23 =	simm.s32 $0x1B8B  }
0xa3: {  	_ =	swait.ge [sflag:s23], $0x1  }
0xa4: {  	[sflag:s23] =	ssyncset.done $0x0  }
0xa5: {  	s25 =	simm.s32 $0x1B8E;
	s24 =	sld [smem:$0x3FFE];
	[sflag:s23] =	ssyncadd.s32 $0xFFFFFFFF  }
0xa6: {  	s26 =	simm.s32 $execute0_lowered;
	[smem:$0x3FD2] =	sst s25  }
0xa7: {  	s6 =	sshll.u32 s26, $0x1;
	_ =	strace $0x8000004C;
	[dreg:$0x1] =	wrdreg $0xFFFFFFFF  }
0xa8: {  	s28 =	simm.s32 $_size_execute0_lowered;
	s4 =	sadd.s32 s4, s6;
	[dreg:$0x0] =	wrdreg $0x0  }
0xa9: {  	s6 =	sshll.u32 s28, $0x1;
	[dreg:$0x2] =	wrdreg s4  }
0xaa: {  	[dreg:$0x3] =	wrdreg s6  }
0xab: {  	[dreg:$0x4] =	wrdreg $0xC0  }
0xac: {  	_ =	task [dreg:s8], $0x5FFFF  }
0xad: {  	[dreg:$0x1] =	wrdreg $0xFFFFFFFF  }
0xae: {  	[dreg:$0x0] =	wrdreg $0x60  }
0xaf: {  	[dreg:$0x2] =	wrdreg s2  }
0xb0: {  	[dreg:$0x3] =	wrdreg s18  }
0xb1: {  	[dreg:$0x4] =	wrdreg s24  }
0xb2: {  	[dreg:$0x5] =	wrdreg $0x9  }
0xb3: {  	_ =	task.clear_ibuf [dreg:s8], $0x6FFFF;
	_ =	strace $0x9000004C  }
0xb4: {  	s29 =	simm.s32 $0x9;
	_ =	strace $0x8000004E  }
0xb5: {  	_ =	swait.ge [sflag:s29], $0x1  }
0xb6: {  	[sflag:s29] =	ssyncadd.s32 $0xFFFFFFFF  }
0xb7: {  	_ =	strace $0x9000004E  }
0xb8: {  	_ =	sfence  }
0xb9: {  	s30 =	sld [smem:$0x0];
	_ =	sdelay $0x2  }
0xba: {  	s31 =	sshll.u32 s1, $0xD;
	s1 =	sshrl.u32 s1, $0x2  }
0xbb: {  	s3 =	sand.u32 $0x4000, s31;
	s1 =	sadd.s32 s1, s30  }
0xbc: {  	s0 =	sor.u32 s3, s0;
	s1 =	sshll.u32 s1, $0x11  }
0xbd: {  	s0 =	sor.u32 s1, s0  }
0xbe: {  	s0 =	sadd.s32 $0x8F2B, s0  }
0xbf: {  	[sflag:s0] =	ssyncadd.remote.s32 $0x1  }
0xc0: {  	_ =	sfence.sel $0xFFFF  }
0xc1: {  	[dreg:$0x0] =	wrdreg $0xFFFFFFFF;
	(pc) =	sbr.abs _section_cstart, $3  }
0xc2: {  	[dreg:$0x1] =	wrdreg $0xFFFFFFFF  }
0xc3: {  	_ =	task.clear_ibuf [dreg:s8], $0x2FFFF;
	_ =	strace $0x9FFFFFFF  }
0xc4: {  	(tm) =	ssettm $0x7FFFFFFF  }
0xc5: {  	_ =	shalt  }
tec
execute0_lowered:
.L_overlay_start_1:
0x0: {  	(tag) =	ssettag $0x1  }
0x1: {  	s7 =	rddreg [dreg:$0x0]  }
0x2: {  	s2 =	rddreg [dreg:$0x1]  }
0x3: {  	s0 =	srdreg.scid;
	s8 =	rddreg [dreg:$0x2]  }
0x4: {  	s3 =	simm.s32 $0x0;
	s12 =	simm.s32 $0x5000;
	s13 =	simm.s32 $0x1  }
0x5: {  	s14 =	simm.s32 $0x7700;
	s15 =	simm.s32 $0x7800;
	s16 =	simm.s32 $0x9F00  }
0x6: {  	s17 =	simm.s32 $0x2800;
	s18 =	simm.s32 $0x400;
	s19 =	simm.s32 $0x0  }
0x7: {  	s4 =	sand.u32 $0x1, s0;
	s0 =	stileid.u32;
	[smem:$0x7FF] =	sst s3  }
0x8: {  	s1 =	sshll.u32 s4, $0x4;
	s24 =	sshll.u32 s0, $0x7;
	s4 =	ssub.s32 $0x2, s4  }
0x9: {  	s25 =	sshll.u32 s0, $0x4;
	s5 =	sor.u32 s0, s1;
	s9 =	sand.u32 $0x380, s24  }
0xa: {  	s1 =	sshrl.u32 s5, $0x3;
	s26 =	sshll.u32 s5, $0x5;
	s5 =	smul.u32 $0x9C0, s5  }
0xb: {  	s10 =	sshrl.u32 s4, $0x1;
	s11 =	sand.u32 $0x70, s25;
	s6 =	smul.u32 $0x14000, s1  }
0xc: {  	s28 =	ssub.s32 s4, s10;
	s10 =	simm.s32 $0x80;
	s1 =	rddreg [dreg:$0x3]  }
0xd: {  	v14 =	vlaneseq.u32;
	v15 =	vimm.f32 $0.0e+00;
	_ =	strace $0x8000004D;
	s6 =	sor.u32 s9, s6;
	s9 =	sand.u32 $0x300, s26  }
0xe: {  	v0 =	vor.u32 $0x2710, v14;
	v1 =	vor.u32 $0x2720, v14;
	v2 =	vor.u32 $0x2730, v14;
	s4 =	sadd.s32 s7, s5;
	s6 =	sshrl.u32 s6, $0x3;
	s11 =	sor.u32 s11, s9  }
0xf: {  	v3 =	vor.u32 $0x2740, v14;
	v4 =	vor.u32 $0x2750, v14;
	v5 =	vor.u32 $0x2760, v14;
	s8 =	sadd.s32 s6, s8;
	s6 =	sor.u32 s25, s9;
	s29 =	sshrl.u32 s11, $0x3  }
0x10: {  	v6 =	vor.u32 $0x2770, v14;
	v7 =	vor.u32 $0x2780, v14;
	v8 =	vor.u32 $0x2790, v14;
	s9 =	smax.u32 s28, $0x1;
	s11 =	simm.s32 $0x100;
	s6 =	sshrl.u32 s6, $0x3  }
0x11: {  	v9 =	vor.u32 $0x27A0, v14;
	v10 =	vor.u32 $0x27B0, v14;
	v11 =	vor.u32 $0x27C0, v14;
	s30 =	sadd.s32 s29, s7;
	s8 =	sadd.s32 $0x2800, s8;
	s31 =	sor.u32 $0x13810, s6  }
0x12: {  	v12 =	vor.u32 $0x27D0, v14;
	v13 =	vor.u32 $0x27E0, v14;
	v14 =	vor.u32 $0x27F0, v14;
	s5 =	sadd.s32 $0x13800, s30;
	s6 =	sadd.s32 $0x10, s4;
	s7 =	sadd.s32 s7, s31  }
.LBB2_1:
0x13: {  	[tilespmem:s12], [sflag:$0x1] =	stream.strided.gather [hbm4b:s4+s10], $0x2700, s11, s10, $0x38;
	[tilespmem:$0xA000] =	vst v63  }
0x14: {  	_ =	swait.ge [sflag:s13], $0x2700  }
0x15: {  	[sflag:s13] =	ssyncset.done $0x0  }
0x16: {  	[sflag:s13] =	ssyncadd.s32 $0xFFFFD900  }
0x17: {  	[tilespmem:s14], [sflag:$0x1] =	stream.linear.gather [hbm4b:s5+s3], $0x10, $0x38;
	[tilespmem:$0xA000] =	vst v63  }
0x18: {  	_ =	swait.ge [sflag:s13], $0x10  }
0x19: {  	[sflag:s13] =	ssyncset.done $0x0  }
0x1a: {  	[sflag:s13] =	ssyncadd.s32 $0xFFFFFFF0  }
0x1b: {  	[tilespmem:$0x7710] =	vst v0  }
0x1c: {  	[tilespmem:$0x7720] =	vst v1  }
0x1d: {  	[tilespmem:$0x7730] =	vst v2  }
0x1e: {  	[tilespmem:$0x7740] =	vst v3  }
0x1f: {  	[tilespmem:$0x7750] =	vst v4  }
0x20: {  	[tilespmem:$0x7760] =	vst v5  }
0x21: {  	[tilespmem:$0x7770] =	vst v6  }
0x22: {  	[tilespmem:$0x7780] =	vst v7  }
0x23: {  	[tilespmem:$0x7790] =	vst v8  }
0x24: {  	[tilespmem:$0x77A0] =	vst v9  }
0x25: {  	[tilespmem:$0x77B0] =	vst v10  }
0x26: {  	[tilespmem:$0x77C0] =	vst v11  }
0x27: {  	[tilespmem:$0x77D0] =	vst v12  }
0x28: {  	[tilespmem:$0x77E0] =	vst v13  }
0x29: {  	[tilespmem:$0x77F0] =	vst v14  }
0x2a: {  	[tilespmem:s15], [sflag:$0x1] =	stream.strided.gather [hbm4b:s6+s10], $0x2700, s11, s10, $0x38;
	[tilespmem:$0xA000] =	vst v63  }
0x2b: {  	_ =	swait.ge [sflag:s13], $0x2700  }
0x2c: {  	[sflag:s13] =	ssyncset.done $0x0  }
0x2d: {  	[sflag:s13] =	ssyncadd.s32 $0xFFFFD900  }
0x2e: {  	[tilespmem:s16], [sflag:$0x1] =	stream.linear.gather [hbm4b:s7+s3], $0x10, $0x38;
	[tilespmem:$0xA000] =	vst v63  }
0x2f: {  	_ =	swait.ge [sflag:s13], $0x10  }
0x30: {  	[sflag:s13] =	ssyncset.done $0x0  }
0x31: {  	[sflag:s13] =	ssyncadd.s32 $0xFFFFFFF0  }
0x32: {  	[tilespmem:$0x9F10] =	vst v0  }
0x33: {  	[tilespmem:$0x9F20] =	vst v1  }
0x34: {  	[tilespmem:$0x9F30] =	vst v2  }
0x35: {  	[tilespmem:$0x9F40] =	vst v3  }
0x36: {  	[tilespmem:$0x9F50] =	vst v4  }
0x37: {  	[tilespmem:$0x9F60] =	vst v5  }
0x38: {  	[tilespmem:$0x9F70] =	vst v6  }
0x39: {  	[tilespmem:$0x9F80] =	vst v7  }
0x3a: {  	[tilespmem:$0x9F90] =	vst v8  }
0x3b: {  	[tilespmem:$0x9FA0] =	vst v9  }
0x3c: {  	[tilespmem:$0x9FB0] =	vst v10  }
0x3d: {  	[tilespmem:$0x9FC0] =	vst v11  }
0x3e: {  	[tilespmem:$0x9FD0] =	vst v12  }
0x3f: {  	[tilespmem:$0x9FE0] =	vst v13  }
0x40: {  	[tilespmem:$0x9FF0] =	vst v14  }
0x41: {  	[tilespmem:s3], [sflag:$0x1] =	stream.linear.gather [hbm4b:s2+s3], $0x2800, $0x38;
	[tilespmem:$0xA000] =	vst v63  }
0x42: {  	_ =	swait.ge [sflag:s13], $0x2800  }
0x43: {  	[sflag:s13] =	ssyncset.done $0x0  }
0x44: {  	s20 =	simm.s32 $0x0;
	[sflag:s13] =	ssyncadd.s32 $0xFFFFD800  }
.LBB2_2:
0x45: {  	p0 =	sne.s32 s20, $0x9F00  }
.Ltmp0:
0x46: {  	s21 =	sshra.s32 s20, $0x2;
	(pc) =	sbr.rel @p0 .LBB2_2-.Ltmp0, $4  }
0x47: {  	[tilespmem:s21+$0x2800] =	vst v15  }
0x48: {  	[tilespmem:s21+$0x2810] =	vst v15  }
0x49: {  	[tilespmem:s21+$0x2820] =	vst v15  }
0x4a: {  	s20 =	sadd.s32 $0x100, s20;
	[tilespmem:s21+$0x2830] =	vst v15  }
0x4b: {  	s20 =	simm.s32 $0x0  }
.LBB2_4:
0x4c: {  	s21 =	sshra.s32 s20, $0x2  }
0x4d: {  	v16 =	vld [tilespmem:s21+$0x5000];
	_ =	sdelay $0x4  }
0x4e: {  	v17 =	vld [tilespmem:s21+$0x7800];
	_ =	sdelay $0x2  }
0x4f: {  	v16 =	vld.idx.msk [tilespmem:v16+s3+$0x0], $0xffff;
	_ =	sdelay $0x4  }
0x50: {  	[tilespmem:v17+s17+$0x0] =	vst.idx.add.f32.msk $0xffff, v16  }
0x51: {  	v16 =	vld [tilespmem:s21+$0x5010];
	_ =	sdelay $0x4  }
0x52: {  	v17 =	vld [tilespmem:s21+$0x7810];
	_ =	sdelay $0x2  }
0x53: {  	v16 =	vld.idx.msk [tilespmem:v16+s3+$0x0], $0xffff;
	_ =	sdelay $0x4  }
0x54: {  	[tilespmem:v17+s17+$0x0] =	vst.idx.add.f32.msk $0xffff, v16  }
0x55: {  	v16 =	vld [tilespmem:s21+$0x5020];
	_ =	sdelay $0x4  }
0x56: {  	v17 =	vld [tilespmem:s21+$0x7820];
	_ =	sdelay $0x2  }
0x57: {  	v16 =	vld.idx.msk [tilespmem:v16+s3+$0x0], $0xffff;
	_ =	sdelay $0x4  }
0x58: {  	[tilespmem:v17+s17+$0x0] =	vst.idx.add.f32.msk $0xffff, v16  }
0x59: {  	v16 =	vld [tilespmem:s21+$0x5030];
	_ =	sdelay $0x4  }
0x5a: {  	v17 =	vld [tilespmem:s21+$0x7830];
	_ =	sdelay $0x2  }
0x5b: {  	p0 =	sne.s32 s20, $0x9F00;
	v16 =	vld.idx.msk [tilespmem:v16+s3+$0x0], $0xffff  }
.Ltmp1:
0x5c: {  	_ = 	snop;
	(pc) =	sbr.rel @p0 .LBB2_4-.Ltmp1, $2  }
0x5d: {  	_ =	sdelay $0x2  }
0x5e: {  	s20 =	sadd.s32 $0x100, s20;
	[tilespmem:v17+s17+$0x0] =	vst.idx.add.f32.msk $0xffff, v16  }
0x5f: {  	s19 =	sadd.s32 $0x1, s19  }
0x60: {  	p0 =	sne.s32 s19, s9  }
.Ltmp2:
0x61: {  	_ = 	snop;
	(pc) =	sbr.rel @p0 .LBB2_1-.Ltmp2, $4  }
0x62: {  	[hbm4b:s8+s10] =	stream.strided.scatter [tilespmem:s17], [sflag:$0x1], $0x2800, s18, s10, $0x38;
	[tilespmem:$0xA000] =	vst v63  }
0x63: {  	_ =	swait.ge [sflag:s13], $0x2800  }
0x64: {  	[sflag:s13] =	ssyncset.done $0x0  }
0x65: {  	[sflag:s13] =	ssyncadd.s32 $0xFFFFD800  }
0x66: {  	_ =	sfence.sel $0x180000  }
0x67: {  	[bflag:$0x0] =	sbarrier.arrive $0xFFFF  }
0x68: {  	p0 =	sne.s32 s0, $0x0;
	_ =	strace $0x9000004D  }
0x69: {  	s0 =	sadd.s32 @!p0 $0x100000, s1;
	[bflag:$0x2] =	sbarrier.arrive $0xFFFF  }
0x6a: {  	[sflag:s0] =	ssyncadd.tile.s32 @!p0 $0x1;
	_ =	shalt  }
.Lfunc_end2:
_tile_overlayer_lowered:
.L_overlay_start_2:
0x6b: {  	(tag) =	ssettag $0x2  }
0x6c: {  	s0 =	rddreg [dreg:$0x0];
	s2 =	stileid.u32  }
0x6d: {  	s1 =	rddreg [dreg:$0x1];
	p0 =	sne.s32 s2, $0x0  }
0x6e: {  	s3 =	rddreg [dreg:$0x2];
	[bflag:$0x3] =	sbarrier.arrive $0xFFFF;
	s2 =	simm.s32 @!p0 $0x1C01  }
0x6f: {  	[timem:s3], [sflag:s2] =	dma.local @!p0 [hbm:s0], s1  }
0x70: {  	s0 =	simm.s32 @!p0 $0x1  }
0x71: {  	_ =	swait.ge @!p0 [sflag:s0], s1  }
0x72: {  	s1 =	ssub.s32 @!p0 $0x0, s1;
	[sflag:s0] =	ssyncset.done @!p0 $0x0  }
0x73: {  	[sflag:s0] =	ssyncadd.s32 @!p0 s1  }
0x74: {  	[bflag:$0x3] =	sbarrier.arrive $0xFFFF  }
0x75: {  	_ =	shalt  }

// kernel: kernel.8.cloned.1.call-start
scs
__scs_entry_jumppad:
0x0: {  	(pc) =	sbr.rel $0x88, $3  }
0x1: {  	(tag) =	ssettag $0x0;
	lr =	simm.s32 $0x1  }
0x2: {  	[smem:$0x3F9A] =	sst lr;
	_ =	strace $0xD0000000  }
0x3: {  	_ = 	snop  }
0x4: {  	_ = 	snop  }
0x5: {  	_ = 	snop  }
0x6: {  	_ = 	snop  }
0x7: {  	_ = 	snop  }
__scs_overlays_trampoline_lowered:
0x8: {  	[smem:$0x3FA9] =	sst s0  }
0x9: {  	[smem:$0x3FAA] =	sst s1  }
0xa: {  	[smem:$0x3FAB] =	sst s2  }
0xb: {  	[smem:$0x3FAC] =	sst s3  }
0xc: {  	[smem:$0x3FAD] =	sst s4  }
0xd: {  	[smem:$0x3FAE] =	sst s5  }
0xe: {  	[smem:$0x3FAF] =	sst s6  }
0xf: {  	[smem:$0x3FB0] =	sst s7  }
0x10: {  	[smem:$0x3FB1] =	sst s8  }
0x11: {  	[smem:$0x3FB2] =	sst s9;
	s0 =	simm.s32 @!p0 $0x0  }
0x12: {  	s1 =	sld [smem:$0x3F98];
	s0 =	simm.s32 @p0 $0x1  }
0x13: {  	[smem:$0x3FB3] =	sst s0;
	s0 =	simm.s32 @!p1 $0x0  }
0x14: {  	s2 =	sld [smem:$0x3F97];
	s0 =	simm.s32 @p1 $0x1  }
0x15: {  	[smem:$0x3FB4] =	sst s0;
	s0 =	simm.s32 @!p2 $0x0  }
0x16: {  	s3 =	sld [smem:$0x3FDB];
	s0 =	simm.s32 @p2 $0x1  }
0x17: {  	s4 =	simm.s32 $0x1BF5;
	[smem:$0x3FB6] =	sst s0  }
0x18: {  	s0 =	sld [smem:$0x3F99];
	_ =	swait.ge [sflag:s4], $0x0  }
0x19: {  	s7 =	sld [smem:$0x3F9A]  }
0x1a: {  	s8 =	sadd.s32 $0xFFFFE003, lr  }
0x1b: {  	s9 =	sadd.s32 $0xFFFFFEF7, lr;
	s5 =	simm.s32 $0xFFFFFFFF;
	p2 =	slt.u32 s8, $0xFFFFF086  }
0x1c: {  	p1 =	slt.u32 s9, $0xF7A;
	s5 =	simm.s32 @!p2 $0x0  }
0x1d: {  	s5 =	simm.s32 @p1 $0x1;
	p0 =	seq.s32 s7, s2  }
0x1e: {  	s7 =	smul.u32 @!p0 $0xF7A, s2;
	p2 =	seq.s32 @!p0 s5, $0x0  }
0x1f: {  	s9 =	smul.u32 $0xF7A, s1;
	s8 =	simm.s32 @!p0 $0x1BF5;
	p2 =	por !p2, p0  }
0x20: {  	[sflag:s8] =	ssyncset.s32 @!p0 $0xFFFFF086;
	s6 =	sadd.s32 @!p0 s3, s7;
	s7 =	simm.s32 @!p0 $0x108  }
0x21: {  	s3 =	sadd.s32 s3, s9;
	s6 =	sadd.s32 @!p0 $0x88, s6;
	s7 =	simm.s32 @p2 $0x1082  }
0x22: {  	[simem:s7], [sflag:s8] =	dma.local @!p0 [hbm:s6], $0xF7A  }
0x23: {  	s9 =	sor.u32 $0xD0000000, s2;
	s6 =	simm.s32 $0x108;
	_ =	swait.ge @!p0 [sflag:s8], $0x0  }
0x24: {  	s3 =	sadd.s32 $0x88, s3;
	s6 =	simm.s32 @!p1 $0x1082;
	[sflag:s4] =	ssyncset.s32 $0xFFFFF086  }
0x25: {  	[simem:s6], [sflag:s4] =	dma.local [hbm:s3], $0xF7A  }
0x26: {  	[smem:$0x3F9A] =	sst s1;
	(tag) =	ssettag s2;
	_ =	strace s9  }
0x27: {  	s1 =	sld [smem:$0x3FAA]  }
0x28: {  	s2 =	sld [smem:$0x3FAB]  }
0x29: {  	s4 =	sld [smem:$0x3FAD]  }
0x2a: {  	p0 =	seq.s32 s5, $0x0;
	s5 =	sld [smem:$0x3FAE]  }
0x2b: {  	s6 =	sld [smem:$0x3FAF]  }
0x2c: {  	s7 =	sld [smem:$0x3FB0]  }
0x2d: {  	s3 =	simm.s32 $0x108;
	s8 =	sld [smem:$0x3FB1]  }
0x2e: {  	s3 =	simm.s32 @!p0 $0x1082;
	s9 =	sld [smem:$0x3FB2]  }
0x2f: {  	lr =	sadd.s32 s0, s3;
	s0 =	sld [smem:$0x3FA9]  }
0x30: {  	s3 =	sld [smem:$0x3FAC]  }
0x31: {  	[smem:$0x3FB5] =	sst s10  }
0x32: {  	s10 =	sld [smem:$0x3FB3];
	_ =	sdelay $0x3  }
0x33: {  	p0 =	seq.s32 s10, $0x1;
	s10 =	sld [smem:$0x3FB5];
	_ =	sdelay $0x3  }
0x34: {  	[smem:$0x3FB5] =	sst s10  }
0x35: {  	s10 =	sld [smem:$0x3FB4];
	_ =	sdelay $0x3  }
0x36: {  	p1 =	seq.s32 s10, $0x1;
	s10 =	sld [smem:$0x3FB5];
	_ =	sdelay $0x3  }
0x37: {  	[smem:$0x3FB5] =	sst s10  }
0x38: {  	s10 =	sld [smem:$0x3FB6]  }
0x39: {  	_ = 	snop;
	(pc) =	sbr.ind lr, $3  }
0x3a: {  	_ = 	snop  }
0x3b: {  	_ = 	snop  }
0x3c: {  	p2 =	seq.s32 s10, $0x1;
	s10 =	sld [smem:$0x3FB5]  }
0x3d: {  	_ =	shalt  }
0x3e: {  	_ =	shalt  }
0x3f: {  	_ =	shalt  }
0x40: {  	_ =	shalt  }
0x41: {  	_ =	shalt  }
0x42: {  	_ =	shalt  }
0x43: {  	_ =	shalt  }
0x44: {  	_ =	shalt  }
0x45: {  	_ =	shalt  }
0x46: {  	_ =	shalt  }
0x47: {  	_ =	shalt  }
0x48: {  	_ =	shalt  }
0x49: {  	_ =	shalt  }
0x4a: {  	_ =	shalt  }
0x4b: {  	_ =	shalt  }
0x4c: {  	_ =	shalt  }
0x4d: {  	_ =	shalt  }
0x4e: {  	_ =	shalt  }
0x4f: {  	_ =	shalt  }
0x50: {  	_ =	shalt  }
0x51: {  	_ =	shalt  }
0x52: {  	_ =	shalt  }
0x53: {  	_ =	shalt  }
0x54: {  	_ =	shalt  }
0x55: {  	_ =	shalt  }
0x56: {  	_ =	shalt  }
0x57: {  	_ =	shalt  }
0x58: {  	_ =	shalt  }
0x59: {  	_ =	shalt  }
0x5a: {  	_ =	shalt  }
0x5b: {  	_ =	shalt  }
0x5c: {  	_ =	shalt  }
0x5d: {  	_ =	shalt  }
0x5e: {  	_ =	shalt  }
0x5f: {  	_ =	shalt  }
0x60: {  	_ =	shalt  }
0x61: {  	_ =	shalt  }
0x62: {  	_ =	shalt  }
0x63: {  	_ =	shalt  }
0x64: {  	_ =	shalt  }
0x65: {  	_ =	shalt  }
0x66: {  	_ =	shalt  }
0x67: {  	_ =	shalt  }
0x68: {  	_ =	shalt  }
0x69: {  	_ =	shalt  }
0x6a: {  	_ =	shalt  }
0x6b: {  	_ =	shalt  }
0x6c: {  	_ =	shalt  }
0x6d: {  	_ =	shalt  }
0x6e: {  	_ =	shalt  }
0x6f: {  	_ =	shalt  }
0x70: {  	_ =	shalt  }
0x71: {  	_ =	shalt  }
0x72: {  	_ =	shalt  }
0x73: {  	_ =	shalt  }
0x74: {  	_ =	shalt  }
0x75: {  	_ =	shalt  }
0x76: {  	_ =	shalt  }
0x77: {  	_ =	shalt  }
0x78: {  	_ =	shalt  }
0x79: {  	_ =	shalt  }
0x7a: {  	_ =	shalt  }
0x7b: {  	_ =	shalt  }
0x7c: {  	_ =	shalt  }
0x7d: {  	_ =	shalt  }
0x7e: {  	_ =	shalt  }
0x7f: {  	_ =	shalt  }
0x80: {  	_ =	shalt  }
0x81: {  	_ =	shalt  }
0x82: {  	_ =	shalt  }
0x83: {  	_ =	shalt  }
0x84: {  	_ =	shalt  }
0x85: {  	_ =	shalt  }
0x86: {  	_ =	shalt  }
0x87: {  	_ =	shalt  }
.Lfunc_end0:
.L_simem_size_0:
called_computation_lowered:
.L_overlay_start_0:
0x88: {  	s2 =	sld [smem:$0x3FD9]  }
0x89: {  	s3 =	sld [smem:$0x3FFE];
	_ =	sdelay $0x1  }
0x8a: {  	s1 =	srdreg.scid  }
0x8b: {  	s0 =	sand.u32 $0x1, s1  }
0x8c: {  	s17 =	sshll.u32 s0, $0xA;
	s2 =	sadd.s32 s3, s2  }
0x8d: {  	s2 =	sadd.s32 s2, s17  }
0x8e: {  	[smem:$0x3FC1] =	sst s2  }
0x8f: {  	_ = 	snop  }
0x90: {  	s2 =	sld [smem:$0x3FC9];
	(tm) =	ssettm $0x1  }
0x91: {  	s18 =	sld [smem:$0x3FFB];
	_ =	sdelay $0x3  }
0x92: {  	_ =	strace s18  }
0x93: {  	s3 =	sld [smem:$0x3FFC];
	_ =	sdelay $0x3  }
0x94: {  	_ =	strace s3  }
0x95: {  	s3 =	sld [smem:$0x3FFD];
	_ =	sdelay $0x3  }
0x96: {  	_ =	strace s3  }
0x97: {  	_ =	strace $0x8FFFFFFF  }
0x98: {  	s19 =	sld [smem:$0x3FDB];
	_ =	sdelay $0x1  }
0x99: {  	s4 =	simm.s32 $_scs_section_size  }
0x9a: {  	s5 =	simm.s32 $_size__tile_overlayer_lowered;
	s6 =	simm.s32 $_tile_overlayer_lowered  }
0x9b: {  	s22 =	simm.s32 $0x1BFF;
	s21 =	sshll.u32 s6, $0x1;
	s3 =	sadd.s32 s4, s19  }
0x9c: {  	s7 =	simm.s32 $0x0;
	s20 =	sshll.u32 s5, $0x1;
	s5 =	sadd.s32 s21, s3  }
0x9d: {  	[timem:s7], [sflag:s22] =	dma.local [hbm:s5], s20  }
0x9e: {  	_ =	swait.ge [sflag:s22], s20  }
0x9f: {  	s4 =	ssub.s32 $0x0, s20;
	[sflag:s22] =	ssyncset.done $0x0  }
0xa0: {  	[sflag:s22] =	ssyncadd.s32 s4;
	_ =	sdelay $0x1  }
0xa1: {  	s23 =	simm.s32 $0x1B8B  }
0xa2: {  	_ =	swait.ge [sflag:s23], $0x1  }
0xa3: {  	[sflag:s23] =	ssyncset.done $0x0  }
0xa4: {  	s25 =	simm.s32 $0x1B8E;
	s24 =	sld [smem:$0x3FFE];
	[sflag:s23] =	ssyncadd.s32 $0xFFFFFFFF  }
0xa5: {  	s26 =	simm.s32 $execute0_lowered;
	[smem:$0x3FD2] =	sst s25  }
0xa6: {  	s5 =	sshll.u32 s26, $0x1;
	_ =	strace $0x80000046;
	[dreg:$0x1] =	wrdreg $0xFFFFFFFF  }
0xa7: {  	s28 =	simm.s32 $_size_execute0_lowered;
	s3 =	sadd.s32 s3, s5;
	[dreg:$0x0] =	wrdreg $0x0  }
0xa8: {  	s5 =	sshll.u32 s28, $0x1;
	[dreg:$0x2] =	wrdreg s3  }
0xa9: {  	[dreg:$0x3] =	wrdreg s5  }
0xaa: {  	[dreg:$0x4] =	wrdreg $0xC0  }
0xab: {  	_ =	task [dreg:s7], $0x5FFFF  }
0xac: {  	[dreg:$0x1] =	wrdreg $0xFFFFFFFF  }
0xad: {  	[dreg:$0x0] =	wrdreg $0x60  }
0xae: {  	[dreg:$0x2] =	wrdreg s2  }
0xaf: {  	[dreg:$0x3] =	wrdreg s24  }
0xb0: {  	[dreg:$0x4] =	wrdreg $0x9  }
0xb1: {  	_ =	task.clear_ibuf [dreg:s7], $0x5FFFF;
	_ =	strace $0x90000046  }
0xb2: {  	s29 =	simm.s32 $0x9;
	_ =	strace $0x80000048  }
0xb3: {  	_ =	swait.ge [sflag:s29], $0x1  }
0xb4: {  	[sflag:s29] =	ssyncadd.s32 $0xFFFFFFFF  }
0xb5: {  	_ =	strace $0x90000048  }
0xb6: {  	_ =	sfence  }
0xb7: {  	s30 =	sld [smem:$0x0];
	_ =	sdelay $0x2  }
0xb8: {  	s31 =	sshll.u32 s1, $0xD;
	s1 =	sshrl.u32 s1, $0x2  }
0xb9: {  	s3 =	sand.u32 $0x4000, s31;
	s1 =	sadd.s32 s1, s30  }
0xba: {  	s0 =	sor.u32 s3, s0;
	s1 =	sshll.u32 s1, $0x11  }
0xbb: {  	s0 =	sor.u32 s1, s0  }
0xbc: {  	s0 =	sadd.s32 $0x8F2B, s0  }
0xbd: {  	[sflag:s0] =	ssyncadd.remote.s32 $0x1  }
0xbe: {  	_ =	sfence.sel $0xFFFF  }
0xbf: {  	[dreg:$0x0] =	wrdreg $0xFFFFFFFF;
	(pc) =	sbr.abs _section_cstart, $3  }
0xc0: {  	[dreg:$0x1] =	wrdreg $0xFFFFFFFF  }
0xc1: {  	_ =	task.clear_ibuf [dreg:s7], $0x2FFFF;
	_ =	strace $0x9FFFFFFF  }
0xc2: {  	(tm) =	ssettm $0x7FFFFFFF  }
0xc3: {  	_ =	shalt  }
tec
execute0_lowered:
.L_overlay_start_1:
0x0: {  	(tag) =	ssettag $0x1  }
0x1: {  	s5 =	rddreg [dreg:$0x0]  }
0x2: {  	s0 =	srdreg.scid;
	s6 =	rddreg [dreg:$0x1]  }
0x3: {  	s2 =	simm.s32 $0x0;
	s10 =	simm.s32 $0x1;
	s11 =	simm.s32 $0x4F00  }
0x4: {  	s12 =	simm.s32 $0x400;
	s13 =	simm.s32 $0x0;
	s3 =	sand.u32 $0x1, s0  }
0x5: {  	s0 =	stileid.u32;
	[smem:$0x7FF] =	sst s2;
	s1 =	sshll.u32 s3, $0x4  }
0x6: {  	s8 =	sshll.u32 s0, $0x7;
	s9 =	sshll.u32 s0, $0x1;
	s4 =	sor.u32 s0, s1  }
0x7: {  	s1 =	sshrl.u32 s4, $0x3;
	s29 =	sshll.u32 s4, $0x2;
	s4 =	smul.u32 $0x9C0, s4  }
0x8: {  	s3 =	ssub.s32 $0x2, s3;
	s8 =	sand.u32 $0x380, s8;
	s7 =	smul.u32 $0x14000, s1  }
0x9: {  	v14 =	vlaneseq.u32;
	v15 =	vimm.f32 $0.0e+00;
	v16 =	vimm.f32 $1.000000000e+00;
	s31 =	sshrl.u32 s3, $0x1;
	s1 =	rddreg [dreg:$0x2];
	_ =	strace $0x80000047  }
0xa: {  	v0 =	vor.u32 $0x2710, v14;
	v1 =	vor.u32 $0x2720, v14;
	v2 =	vor.u32 $0x2730, v14;
	s4 =	sadd.s32 s4, s5;
	s7 =	sor.u32 s8, s7;
	s8 =	sand.u32 $0x60, s29  }
0xb: {  	v3 =	vor.u32 $0x2740, v14;
	v4 =	vor.u32 $0x2750, v14;
	v5 =	vor.u32 $0x2760, v14;
	s7 =	sshrl.u32 s7, $0x3;
	s30 =	sor.u32 s9, s8;
	s8 =	ssub.s32 s3, s31  }
0xc: {  	v6 =	vor.u32 $0x2770, v14;
	v7 =	vor.u32 $0x2780, v14;
	v8 =	vor.u32 $0x2790, v14;
	s3 =	sadd.s32 $0x10, s4;
	s6 =	sadd.s32 s7, s6;
	s7 =	sor.u32 $0x13810, s30  }
0xd: {  	v9 =	vor.u32 $0x27A0, v14;
	v10 =	vor.u32 $0x27B0, v14;
	v11 =	vor.u32 $0x27C0, v14;
	s9 =	simm.s32 $0x2800;
	s4 =	sadd.s32 s5, s7;
	s5 =	sadd.s32 $0x2800, s6  }
0xe: {  	v12 =	vor.u32 $0x27D0, v14;
	v13 =	vor.u32 $0x27E0, v14;
	v14 =	vor.u32 $0x27F0, v14;
	s6 =	smax.u32 s8, $0x1;
	s7 =	simm.s32 $0x80;
	s8 =	simm.s32 $0x100  }
.LBB2_1:
0xf: {  	[tilespmem:s9], [sflag:$0x1] =	stream.strided.gather [hbm4b:s3+s7], $0x2700, s8, s7, $0x38;
	[tilespmem:$0x5000] =	vst v63  }
0x10: {  	_ =	swait.ge [sflag:s10], $0x2700  }
0x11: {  	[sflag:s10] =	ssyncset.done $0x0  }
0x12: {  	[sflag:s10] =	ssyncadd.s32 $0xFFFFD900  }
0x13: {  	[tilespmem:s11], [sflag:$0x1] =	stream.linear.gather [hbm4b:s4+s2], $0x10, $0x38;
	[tilespmem:$0x5000] =	vst v63  }
0x14: {  	_ =	swait.ge [sflag:s10], $0x10  }
0x15: {  	[sflag:s10] =	ssyncset.done $0x0  }
0x16: {  	[sflag:s10] =	ssyncadd.s32 $0xFFFFFFF0  }
0x17: {  	[tilespmem:$0x4F10] =	vst v0  }
0x18: {  	[tilespmem:$0x4F20] =	vst v1  }
0x19: {  	[tilespmem:$0x4F30] =	vst v2  }
0x1a: {  	[tilespmem:$0x4F40] =	vst v3  }
0x1b: {  	[tilespmem:$0x4F50] =	vst v4  }
0x1c: {  	[tilespmem:$0x4F60] =	vst v5  }
0x1d: {  	[tilespmem:$0x4F70] =	vst v6  }
0x1e: {  	[tilespmem:$0x4F80] =	vst v7  }
0x1f: {  	[tilespmem:$0x4F90] =	vst v8  }
0x20: {  	[tilespmem:$0x4FA0] =	vst v9  }
0x21: {  	[tilespmem:$0x4FB0] =	vst v10  }
0x22: {  	[tilespmem:$0x4FC0] =	vst v11  }
0x23: {  	[tilespmem:$0x4FD0] =	vst v12  }
0x24: {  	[tilespmem:$0x4FE0] =	vst v13  }
0x25: {  	s14 =	simm.s32 $0x0;
	[tilespmem:$0x4FF0] =	vst v14  }
.LBB2_2:
0x26: {  	p0 =	sne.s32 s14, $0x9F00  }
.Ltmp0:
0x27: {  	s15 =	sshra.s32 s14, $0x2;
	(pc) =	sbr.rel @p0 .LBB2_2-.Ltmp0, $4  }
0x28: {  	[tilespmem:s15+$0x0] =	vst v15  }
0x29: {  	[tilespmem:s15+$0x10] =	vst v15  }
0x2a: {  	[tilespmem:s15+$0x20] =	vst v15  }
0x2b: {  	s14 =	sadd.s32 $0x100, s14;
	[tilespmem:s15+$0x30] =	vst v15  }
0x2c: {  	s14 =	simm.s32 $0x0  }
.LBB2_4:
0x2d: {  	s15 =	sshra.s32 s14, $0x2  }
0x2e: {  	v17 =	vld [tilespmem:s15+$0x2800];
	_ =	sdelay $0x7  }
0x2f: {  	[tilespmem:v17+s2+$0x0] =	vst.idx.add.f32.msk $0xffff, v16  }
0x30: {  	v17 =	vld [tilespmem:s15+$0x2810];
	_ =	sdelay $0x7  }
0x31: {  	[tilespmem:v17+s2+$0x0] =	vst.idx.add.f32.msk $0xffff, v16  }
0x32: {  	v17 =	vld [tilespmem:s15+$0x2820];
	_ =	sdelay $0x7  }
0x33: {  	[tilespmem:v17+s2+$0x0] =	vst.idx.add.f32.msk $0xffff, v16  }
0x34: {  	v17 =	vld [tilespmem:s15+$0x2830];
	_ =	sdelay $0x2  }
0x35: {  	p0 =	sne.s32 s14, $0x9F00  }
.Ltmp1:
0x36: {  	_ = 	snop;
	(pc) =	sbr.rel @p0 .LBB2_4-.Ltmp1, $2  }
0x37: {  	_ =	sdelay $0x2  }
0x38: {  	s14 =	sadd.s32 $0x100, s14;
	[tilespmem:v17+s2+$0x0] =	vst.idx.add.f32.msk $0xffff, v16  }
0x39: {  	s13 =	sadd.s32 $0x1, s13  }
0x3a: {  	p0 =	sne.s32 s13, s6  }
.Ltmp2:
0x3b: {  	_ = 	snop;
	(pc) =	sbr.rel @p0 .LBB2_1-.Ltmp2, $4  }
0x3c: {  	[hbm4b:s5+s7] =	stream.strided.scatter [tilespmem:s2], [sflag:$0x1], $0x2800, s12, s7, $0x38;
	[tilespmem:$0x5000] =	vst v63  }
0x3d: {  	_ =	swait.ge [sflag:s10], $0x2800  }
0x3e: {  	[sflag:s10] =	ssyncset.done $0x0  }
0x3f: {  	[sflag:s10] =	ssyncadd.s32 $0xFFFFD800  }
0x40: {  	_ =	sfence.sel $0x180000  }
0x41: {  	[bflag:$0x0] =	sbarrier.arrive $0xFFFF  }
0x42: {  	p0 =	sne.s32 s0, $0x0;
	_ =	strace $0x90000047  }
0x43: {  	s0 =	sadd.s32 @!p0 $0x100000, s1;
	[bflag:$0x2] =	sbarrier.arrive $0xFFFF  }
0x44: {  	[sflag:s0] =	ssyncadd.tile.s32 @!p0 $0x1;
	_ =	shalt  }
.Lfunc_end2:
_tile_overlayer_lowered:
.L_overlay_start_2:
0x45: {  	(tag) =	ssettag $0x2  }
0x46: {  	s0 =	rddreg [dreg:$0x0];
	s2 =	stileid.u32  }
0x47: {  	s1 =	rddreg [dreg:$0x1];
	p0 =	sne.s32 s2, $0x0  }
0x48: {  	s3 =	rddreg [dreg:$0x2];
	[bflag:$0x3] =	sbarrier.arrive $0xFFFF;
	s2 =	simm.s32 @!p0 $0x1C01  }
0x49: {  	[timem:s3], [sflag:s2] =	dma.local @!p0 [hbm:s0], s1  }
0x4a: {  	s0 =	simm.s32 @!p0 $0x1  }
0x4b: {  	_ =	swait.ge @!p0 [sflag:s0], s1  }
0x4c: {  	s1 =	ssub.s32 @!p0 $0x0, s1;
	[sflag:s0] =	ssyncset.done @!p0 $0x0  }
0x4d: {  	[sflag:s0] =	ssyncadd.s32 @!p0 s1  }
0x4e: {  	[bflag:$0x3] =	sbarrier.arrive $0xFFFF  }
0x4f: {  	_ =	shalt  }

</sc_bundles>
